<compile_context>
chip_gen: v7x
topology: tpu7x:2x2x1
jax: 0.10.2.dev20260603
libtpu: 0.0.44.dev20260713+nightly
codegen_flags: <defaults>
</compile_context>

<pallas_src>
import functools

import jax
import jax.numpy as jnp
from jax import lax
from jax.experimental import pallas as pl
from jax.experimental.pallas import tpu as pltpu
from jax.experimental.pallas import tpu_sc as plsc

NC = 2
NS = 16
NW = NC * NS
K = 100
IW = 40
IBATCH = 20
NP = 10240
RCH = 80


def _make_seg_sum(Dt, E, nbuf):
  C = E // (NW * K)
  RPT = NP // NS
  assert C % IBATCH == 0 and IBATCH % nbuf == 0 and RPT % RCH == 0
  mesh = plsc.VectorSubcoreMesh(core_axis_name="c", subcore_axis_name="s",
                                num_cores=NC, num_subcores=NS)

  out_type = jax.ShapeDtypeStruct((2 * NP, Dt), jnp.float32)
  scratch = [
      pltpu.VMEM((IW, K), jnp.int32),
      pltpu.VMEM((IW, K), jnp.int32),
      pltpu.VMEM_SHARED((NP, Dt), jnp.float32),
      pltpu.SemaphoreType.DMA,
  ] + [pltpu.VMEM((K, Dt), jnp.float32) for _ in range(nbuf)] \
    + [pltpu.SemaphoreType.DMA for _ in range(nbuf)]

  def body(table_hbm, src_hbm, dst_hbm, out_hbm, sidx, didx, acc_sh, isem,
           *rest):
    rows = rest[:nbuf]
    sems = rest[nbuf:]
    cid = lax.axis_index("c")
    sid = lax.axis_index("s")
    wid = sid * NC + cid
    base = wid * C

    zrow = jnp.zeros((16,), jnp.float32)

    def zfill(r, _):
      for c in range(Dt // 16):
        rows[0][r, pl.ds(c * 16, 16)] = zrow
      return 0

    lax.fori_loop(0, RCH, zfill, 0, unroll=False)
    r0 = sid * RPT
    for i in range(RPT // RCH):
      pltpu.sync_copy(rows[0].at[pl.ds(0, RCH)],
                      acc_sh.at[pl.ds(r0 + i * RCH, RCH)])
    plsc.subcore_barrier()

    pltpu.sync_copy(src_hbm.at[pl.ds(base, IBATCH)], sidx.at[pl.ds(0, IBATCH)])
    pltpu.sync_copy(dst_hbm.at[pl.ds(base, IBATCH)], didx.at[pl.ds(0, IBATCH)])
    for b in range(nbuf):
      pltpu.async_copy(table_hbm.at[sidx.at[b]], rows[b], sems[b])

    def group(g, _):
      j0 = g * nbuf
      jn0 = j0 + nbuf

      @pl.when((jn0 % IBATCH == 0) & (jn0 > nbuf) & (jn0 < C))
      def _():
        pltpu.make_async_copy(src_hbm.at[pl.ds(base, IBATCH)],
                              sidx.at[pl.ds(0, IBATCH)], isem).wait()
        pltpu.make_async_copy(dst_hbm.at[pl.ds(base, IBATCH)],
                              didx.at[pl.ds(0, IBATCH)], isem).wait()

      @pl.when((jn0 % IBATCH == 4) & (jn0 + IBATCH - 4 < C))
      def _():
        jp = jn0 + IBATCH - 4
        off = jp % IW
        pltpu.async_copy(src_hbm.at[pl.ds(base + jp, IBATCH)],
                         sidx.at[pl.ds(off, IBATCH)], isem)
        pltpu.async_copy(dst_hbm.at[pl.ds(base + jp, IBATCH)],
                         didx.at[pl.ds(off, IBATCH)], isem)

      for b in range(nbuf):
        j = j0 + b
        pltpu.make_async_copy(table_hbm.at[sidx.at[j % IW]], rows[b],
                              sems[b]).wait()
        pltpu.sync_copy(rows[b], acc_sh.at[didx.at[j % IW]], add=True)

        @pl.when(j + nbuf < C)
        def _():
          pltpu.async_copy(table_hbm.at[sidx.at[(j + nbuf) % IW]], rows[b],
                           sems[b])
      return 0

    lax.fori_loop(0, C // nbuf, group, 0, unroll=False)
    plsc.subcore_barrier()

    for i in range(RPT // RCH):
      rr = r0 + i * RCH
      pltpu.sync_copy(acc_sh.at[pl.ds(rr, RCH)],
                      out_hbm.at[pl.ds(cid * NP + rr, RCH)])

  return pl.kernel(
      body, out_type=out_type, mesh=mesh, scratch_types=scratch,
      compiler_params=pltpu.CompilerParams(use_tc_tiling_on_sc=False))


def _tc_mid(acc0_ref, acc1_ref, x_ref, w1lt_ref, b1_ref, w1rt_ref, w2l_ref,
            w2r_ref, s_ref, t_ref, degc_ref):
  a0 = acc0_ref[...]
  a1 = acc1_ref[...]
  a = a0[:, :128] + a1[:, :128]
  d = jnp.maximum(a0[:, 128:129] + a1[:, 128:129], 1.0)
  aggr = a / d
  h1 = aggr @ w1lt_ref[...] + b1_ref[...] + x_ref[...] @ w1rt_ref[...]
  h1 = jnp.maximum(h1, 0.0)
  s = jnp.sum(h1 * w2l_ref[...], axis=1, keepdims=True)
  t = jnp.sum(h1 * w2r_ref[...], axis=1, keepdims=True)
  s_ref[...] = jnp.broadcast_to(s, s_ref.shape)
  t_ref[...] = jnp.broadcast_to(t, t_ref.shape)
  degc_ref[...] = jnp.broadcast_to(d, degc_ref.shape)


def _tc_final(acc0_ref, acc1_ref, degc_ref, t_ref, noise_ref, b2_ref, wm_ref,
              bm_ref, wv_ref, bv_ref, out_ref):
  aggs = (acc0_ref[:, 0:1] + acc1_ref[:, 0:1]) / degc_ref[:, 0:1]
  h2 = aggs + b2_ref[0, 0] + t_ref[:, 0:1]
  mu = h2 * wm_ref[0, 0] + bm_ref[0, 0]
  std = jnp.exp(h2 * wv_ref[0, 0] + bv_ref[0, 0])
  out_ref[...] = mu + noise_ref[...] * std


def kernel(x, edge_index, W1l, b1, W1r, W2l, b2, W2r, Wal, ba, War, wm, bm,
           wv, bv):
  N, D = x.shape
  E = edge_index.shape[1]
  src = edge_index[0].astype(jnp.int32).reshape(E // K, K)
  dst = edge_index[1].astype(jnp.int32).reshape(E // K, K)

  DA = D + 16
  xp = jnp.pad(x, ((0, NP - N), (0, 0)))
  xaug = jnp.concatenate(
      [xp, jnp.ones((NP, 1), jnp.float32), jnp.zeros((NP, 15), jnp.float32)],
      1)
  acc2 = _make_seg_sum(DA, E, 2)(xaug, src, dst)

  R = 2048
  OFF = NP // R
  grid = (NP // R,)
  s_pad, t_pad, degc = pl.pallas_call(
      _tc_mid,
      grid=grid,
      in_specs=[
          pl.BlockSpec((R, DA), lambda i: (i, 0)),
          pl.BlockSpec((R, DA), lambda i: (OFF + i, 0)),
          pl.BlockSpec((R, D), lambda i: (i, 0)),
          pl.BlockSpec((D, D), lambda i: (0, 0)),
          pl.BlockSpec((1, D), lambda i: (0, 0)),
          pl.BlockSpec((D, D), lambda i: (0, 0)),
          pl.BlockSpec((1, D), lambda i: (0, 0)),
          pl.BlockSpec((1, D), lambda i: (0, 0)),
      ],
      out_specs=[
          pl.BlockSpec((R, 16), lambda i: (i, 0)),
          pl.BlockSpec((R, 16), lambda i: (i, 0)),
          pl.BlockSpec((R, 16), lambda i: (i, 0)),
      ],
      out_shape=[
          jax.ShapeDtypeStruct((N, 16), jnp.float32),
          jax.ShapeDtypeStruct((N, 16), jnp.float32),
          jax.ShapeDtypeStruct((N, 16), jnp.float32),
      ],
  )(acc2, acc2, x, W1l.T, b1.reshape(1, D), W1r.T, W2l, W2r)

  accs2 = _make_seg_sum(16, E, 4)(s_pad, src, dst)

  noise = jax.random.normal(jax.random.key(42), (N, 1), jnp.float32)
  scal = lambda v: v.reshape(1, 1).astype(jnp.float32)
  out = pl.pallas_call(
      _tc_final,
      grid=grid,
      in_specs=[
          pl.BlockSpec((R, 16), lambda i: (i, 0)),
          pl.BlockSpec((R, 16), lambda i: (OFF + i, 0)),
          pl.BlockSpec((R, 16), lambda i: (i, 0)),
          pl.BlockSpec((R, 16), lambda i: (i, 0)),
          pl.BlockSpec((R, 1), lambda i: (i, 0)),
      ] + [pl.BlockSpec((1, 1), lambda i: (0, 0), memory_space=pltpu.SMEM)] * 5,
      out_specs=pl.BlockSpec((R, 1), lambda i: (i, 0)),
      out_shape=jax.ShapeDtypeStruct((N, 1), jnp.float32),
  )(accs2, accs2, degc, t_pad, noise, scal(b2), scal(wm), scal(bm),
    scal(wv), scal(bv))
  return out

# --- scband reference (transcript-rebuilt; emitter-appended) ---
"""Pipeline reference for scband-asgnn-1614907703644 (READ-ONLY COPY).

The authoritative reference and input builder live on the scoring server;
editing this copy changes nothing except your own understanding.
"""

import jax, jax.numpy as jnp
import numpy as np

N = 10000
E = 320000
D = 128
H = 128


def sage_conv(x, edge_index, Wl, bl, Wr):
    # PyG SAGEConv with mean aggregation:
    # out = lin_l(mean_{j in N(i)} x_j) + lin_r(x_i)
    src = edge_index[0]
    dst = edge_index[1]
    msgs = jnp.take(x, src, axis=0)
    summed = jax.ops.segment_sum(msgs, dst, num_segments=x.shape[0])
    cnt = jax.ops.segment_sum(jnp.ones((edge_index.shape[1],), x.dtype), dst, num_segments=x.shape[0])
    aggr = summed / jnp.clip(cnt, 1.0)[:, None]
    return aggr @ Wl.T + bl + x @ Wr.T


def setup_inputs(seed: int = 0):
    key = jax.random.key(seed)
    ks = jax.random.split(key, 16)
    x = jax.random.normal(ks[0], (N, D), jnp.float32)
    edge_index = jax.random.randint(ks[1], (2, E), 0, N).astype(jnp.int64)
    s1 = 1.0 / np.sqrt(D)
    s2 = 1.0 / np.sqrt(H)
    inp = {
        'x': x,
        'edge_index': edge_index,
        'W1l': jax.random.normal(ks[2], (H, D), jnp.float32) * s1,
        'b1': jnp.zeros((H,), jnp.float32),
        'W1r': jax.random.normal(ks[3], (H, D), jnp.float32) * s1,
        'W2l': jax.random.normal(ks[4], (1, H), jnp.float32) * s2,
        'b2': jnp.zeros((1,), jnp.float32),
        'W2r': jax.random.normal(ks[5], (1, H), jnp.float32) * s2,
        'Wal': jax.random.normal(ks[6], (1, 1), jnp.float32),
        'ba': jnp.zeros((1,), jnp.float32),
        'War': jax.random.normal(ks[7], (1, 1), jnp.float32),
        'wm': jax.random.normal(ks[8], (1, 1), jnp.float32),
        'bm': jnp.zeros((1,), jnp.float32),
        'wv': jax.random.normal(ks[9], (1, 1), jnp.float32) * 0.1,
        'bv': jnp.zeros((1,), jnp.float32),
    }
    return inp


def reference(x, edge_index, W1l, b1, W1r, W2l, b2, W2r, Wal, ba, War, wm, bm, wv, bv):
    h = jax.nn.relu(sage_conv(x, edge_index, W1l, b1, W1r))
    h = sage_conv(h, edge_index, W2l, b2, W2r)  # [N, 1]
    att = sage_conv(h, edge_index, Wal, ba, War)  # [N, 1]
    att = att / h.shape[1]
    att = jax.nn.softmax(att, axis=1)  # width-1 softmax -> ones, faithful to F.softmax default dim on 2D
    h = h * att
    m = h.mean(axis=1, keepdims=True)  # [N, 1]
    mu = m @ wm.T + bm
    logvar = m @ wv.T + bv
    std = jnp.exp(logvar)
    noise = jax.random.normal(jax.random.key(42), std.shape, std.dtype)
    return mu + noise * std

if __name__ == "__main__":
    import jax
    _d = setup_inputs()
    print(jax.jit(kernel)(*tuple(_d.values())))

</pallas_src>

<mosaic_0001>
#map = affine_map<(d0, d1) -> (0, 0)>
module attributes {stable_mosaic.version = 14 : i64} {
  func.func @body(%arg0: i32, %arg1: i32, %arg2: memref<10240x144xf32, #tpu.memory_space<hbm>>, %arg3: memref<3200x100xi32, #tpu.memory_space<hbm>>, %arg4: memref<3200x100xi32, #tpu.memory_space<hbm>>, %arg5: memref<20480x144xf32, #tpu.memory_space<hbm>>, %arg6: memref<40x100xi32, #tpu.memory_space<vmem>>, %arg7: memref<40x100xi32, #tpu.memory_space<vmem>>, %arg8: memref<10240x144xf32, #tpu.memory_space<vmem_shared>>, %arg9: memref<!tpu.dma_semaphore, #tpu.memory_space<semaphore_mem>>, %arg10: memref<100x144xf32, #tpu.memory_space<vmem>>, %arg11: memref<100x144xf32, #tpu.memory_space<vmem>>, %arg12: memref<!tpu.dma_semaphore, #tpu.memory_space<semaphore_mem>>, %arg13: memref<!tpu.dma_semaphore, #tpu.memory_space<semaphore_mem>>) attributes {dimension_semantics = [#tpu.dimension_semantics<core_parallel>, #tpu.dimension_semantics<subcore_parallel>], iteration_bounds = array<i64: 2, 16>, scalar_prefetch = 0 : i64, scratch_operands = 8 : i64, tpu.core_type = #tpu.core_type<sc_vector_subcore>, window_params = [{transform_indices = #map}, {transform_indices = #map}, {transform_indices = #map}, {transform_indices = #map}]} {
    %mul3A = arith.constant 2 : i32
    %mul3A_0 = arith.muli %arg1, %mul3A : i32
    %add3A = arith.addi %mul3A_0, %arg0 : i32
    %mul3A_1 = arith.constant 100 : i32
    %mul3A_2 = arith.muli %add3A, %mul3A_1 : i32
    %broadcast_in_dim3A = arith.constant 0.000000e+00 : f32
    %broadcast_in_dim3A_3 = vector.broadcast %broadcast_in_dim3A : f32 to vector<16xf32>
    %scan3A = arith.constant 0 : i32
    %scan3A_4 = arith.constant 0 : i32
    %scan3A_5 = arith.constant 80 : i32
    %scan3A_6 = arith.addi %scan3A_4, %scan3A_5 : i32
    %scan3A_7 = arith.constant 1 : i32
    %scan3A_8 = scf.for %scan3A_89 = %scan3A_4 to %scan3A_6 step %scan3A_7 iter_args(%scan3A_90 = %scan3A) -> (i32)  : i32 {
      %swap3A = arith.index_cast %scan3A_89 : i32 to index
      %swap3A_91 = arith.constant 0 : index
      %swap3A_92 = tpu.vector_load %arg10[%swap3A, %swap3A_91] {strides = array<i32>} : memref<100x144xf32, #tpu.memory_space<vmem>>, vector<1x16xf32>,
      %swap3A_93 = vector.shape_cast %swap3A_92 : vector<1x16xf32> to vector<16xf32>
      %swap3A_94 = vector.shape_cast %broadcast_in_dim3A_3 : vector<16xf32> to vector<1x16xf32>
      tpu.vector_store %arg10[%swap3A, %swap3A_91], %swap3A_94 {strides = array<i32>} : memref<100x144xf32, #tpu.memory_space<vmem>>, vector<1x16xf32>,
      %swap3A_95 = arith.index_cast %scan3A_89 : i32 to index
      %swap3A_96 = arith.constant 16 : index
      %swap3A_97 = tpu.vector_load %arg10[%swap3A_95, %swap3A_96] {strides = array<i32>} : memref<100x144xf32, #tpu.memory_space<vmem>>, vector<1x16xf32>,
      %swap3A_98 = vector.shape_cast %swap3A_97 : vector<1x16xf32> to vector<16xf32>
      %swap3A_99 = vector.shape_cast %broadcast_in_dim3A_3 : vector<16xf32> to vector<1x16xf32>
      tpu.vector_store %arg10[%swap3A_95, %swap3A_96], %swap3A_99 {strides = array<i32>} : memref<100x144xf32, #tpu.memory_space<vmem>>, vector<1x16xf32>,
      %swap3A_100 = arith.index_cast %scan3A_89 : i32 to index
      %swap3A_101 = arith.constant 32 : index
      %swap3A_102 = tpu.vector_load %arg10[%swap3A_100, %swap3A_101] {strides = array<i32>} : memref<100x144xf32, #tpu.memory_space<vmem>>, vector<1x16xf32>,
      %swap3A_103 = vector.shape_cast %swap3A_102 : vector<1x16xf32> to vector<16xf32>
      %swap3A_104 = vector.shape_cast %broadcast_in_dim3A_3 : vector<16xf32> to vector<1x16xf32>
      tpu.vector_store %arg10[%swap3A_100, %swap3A_101], %swap3A_104 {strides = array<i32>} : memref<100x144xf32, #tpu.memory_space<vmem>>, vector<1x16xf32>,
      %swap3A_105 = arith.index_cast %scan3A_89 : i32 to index
      %swap3A_106 = arith.constant 48 : index
      %swap3A_107 = tpu.vector_load %arg10[%swap3A_105, %swap3A_106] {strides = array<i32>} : memref<100x144xf32, #tpu.memory_space<vmem>>, vector<1x16xf32>,
      %swap3A_108 = vector.shape_cast %swap3A_107 : vector<1x16xf32> to vector<16xf32>
      %swap3A_109 = vector.shape_cast %broadcast_in_dim3A_3 : vector<16xf32> to vector<1x16xf32>
      tpu.vector_store %arg10[%swap3A_105, %swap3A_106], %swap3A_109 {strides = array<i32>} : memref<100x144xf32, #tpu.memory_space<vmem>>, vector<1x16xf32>,
      %swap3A_110 = arith.index_cast %scan3A_89 : i32 to index
      %swap3A_111 = arith.constant 64 : index
      %swap3A_112 = tpu.vector_load %arg10[%swap3A_110, %swap3A_111] {strides = array<i32>} : memref<100x144xf32, #tpu.memory_space<vmem>>, vector<1x16xf32>,
      %swap3A_113 = vector.shape_cast %swap3A_112 : vector<1x16xf32> to vector<16xf32>
      %swap3A_114 = vector.shape_cast %broadcast_in_dim3A_3 : vector<16xf32> to vector<1x16xf32>
      tpu.vector_store %arg10[%swap3A_110, %swap3A_111], %swap3A_114 {strides = array<i32>} : memref<100x144xf32, #tpu.memory_space<vmem>>, vector<1x16xf32>,
      %swap3A_115 = arith.index_cast %scan3A_89 : i32 to index
      %swap3A_116 = arith.constant 80 : index
      %swap3A_117 = tpu.vector_load %arg10[%swap3A_115, %swap3A_116] {strides = array<i32>} : memref<100x144xf32, #tpu.memory_space<vmem>>, vector<1x16xf32>,
      %swap3A_118 = vector.shape_cast %swap3A_117 : vector<1x16xf32> to vector<16xf32>
      %swap3A_119 = vector.shape_cast %broadcast_in_dim3A_3 : vector<16xf32> to vector<1x16xf32>
      tpu.vector_store %arg10[%swap3A_115, %swap3A_116], %swap3A_119 {strides = array<i32>} : memref<100x144xf32, #tpu.memory_space<vmem>>, vector<1x16xf32>,
      %swap3A_120 = arith.index_cast %scan3A_89 : i32 to index
      %swap3A_121 = arith.constant 96 : index
      %swap3A_122 = tpu.vector_load %arg10[%swap3A_120, %swap3A_121] {strides = array<i32>} : memref<100x144xf32, #tpu.memory_space<vmem>>, vector<1x16xf32>,
      %swap3A_123 = vector.shape_cast %swap3A_122 : vector<1x16xf32> to vector<16xf32>
      %swap3A_124 = vector.shape_cast %broadcast_in_dim3A_3 : vector<16xf32> to vector<1x16xf32>
      tpu.vector_store %arg10[%swap3A_120, %swap3A_121], %swap3A_124 {strides = array<i32>} : memref<100x144xf32, #tpu.memory_space<vmem>>, vector<1x16xf32>,
      %swap3A_125 = arith.index_cast %scan3A_89 : i32 to index
      %swap3A_126 = arith.constant 112 : index
      %swap3A_127 = tpu.vector_load %arg10[%swap3A_125, %swap3A_126] {strides = array<i32>} : memref<100x144xf32, #tpu.memory_space<vmem>>, vector<1x16xf32>,
      %swap3A_128 = vector.shape_cast %swap3A_127 : vector<1x16xf32> to vector<16xf32>
      %swap3A_129 = vector.shape_cast %broadcast_in_dim3A_3 : vector<16xf32> to vector<1x16xf32>
      tpu.vector_store %arg10[%swap3A_125, %swap3A_126], %swap3A_129 {strides = array<i32>} : memref<100x144xf32, #tpu.memory_space<vmem>>, vector<1x16xf32>,
      %swap3A_130 = arith.index_cast %scan3A_89 : i32 to index
      %swap3A_131 = arith.constant 128 : index
      %swap3A_132 = tpu.vector_load %arg10[%swap3A_130, %swap3A_131] {strides = array<i32>} : memref<100x144xf32, #tpu.memory_space<vmem>>, vector<1x16xf32>,
      %swap3A_133 = vector.shape_cast %swap3A_132 : vector<1x16xf32> to vector<16xf32>
      %swap3A_134 = vector.shape_cast %broadcast_in_dim3A_3 : vector<16xf32> to vector<1x16xf32>
      tpu.vector_store %arg10[%swap3A_130, %swap3A_131], %swap3A_134 {strides = array<i32>} : memref<100x144xf32, #tpu.memory_space<vmem>>, vector<1x16xf32>,
      %scan3A_135 = arith.constant 0 : i32
      scf.yield %scan3A_135 : i32
    }
    %scan3A_9 = arith.constant 80 : i32
    %mul3A_10 = arith.constant 640 : i32
    %mul3A_11 = arith.muli %arg1, %mul3A_10 : i32
    %add3A_12 = arith.constant 0 : i32
    %add3A_13 = arith.addi %mul3A_11, %add3A_12 : i32
    "tpu.region"() ({
      %run_scoped3A = tpu.sem_alloc : memref<!tpu.dma_semaphore, #tpu.memory_space<semaphore_mem>>
      %dma_start3A_89 = arith.constant 0 : i32
      %dma_start3A_90 = arith.constant 0 : i32
      %dma_start3A_91 = tpu.memref_slice %arg10[%dma_start3A_89, %dma_start3A_90] : memref<100x144xf32, #tpu.memory_space<vmem>> -> memref<80x144xf32, #tpu.memory_space<vmem>>
      %dma_start3A_92 = arith.constant 0 : i32
      %dma_start3A_93 = tpu.memref_slice %arg8[%add3A_13, %dma_start3A_92] : memref<10240x144xf32, #tpu.memory_space<vmem_shared>> -> memref<80x144xf32, #tpu.memory_space<vmem_shared>>
      %dma_start3A_94 = arith.constant 0 : i32
      %dma_start3A_95 = tpu.memref_slice %arg8[%add3A_13, %dma_start3A_94] : memref<10240x144xf32, #tpu.memory_space<vmem_shared>> -> memref<80x144xf32, #tpu.memory_space<vmem_shared>>
      %dma_start3A_96 = arith.constant 0 : i32
      %dma_start3A_97 = arith.constant 0 : i32
      %dma_start3A_98 = tpu.memref_slice %arg10[%dma_start3A_96, %dma_start3A_97] : memref<100x144xf32, #tpu.memory_space<vmem>> -> memref<80x144xf32, #tpu.memory_space<vmem>>
      tpu.enqueue_dma source(%dma_start3A_98 : memref<80x144xf32, #tpu.memory_space<vmem>>) target(%dma_start3A_95 : memref<80x144xf32, #tpu.memory_space<vmem_shared>>) target_semaphore(%run_scoped3A : memref<!tpu.dma_semaphore, #tpu.memory_space<semaphore_mem>>)
      %dma_wait3A = arith.constant 0 : i32
      %dma_wait3A_99 = arith.constant 0 : i32
      %dma_wait3A_100 = tpu.memref_slice %arg10[%dma_wait3A, %dma_wait3A_99] : memref<100x144xf32, #tpu.memory_space<vmem>> -> memref<80x144xf32, #tpu.memory_space<vmem>>
      %dma_wait3A_101 = arith.constant 0 : i32
      %dma_wait3A_102 = tpu.memref_slice %arg8[%add3A_13, %dma_wait3A_101] : memref<10240x144xf32, #tpu.memory_space<vmem_shared>> -> memref<80x144xf32, #tpu.memory_space<vmem_shared>>
      %dma_wait3A_103 = arith.constant 0 : i32
      %dma_wait3A_104 = tpu.memref_slice %arg8[%add3A_13, %dma_wait3A_103] : memref<10240x144xf32, #tpu.memory_space<vmem_shared>> -> memref<80x144xf32, #tpu.memory_space<vmem_shared>>
      %dma_wait3A_105 = arith.constant 0 : i32
      %dma_wait3A_106 = arith.constant 0 : i32
      %dma_wait3A_107 = tpu.memref_slice %arg10[%dma_wait3A_105, %dma_wait3A_106] : memref<100x144xf32, #tpu.memory_space<vmem>> -> memref<80x144xf32, #tpu.memory_space<vmem>>
      tpu.wait_dma2 semaphore(%run_scoped3A : memref<!tpu.dma_semaphore, #tpu.memory_space<semaphore_mem>>) src(%dma_wait3A_107 : memref<80x144xf32, #tpu.memory_space<vmem>>) dst(%dma_wait3A_104 : memref<80x144xf32, #tpu.memory_space<vmem_shared>>)
      tpu.yield
    }) : () -> ()
    %add3A_14 = arith.constant 80 : i32
    %add3A_15 = arith.addi %mul3A_11, %add3A_14 : i32
    "tpu.region"() ({
      %run_scoped3A = tpu.sem_alloc : memref<!tpu.dma_semaphore, #tpu.memory_space<semaphore_mem>>
      %dma_start3A_89 = arith.constant 0 : i32
      %dma_start3A_90 = arith.constant 0 : i32
      %dma_start3A_91 = tpu.memref_slice %arg10[%dma_start3A_89, %dma_start3A_90] : memref<100x144xf32, #tpu.memory_space<vmem>> -> memref<80x144xf32, #tpu.memory_space<vmem>>
      %dma_start3A_92 = arith.constant 0 : i32
      %dma_start3A_93 = tpu.memref_slice %arg8[%add3A_15, %dma_start3A_92] : memref<10240x144xf32, #tpu.memory_space<vmem_shared>> -> memref<80x144xf32, #tpu.memory_space<vmem_shared>>
      %dma_start3A_94 = arith.constant 0 : i32
      %dma_start3A_95 = tpu.memref_slice %arg8[%add3A_15, %dma_start3A_94] : memref<10240x144xf32, #tpu.memory_space<vmem_shared>> -> memref<80x144xf32, #tpu.memory_space<vmem_shared>>
      %dma_start3A_96 = arith.constant 0 : i32
      %dma_start3A_97 = arith.constant 0 : i32
      %dma_start3A_98 = tpu.memref_slice %arg10[%dma_start3A_96, %dma_start3A_97] : memref<100x144xf32, #tpu.memory_space<vmem>> -> memref<80x144xf32, #tpu.memory_space<vmem>>
      tpu.enqueue_dma source(%dma_start3A_98 : memref<80x144xf32, #tpu.memory_space<vmem>>) target(%dma_start3A_95 : memref<80x144xf32, #tpu.memory_space<vmem_shared>>) target_semaphore(%run_scoped3A : memref<!tpu.dma_semaphore, #tpu.memory_space<semaphore_mem>>)
      %dma_wait3A = arith.constant 0 : i32
      %dma_wait3A_99 = arith.constant 0 : i32
      %dma_wait3A_100 = tpu.memref_slice %arg10[%dma_wait3A, %dma_wait3A_99] : memref<100x144xf32, #tpu.memory_space<vmem>> -> memref<80x144xf32, #tpu.memory_space<vmem>>
      %dma_wait3A_101 = arith.constant 0 : i32
      %dma_wait3A_102 = tpu.memref_slice %arg8[%add3A_15, %dma_wait3A_101] : memref<10240x144xf32, #tpu.memory_space<vmem_shared>> -> memref<80x144xf32, #tpu.memory_space<vmem_shared>>
      %dma_wait3A_103 = arith.constant 0 : i32
      %dma_wait3A_104 = tpu.memref_slice %arg8[%add3A_15, %dma_wait3A_103] : memref<10240x144xf32, #tpu.memory_space<vmem_shared>> -> memref<80x144xf32, #tpu.memory_space<vmem_shared>>
      %dma_wait3A_105 = arith.constant 0 : i32
      %dma_wait3A_106 = arith.constant 0 : i32
      %dma_wait3A_107 = tpu.memref_slice %arg10[%dma_wait3A_105, %dma_wait3A_106] : memref<100x144xf32, #tpu.memory_space<vmem>> -> memref<80x144xf32, #tpu.memory_space<vmem>>
      tpu.wait_dma2 semaphore(%run_scoped3A : memref<!tpu.dma_semaphore, #tpu.memory_space<semaphore_mem>>) src(%dma_wait3A_107 : memref<80x144xf32, #tpu.memory_space<vmem>>) dst(%dma_wait3A_104 : memref<80x144xf32, #tpu.memory_space<vmem_shared>>)
      tpu.yield
    }) : () -> ()
    %add3A_16 = arith.constant 160 : i32
    %add3A_17 = arith.addi %mul3A_11, %add3A_16 : i32
    "tpu.region"() ({
      %run_scoped3A = tpu.sem_alloc : memref<!tpu.dma_semaphore, #tpu.memory_space<semaphore_mem>>
      %dma_start3A_89 = arith.constant 0 : i32
      %dma_start3A_90 = arith.constant 0 : i32
      %dma_start3A_91 = tpu.memref_slice %arg10[%dma_start3A_89, %dma_start3A_90] : memref<100x144xf32, #tpu.memory_space<vmem>> -> memref<80x144xf32, #tpu.memory_space<vmem>>
      %dma_start3A_92 = arith.constant 0 : i32
      %dma_start3A_93 = tpu.memref_slice %arg8[%add3A_17, %dma_start3A_92] : memref<10240x144xf32, #tpu.memory_space<vmem_shared>> -> memref<80x144xf32, #tpu.memory_space<vmem_shared>>
      %dma_start3A_94 = arith.constant 0 : i32
      %dma_start3A_95 = tpu.memref_slice %arg8[%add3A_17, %dma_start3A_94] : memref<10240x144xf32, #tpu.memory_space<vmem_shared>> -> memref<80x144xf32, #tpu.memory_space<vmem_shared>>
      %dma_start3A_96 = arith.constant 0 : i32
      %dma_start3A_97 = arith.constant 0 : i32
      %dma_start3A_98 = tpu.memref_slice %arg10[%dma_start3A_96, %dma_start3A_97] : memref<100x144xf32, #tpu.memory_space<vmem>> -> memref<80x144xf32, #tpu.memory_space<vmem>>
      tpu.enqueue_dma source(%dma_start3A_98 : memref<80x144xf32, #tpu.memory_space<vmem>>) target(%dma_start3A_95 : memref<80x144xf32, #tpu.memory_space<vmem_shared>>) target_semaphore(%run_scoped3A : memref<!tpu.dma_semaphore, #tpu.memory_space<semaphore_mem>>)
      %dma_wait3A = arith.constant 0 : i32
      %dma_wait3A_99 = arith.constant 0 : i32
      %dma_wait3A_100 = tpu.memref_slice %arg10[%dma_wait3A, %dma_wait3A_99] : memref<100x144xf32, #tpu.memory_space<vmem>> -> memref<80x144xf32, #tpu.memory_space<vmem>>
      %dma_wait3A_101 = arith.constant 0 : i32
      %dma_wait3A_102 = tpu.memref_slice %arg8[%add3A_17, %dma_wait3A_101] : memref<10240x144xf32, #tpu.memory_space<vmem_shared>> -> memref<80x144xf32, #tpu.memory_space<vmem_shared>>
      %dma_wait3A_103 = arith.constant 0 : i32
      %dma_wait3A_104 = tpu.memref_slice %arg8[%add3A_17, %dma_wait3A_103] : memref<10240x144xf32, #tpu.memory_space<vmem_shared>> -> memref<80x144xf32, #tpu.memory_space<vmem_shared>>
      %dma_wait3A_105 = arith.constant 0 : i32
      %dma_wait3A_106 = arith.constant 0 : i32
      %dma_wait3A_107 = tpu.memref_slice %arg10[%dma_wait3A_105, %dma_wait3A_106] : memref<100x144xf32, #tpu.memory_space<vmem>> -> memref<80x144xf32, #tpu.memory_space<vmem>>
      tpu.wait_dma2 semaphore(%run_scoped3A : memref<!tpu.dma_semaphore, #tpu.memory_space<semaphore_mem>>) src(%dma_wait3A_107 : memref<80x144xf32, #tpu.memory_space<vmem>>) dst(%dma_wait3A_104 : memref<80x144xf32, #tpu.memory_space<vmem_shared>>)
      tpu.yield
    }) : () -> ()
    %add3A_18 = arith.constant 240 : i32
    %add3A_19 = arith.addi %mul3A_11, %add3A_18 : i32
    "tpu.region"() ({
      %run_scoped3A = tpu.sem_alloc : memref<!tpu.dma_semaphore, #tpu.memory_space<semaphore_mem>>
      %dma_start3A_89 = arith.constant 0 : i32
      %dma_start3A_90 = arith.constant 0 : i32
      %dma_start3A_91 = tpu.memref_slice %arg10[%dma_start3A_89, %dma_start3A_90] : memref<100x144xf32, #tpu.memory_space<vmem>> -> memref<80x144xf32, #tpu.memory_space<vmem>>
      %dma_start3A_92 = arith.constant 0 : i32
      %dma_start3A_93 = tpu.memref_slice %arg8[%add3A_19, %dma_start3A_92] : memref<10240x144xf32, #tpu.memory_space<vmem_shared>> -> memref<80x144xf32, #tpu.memory_space<vmem_shared>>
      %dma_start3A_94 = arith.constant 0 : i32
      %dma_start3A_95 = tpu.memref_slice %arg8[%add3A_19, %dma_start3A_94] : memref<10240x144xf32, #tpu.memory_space<vmem_shared>> -> memref<80x144xf32, #tpu.memory_space<vmem_shared>>
      %dma_start3A_96 = arith.constant 0 : i32
      %dma_start3A_97 = arith.constant 0 : i32
      %dma_start3A_98 = tpu.memref_slice %arg10[%dma_start3A_96, %dma_start3A_97] : memref<100x144xf32, #tpu.memory_space<vmem>> -> memref<80x144xf32, #tpu.memory_space<vmem>>
      tpu.enqueue_dma source(%dma_start3A_98 : memref<80x144xf32, #tpu.memory_space<vmem>>) target(%dma_start3A_95 : memref<80x144xf32, #tpu.memory_space<vmem_shared>>) target_semaphore(%run_scoped3A : memref<!tpu.dma_semaphore, #tpu.memory_space<semaphore_mem>>)
      %dma_wait3A = arith.constant 0 : i32
      %dma_wait3A_99 = arith.constant 0 : i32
      %dma_wait3A_100 = tpu.memref_slice %arg10[%dma_wait3A, %dma_wait3A_99] : memref<100x144xf32, #tpu.memory_space<vmem>> -> memref<80x144xf32, #tpu.memory_space<vmem>>
      %dma_wait3A_101 = arith.constant 0 : i32
      %dma_wait3A_102 = tpu.memref_slice %arg8[%add3A_19, %dma_wait3A_101] : memref<10240x144xf32, #tpu.memory_space<vmem_shared>> -> memref<80x144xf32, #tpu.memory_space<vmem_shared>>
      %dma_wait3A_103 = arith.constant 0 : i32
      %dma_wait3A_104 = tpu.memref_slice %arg8[%add3A_19, %dma_wait3A_103] : memref<10240x144xf32, #tpu.memory_space<vmem_shared>> -> memref<80x144xf32, #tpu.memory_space<vmem_shared>>
      %dma_wait3A_105 = arith.constant 0 : i32
      %dma_wait3A_106 = arith.constant 0 : i32
      %dma_wait3A_107 = tpu.memref_slice %arg10[%dma_wait3A_105, %dma_wait3A_106] : memref<100x144xf32, #tpu.memory_space<vmem>> -> memref<80x144xf32, #tpu.memory_space<vmem>>
      tpu.wait_dma2 semaphore(%run_scoped3A : memref<!tpu.dma_semaphore, #tpu.memory_space<semaphore_mem>>) src(%dma_wait3A_107 : memref<80x144xf32, #tpu.memory_space<vmem>>) dst(%dma_wait3A_104 : memref<80x144xf32, #tpu.memory_space<vmem_shared>>)
      tpu.yield
    }) : () -> ()
    %add3A_20 = arith.constant 320 : i32
    %add3A_21 = arith.addi %mul3A_11, %add3A_20 : i32
    "tpu.region"() ({
      %run_scoped3A = tpu.sem_alloc : memref<!tpu.dma_semaphore, #tpu.memory_space<semaphore_mem>>
      %dma_start3A_89 = arith.constant 0 : i32
      %dma_start3A_90 = arith.constant 0 : i32
      %dma_start3A_91 = tpu.memref_slice %arg10[%dma_start3A_89, %dma_start3A_90] : memref<100x144xf32, #tpu.memory_space<vmem>> -> memref<80x144xf32, #tpu.memory_space<vmem>>
      %dma_start3A_92 = arith.constant 0 : i32
      %dma_start3A_93 = tpu.memref_slice %arg8[%add3A_21, %dma_start3A_92] : memref<10240x144xf32, #tpu.memory_space<vmem_shared>> -> memref<80x144xf32, #tpu.memory_space<vmem_shared>>
      %dma_start3A_94 = arith.constant 0 : i32
      %dma_start3A_95 = tpu.memref_slice %arg8[%add3A_21, %dma_start3A_94] : memref<10240x144xf32, #tpu.memory_space<vmem_shared>> -> memref<80x144xf32, #tpu.memory_space<vmem_shared>>
      %dma_start3A_96 = arith.constant 0 : i32
      %dma_start3A_97 = arith.constant 0 : i32
      %dma_start3A_98 = tpu.memref_slice %arg10[%dma_start3A_96, %dma_start3A_97] : memref<100x144xf32, #tpu.memory_space<vmem>> -> memref<80x144xf32, #tpu.memory_space<vmem>>
      tpu.enqueue_dma source(%dma_start3A_98 : memref<80x144xf32, #tpu.memory_space<vmem>>) target(%dma_start3A_95 : memref<80x144xf32, #tpu.memory_space<vmem_shared>>) target_semaphore(%run_scoped3A : memref<!tpu.dma_semaphore, #tpu.memory_space<semaphore_mem>>)
      %dma_wait3A = arith.constant 0 : i32
      %dma_wait3A_99 = arith.constant 0 : i32
      %dma_wait3A_100 = tpu.memref_slice %arg10[%dma_wait3A, %dma_wait3A_99] : memref<100x144xf32, #tpu.memory_space<vmem>> -> memref<80x144xf32, #tpu.memory_space<vmem>>
      %dma_wait3A_101 = arith.constant 0 : i32
      %dma_wait3A_102 = tpu.memref_slice %arg8[%add3A_21, %dma_wait3A_101] : memref<10240x144xf32, #tpu.memory_space<vmem_shared>> -> memref<80x144xf32, #tpu.memory_space<vmem_shared>>
      %dma_wait3A_103 = arith.constant 0 : i32
      %dma_wait3A_104 = tpu.memref_slice %arg8[%add3A_21, %dma_wait3A_103] : memref<10240x144xf32, #tpu.memory_space<vmem_shared>> -> memref<80x144xf32, #tpu.memory_space<vmem_shared>>
      %dma_wait3A_105 = arith.constant 0 : i32
      %dma_wait3A_106 = arith.constant 0 : i32
      %dma_wait3A_107 = tpu.memref_slice %arg10[%dma_wait3A_105, %dma_wait3A_106] : memref<100x144xf32, #tpu.memory_space<vmem>> -> memref<80x144xf32, #tpu.memory_space<vmem>>
      tpu.wait_dma2 semaphore(%run_scoped3A : memref<!tpu.dma_semaphore, #tpu.memory_space<semaphore_mem>>) src(%dma_wait3A_107 : memref<80x144xf32, #tpu.memory_space<vmem>>) dst(%dma_wait3A_104 : memref<80x144xf32, #tpu.memory_space<vmem_shared>>)
      tpu.yield
    }) : () -> ()
    %add3A_22 = arith.constant 400 : i32
    %add3A_23 = arith.addi %mul3A_11, %add3A_22 : i32
    "tpu.region"() ({
      %run_scoped3A = tpu.sem_alloc : memref<!tpu.dma_semaphore, #tpu.memory_space<semaphore_mem>>
      %dma_start3A_89 = arith.constant 0 : i32
      %dma_start3A_90 = arith.constant 0 : i32
      %dma_start3A_91 = tpu.memref_slice %arg10[%dma_start3A_89, %dma_start3A_90] : memref<100x144xf32, #tpu.memory_space<vmem>> -> memref<80x144xf32, #tpu.memory_space<vmem>>
      %dma_start3A_92 = arith.constant 0 : i32
      %dma_start3A_93 = tpu.memref_slice %arg8[%add3A_23, %dma_start3A_92] : memref<10240x144xf32, #tpu.memory_space<vmem_shared>> -> memref<80x144xf32, #tpu.memory_space<vmem_shared>>
      %dma_start3A_94 = arith.constant 0 : i32
      %dma_start3A_95 = tpu.memref_slice %arg8[%add3A_23, %dma_start3A_94] : memref<10240x144xf32, #tpu.memory_space<vmem_shared>> -> memref<80x144xf32, #tpu.memory_space<vmem_shared>>
      %dma_start3A_96 = arith.constant 0 : i32
      %dma_start3A_97 = arith.constant 0 : i32
      %dma_start3A_98 = tpu.memref_slice %arg10[%dma_start3A_96, %dma_start3A_97] : memref<100x144xf32, #tpu.memory_space<vmem>> -> memref<80x144xf32, #tpu.memory_space<vmem>>
      tpu.enqueue_dma source(%dma_start3A_98 : memref<80x144xf32, #tpu.memory_space<vmem>>) target(%dma_start3A_95 : memref<80x144xf32, #tpu.memory_space<vmem_shared>>) target_semaphore(%run_scoped3A : memref<!tpu.dma_semaphore, #tpu.memory_space<semaphore_mem>>)
      %dma_wait3A = arith.constant 0 : i32
      %dma_wait3A_99 = arith.constant 0 : i32
      %dma_wait3A_100 = tpu.memref_slice %arg10[%dma_wait3A, %dma_wait3A_99] : memref<100x144xf32, #tpu.memory_space<vmem>> -> memref<80x144xf32, #tpu.memory_space<vmem>>
      %dma_wait3A_101 = arith.constant 0 : i32
      %dma_wait3A_102 = tpu.memref_slice %arg8[%add3A_23, %dma_wait3A_101] : memref<10240x144xf32, #tpu.memory_space<vmem_shared>> -> memref<80x144xf32, #tpu.memory_space<vmem_shared>>
      %dma_wait3A_103 = arith.constant 0 : i32
      %dma_wait3A_104 = tpu.memref_slice %arg8[%add3A_23, %dma_wait3A_103] : memref<10240x144xf32, #tpu.memory_space<vmem_shared>> -> memref<80x144xf32, #tpu.memory_space<vmem_shared>>
      %dma_wait3A_105 = arith.constant 0 : i32
      %dma_wait3A_106 = arith.constant 0 : i32
      %dma_wait3A_107 = tpu.memref_slice %arg10[%dma_wait3A_105, %dma_wait3A_106] : memref<100x144xf32, #tpu.memory_space<vmem>> -> memref<80x144xf32, #tpu.memory_space<vmem>>
      tpu.wait_dma2 semaphore(%run_scoped3A : memref<!tpu.dma_semaphore, #tpu.memory_space<semaphore_mem>>) src(%dma_wait3A_107 : memref<80x144xf32, #tpu.memory_space<vmem>>) dst(%dma_wait3A_104 : memref<80x144xf32, #tpu.memory_space<vmem_shared>>)
      tpu.yield
    }) : () -> ()
    %add3A_24 = arith.constant 480 : i32
    %add3A_25 = arith.addi %mul3A_11, %add3A_24 : i32
    "tpu.region"() ({
      %run_scoped3A = tpu.sem_alloc : memref<!tpu.dma_semaphore, #tpu.memory_space<semaphore_mem>>
      %dma_start3A_89 = arith.constant 0 : i32
      %dma_start3A_90 = arith.constant 0 : i32
      %dma_start3A_91 = tpu.memref_slice %arg10[%dma_start3A_89, %dma_start3A_90] : memref<100x144xf32, #tpu.memory_space<vmem>> -> memref<80x144xf32, #tpu.memory_space<vmem>>
      %dma_start3A_92 = arith.constant 0 : i32
      %dma_start3A_93 = tpu.memref_slice %arg8[%add3A_25, %dma_start3A_92] : memref<10240x144xf32, #tpu.memory_space<vmem_shared>> -> memref<80x144xf32, #tpu.memory_space<vmem_shared>>
      %dma_start3A_94 = arith.constant 0 : i32
      %dma_start3A_95 = tpu.memref_slice %arg8[%add3A_25, %dma_start3A_94] : memref<10240x144xf32, #tpu.memory_space<vmem_shared>> -> memref<80x144xf32, #tpu.memory_space<vmem_shared>>
      %dma_start3A_96 = arith.constant 0 : i32
      %dma_start3A_97 = arith.constant 0 : i32
      %dma_start3A_98 = tpu.memref_slice %arg10[%dma_start3A_96, %dma_start3A_97] : memref<100x144xf32, #tpu.memory_space<vmem>> -> memref<80x144xf32, #tpu.memory_space<vmem>>
      tpu.enqueue_dma source(%dma_start3A_98 : memref<80x144xf32, #tpu.memory_space<vmem>>) target(%dma_start3A_95 : memref<80x144xf32, #tpu.memory_space<vmem_shared>>) target_semaphore(%run_scoped3A : memref<!tpu.dma_semaphore, #tpu.memory_space<semaphore_mem>>)
      %dma_wait3A = arith.constant 0 : i32
      %dma_wait3A_99 = arith.constant 0 : i32
      %dma_wait3A_100 = tpu.memref_slice %arg10[%dma_wait3A, %dma_wait3A_99] : memref<100x144xf32, #tpu.memory_space<vmem>> -> memref<80x144xf32, #tpu.memory_space<vmem>>
      %dma_wait3A_101 = arith.constant 0 : i32
      %dma_wait3A_102 = tpu.memref_slice %arg8[%add3A_25, %dma_wait3A_101] : memref<10240x144xf32, #tpu.memory_space<vmem_shared>> -> memref<80x144xf32, #tpu.memory_space<vmem_shared>>
      %dma_wait3A_103 = arith.constant 0 : i32
      %dma_wait3A_104 = tpu.memref_slice %arg8[%add3A_25, %dma_wait3A_103] : memref<10240x144xf32, #tpu.memory_space<vmem_shared>> -> memref<80x144xf32, #tpu.memory_space<vmem_shared>>
      %dma_wait3A_105 = arith.constant 0 : i32
      %dma_wait3A_106 = arith.constant 0 : i32
      %dma_wait3A_107 = tpu.memref_slice %arg10[%dma_wait3A_105, %dma_wait3A_106] : memref<100x144xf32, #tpu.memory_space<vmem>> -> memref<80x144xf32, #tpu.memory_space<vmem>>
      tpu.wait_dma2 semaphore(%run_scoped3A : memref<!tpu.dma_semaphore, #tpu.memory_space<semaphore_mem>>) src(%dma_wait3A_107 : memref<80x144xf32, #tpu.memory_space<vmem>>) dst(%dma_wait3A_104 : memref<80x144xf32, #tpu.memory_space<vmem_shared>>)
      tpu.yield
    }) : () -> ()
    %add3A_26 = arith.constant 560 : i32
    %add3A_27 = arith.addi %mul3A_11, %add3A_26 : i32
    "tpu.region"() ({
      %run_scoped3A = tpu.sem_alloc : memref<!tpu.dma_semaphore, #tpu.memory_space<semaphore_mem>>
      %dma_start3A_89 = arith.constant 0 : i32
      %dma_start3A_90 = arith.constant 0 : i32
      %dma_start3A_91 = tpu.memref_slice %arg10[%dma_start3A_89, %dma_start3A_90] : memref<100x144xf32, #tpu.memory_space<vmem>> -> memref<80x144xf32, #tpu.memory_space<vmem>>
      %dma_start3A_92 = arith.constant 0 : i32
      %dma_start3A_93 = tpu.memref_slice %arg8[%add3A_27, %dma_start3A_92] : memref<10240x144xf32, #tpu.memory_space<vmem_shared>> -> memref<80x144xf32, #tpu.memory_space<vmem_shared>>
      %dma_start3A_94 = arith.constant 0 : i32
      %dma_start3A_95 = tpu.memref_slice %arg8[%add3A_27, %dma_start3A_94] : memref<10240x144xf32, #tpu.memory_space<vmem_shared>> -> memref<80x144xf32, #tpu.memory_space<vmem_shared>>
      %dma_start3A_96 = arith.constant 0 : i32
      %dma_start3A_97 = arith.constant 0 : i32
      %dma_start3A_98 = tpu.memref_slice %arg10[%dma_start3A_96, %dma_start3A_97] : memref<100x144xf32, #tpu.memory_space<vmem>> -> memref<80x144xf32, #tpu.memory_space<vmem>>
      tpu.enqueue_dma source(%dma_start3A_98 : memref<80x144xf32, #tpu.memory_space<vmem>>) target(%dma_start3A_95 : memref<80x144xf32, #tpu.memory_space<vmem_shared>>) target_semaphore(%run_scoped3A : memref<!tpu.dma_semaphore, #tpu.memory_space<semaphore_mem>>)
      %dma_wait3A = arith.constant 0 : i32
      %dma_wait3A_99 = arith.constant 0 : i32
      %dma_wait3A_100 = tpu.memref_slice %arg10[%dma_wait3A, %dma_wait3A_99] : memref<100x144xf32, #tpu.memory_space<vmem>> -> memref<80x144xf32, #tpu.memory_space<vmem>>
      %dma_wait3A_101 = arith.constant 0 : i32
      %dma_wait3A_102 = tpu.memref_slice %arg8[%add3A_27, %dma_wait3A_101] : memref<10240x144xf32, #tpu.memory_space<vmem_shared>> -> memref<80x144xf32, #tpu.memory_space<vmem_shared>>
      %dma_wait3A_103 = arith.constant 0 : i32
      %dma_wait3A_104 = tpu.memref_slice %arg8[%add3A_27, %dma_wait3A_103] : memref<10240x144xf32, #tpu.memory_space<vmem_shared>> -> memref<80x144xf32, #tpu.memory_space<vmem_shared>>
      %dma_wait3A_105 = arith.constant 0 : i32
      %dma_wait3A_106 = arith.constant 0 : i32
      %dma_wait3A_107 = tpu.memref_slice %arg10[%dma_wait3A_105, %dma_wait3A_106] : memref<100x144xf32, #tpu.memory_space<vmem>> -> memref<80x144xf32, #tpu.memory_space<vmem>>
      tpu.wait_dma2 semaphore(%run_scoped3A : memref<!tpu.dma_semaphore, #tpu.memory_space<semaphore_mem>>) src(%dma_wait3A_107 : memref<80x144xf32, #tpu.memory_space<vmem>>) dst(%dma_wait3A_104 : memref<80x144xf32, #tpu.memory_space<vmem_shared>>)
      tpu.yield
    }) : () -> ()
    %barrier3A = arith.constant 0 : index
    tpu.barrier barrier_id(%barrier3A)
    "tpu.region"() ({
      %run_scoped3A = tpu.sem_alloc : memref<!tpu.dma_semaphore, #tpu.memory_space<semaphore_mem>>
      %dma_start3A_89 = arith.constant 0 : i32
      %dma_start3A_90 = arith.constant 0 : i32
      %dma_start3A_91 = tpu.memref_slice %arg6[%dma_start3A_89, %dma_start3A_90] : memref<40x100xi32, #tpu.memory_space<vmem>> -> memref<20x100xi32, #tpu.memory_space<vmem>>
      %dma_start3A_92 = arith.constant 0 : i32
      %dma_start3A_93 = tpu.memref_slice %arg3[%mul3A_2, %dma_start3A_92] : memref<3200x100xi32, #tpu.memory_space<hbm>> -> memref<20x100xi32, #tpu.memory_space<hbm>>
      %dma_start3A_94 = arith.constant 0 : i32
      %dma_start3A_95 = arith.constant 0 : i32
      %dma_start3A_96 = tpu.memref_slice %arg6[%dma_start3A_94, %dma_start3A_95] : memref<40x100xi32, #tpu.memory_space<vmem>> -> memref<20x100xi32, #tpu.memory_space<vmem>>
      %dma_start3A_97 = arith.constant 0 : i32
      %dma_start3A_98 = tpu.memref_slice %arg3[%mul3A_2, %dma_start3A_97] : memref<3200x100xi32, #tpu.memory_space<hbm>> -> memref<20x100xi32, #tpu.memory_space<hbm>>
      tpu.enqueue_dma source(%dma_start3A_98 : memref<20x100xi32, #tpu.memory_space<hbm>>) target(%dma_start3A_96 : memref<20x100xi32, #tpu.memory_space<vmem>>) target_semaphore(%run_scoped3A : memref<!tpu.dma_semaphore, #tpu.memory_space<semaphore_mem>>)
      %dma_wait3A = arith.constant 0 : i32
      %dma_wait3A_99 = arith.constant 0 : i32
      %dma_wait3A_100 = tpu.memref_slice %arg6[%dma_wait3A, %dma_wait3A_99] : memref<40x100xi32, #tpu.memory_space<vmem>> -> memref<20x100xi32, #tpu.memory_space<vmem>>
      %dma_wait3A_101 = arith.constant 0 : i32
      %dma_wait3A_102 = tpu.memref_slice %arg3[%mul3A_2, %dma_wait3A_101] : memref<3200x100xi32, #tpu.memory_space<hbm>> -> memref<20x100xi32, #tpu.memory_space<hbm>>
      %dma_wait3A_103 = arith.constant 0 : i32
      %dma_wait3A_104 = arith.constant 0 : i32
      %dma_wait3A_105 = tpu.memref_slice %arg6[%dma_wait3A_103, %dma_wait3A_104] : memref<40x100xi32, #tpu.memory_space<vmem>> -> memref<20x100xi32, #tpu.memory_space<vmem>>
      %dma_wait3A_106 = arith.constant 0 : i32
      %dma_wait3A_107 = tpu.memref_slice %arg3[%mul3A_2, %dma_wait3A_106] : memref<3200x100xi32, #tpu.memory_space<hbm>> -> memref<20x100xi32, #tpu.memory_space<hbm>>
      tpu.wait_dma2 semaphore(%run_scoped3A : memref<!tpu.dma_semaphore, #tpu.memory_space<semaphore_mem>>) src(%dma_wait3A_107 : memref<20x100xi32, #tpu.memory_space<hbm>>) dst(%dma_wait3A_105 : memref<20x100xi32, #tpu.memory_space<vmem>>)
      tpu.yield
    }) : () -> ()
    "tpu.region"() ({
      %run_scoped3A = tpu.sem_alloc : memref<!tpu.dma_semaphore, #tpu.memory_space<semaphore_mem>>
      %dma_start3A_89 = arith.constant 0 : i32
      %dma_start3A_90 = arith.constant 0 : i32
      %dma_start3A_91 = tpu.memref_slice %arg7[%dma_start3A_89, %dma_start3A_90] : memref<40x100xi32, #tpu.memory_space<vmem>> -> memref<20x100xi32, #tpu.memory_space<vmem>>
      %dma_start3A_92 = arith.constant 0 : i32
      %dma_start3A_93 = tpu.memref_slice %arg4[%mul3A_2, %dma_start3A_92] : memref<3200x100xi32, #tpu.memory_space<hbm>> -> memref<20x100xi32, #tpu.memory_space<hbm>>
      %dma_start3A_94 = arith.constant 0 : i32
      %dma_start3A_95 = arith.constant 0 : i32
      %dma_start3A_96 = tpu.memref_slice %arg7[%dma_start3A_94, %dma_start3A_95] : memref<40x100xi32, #tpu.memory_space<vmem>> -> memref<20x100xi32, #tpu.memory_space<vmem>>
      %dma_start3A_97 = arith.constant 0 : i32
      %dma_start3A_98 = tpu.memref_slice %arg4[%mul3A_2, %dma_start3A_97] : memref<3200x100xi32, #tpu.memory_space<hbm>> -> memref<20x100xi32, #tpu.memory_space<hbm>>
      tpu.enqueue_dma source(%dma_start3A_98 : memref<20x100xi32, #tpu.memory_space<hbm>>) target(%dma_start3A_96 : memref<20x100xi32, #tpu.memory_space<vmem>>) target_semaphore(%run_scoped3A : memref<!tpu.dma_semaphore, #tpu.memory_space<semaphore_mem>>)
      %dma_wait3A = arith.constant 0 : i32
      %dma_wait3A_99 = arith.constant 0 : i32
      %dma_wait3A_100 = tpu.memref_slice %arg7[%dma_wait3A, %dma_wait3A_99] : memref<40x100xi32, #tpu.memory_space<vmem>> -> memref<20x100xi32, #tpu.memory_space<vmem>>
      %dma_wait3A_101 = arith.constant 0 : i32
      %dma_wait3A_102 = tpu.memref_slice %arg4[%mul3A_2, %dma_wait3A_101] : memref<3200x100xi32, #tpu.memory_space<hbm>> -> memref<20x100xi32, #tpu.memory_space<hbm>>
      %dma_wait3A_103 = arith.constant 0 : i32
      %dma_wait3A_104 = arith.constant 0 : i32
      %dma_wait3A_105 = tpu.memref_slice %arg7[%dma_wait3A_103, %dma_wait3A_104] : memref<40x100xi32, #tpu.memory_space<vmem>> -> memref<20x100xi32, #tpu.memory_space<vmem>>
      %dma_wait3A_106 = arith.constant 0 : i32
      %dma_wait3A_107 = tpu.memref_slice %arg4[%mul3A_2, %dma_wait3A_106] : memref<3200x100xi32, #tpu.memory_space<hbm>> -> memref<20x100xi32, #tpu.memory_space<hbm>>
      tpu.wait_dma2 semaphore(%run_scoped3A : memref<!tpu.dma_semaphore, #tpu.memory_space<semaphore_mem>>) src(%dma_wait3A_107 : memref<20x100xi32, #tpu.memory_space<hbm>>) dst(%dma_wait3A_105 : memref<20x100xi32, #tpu.memory_space<vmem>>)
      tpu.yield
    }) : () -> ()
    %dma_start3A = arith.constant 0 : i32
    %dma_start3A_28 = arith.constant 0 : i32
    %dma_start3A_29 = tpu.memref_slice %arg6[%dma_start3A, %dma_start3A_28] : memref<40x100xi32, #tpu.memory_space<vmem>> -> memref<1x100xi32, #tpu.memory_space<vmem>>
    %dma_start3A_30 = tpu.memref_squeeze %dma_start3A_29 : memref<1x100xi32, #tpu.memory_space<vmem>> -> memref<100xi32, #tpu.memory_space<vmem>>
    %dma_start3A_31 = arith.constant 0 : i32
    %dma_start3A_32 = arith.constant 0 : i32
    %dma_start3A_33 = tpu.memref_slice %arg2[%dma_start3A_31, %dma_start3A_32] : memref<10240x144xf32, #tpu.memory_space<hbm>> -> memref<10240x144xf32, #tpu.memory_space<hbm>>
    tpu.enqueue_indirect_dma source(%dma_start3A_33 : memref<10240x144xf32, #tpu.memory_space<hbm>>) target(%arg10 : memref<100x144xf32, #tpu.memory_space<vmem>>) offsets(%dma_start3A_30 : memref<100xi32, #tpu.memory_space<vmem>>) semaphore(%arg12 : memref<!tpu.dma_semaphore, #tpu.memory_space<semaphore_mem>>)
    %dma_start3A_34 = arith.constant 1 : i32
    %dma_start3A_35 = arith.constant 0 : i32
    %dma_start3A_36 = tpu.memref_slice %arg6[%dma_start3A_34, %dma_start3A_35] : memref<40x100xi32, #tpu.memory_space<vmem>> -> memref<1x100xi32, #tpu.memory_space<vmem>>
    %dma_start3A_37 = tpu.memref_squeeze %dma_start3A_36 : memref<1x100xi32, #tpu.memory_space<vmem>> -> memref<100xi32, #tpu.memory_space<vmem>>
    %dma_start3A_38 = arith.constant 0 : i32
    %dma_start3A_39 = arith.constant 0 : i32
    %dma_start3A_40 = tpu.memref_slice %arg2[%dma_start3A_38, %dma_start3A_39] : memref<10240x144xf32, #tpu.memory_space<hbm>> -> memref<10240x144xf32, #tpu.memory_space<hbm>>
    tpu.enqueue_indirect_dma source(%dma_start3A_40 : memref<10240x144xf32, #tpu.memory_space<hbm>>) target(%arg11 : memref<100x144xf32, #tpu.memory_space<vmem>>) offsets(%dma_start3A_37 : memref<100xi32, #tpu.memory_space<vmem>>) semaphore(%arg13 : memref<!tpu.dma_semaphore, #tpu.memory_space<semaphore_mem>>)
    %scan3A_41 = arith.constant 0 : i32
    %scan3A_42 = arith.constant 0 : i32
    %scan3A_43 = arith.constant 50 : i32
    %scan3A_44 = arith.addi %scan3A_42, %scan3A_43 : i32
    %scan3A_45 = arith.constant 1 : i32
    %scan3A_46 = scf.for %scan3A_89 = %scan3A_42 to %scan3A_44 step %scan3A_45 iter_args(%scan3A_90 = %scan3A_41) -> (i32)  : i32 {
      %mul3A_91 = arith.constant 2 : i32
      %mul3A_92 = arith.muli %scan3A_89, %mul3A_91 : i32
      %add3A_93 = arith.constant 2 : i32
      %add3A_94 = arith.addi %mul3A_92, %add3A_93 : i32
      %jit3A = arith.constant 20 : i32
      %eq3A = arith.constant 0 : i32
      %eq3A_95 = arith.cmpi eq, %jit3A, %eq3A : i32
      %jit3A_96 = arith.constant 1 : i32
      %select_n3A = arith.select %eq3A_95, %jit3A_96, %jit3A : i32
      %rem3A = arith.remsi %add3A_94, %select_n3A : i32
      %ne3A = arith.constant 0 : i32
      %ne3A_97 = arith.cmpi ne, %rem3A, %ne3A : i32
      %lt3A = arith.constant 0 : i32
      %lt3A_98 = arith.cmpi slt, %rem3A, %lt3A : i32
      %lt3A_99 = arith.constant 0 : i32
      %lt3A_100 = arith.cmpi slt, %select_n3A, %lt3A_99 : i32
      %ne3A_101 = arith.xori %lt3A_98, %lt3A_100 : i1
      %and3A = arith.andi %ne3A_101, %ne3A_97 : i1
      %add3A_102 = arith.addi %rem3A, %select_n3A : i32
      %select_n3A_103 = arith.select %and3A, %add3A_102, %rem3A : i32
      %eq3A_104 = arith.constant 0 : i32
      %eq3A_105 = arith.cmpi eq, %select_n3A_103, %eq3A_104 : i32
      %gt3A = arith.constant 2 : i32
      %gt3A_106 = arith.cmpi sgt, %add3A_94, %gt3A : i32
      %and3A_107 = arith.andi %eq3A_105, %gt3A_106 : i1
      %lt3A_108 = arith.constant 100 : i32
      %lt3A_109 = arith.cmpi slt, %add3A_94, %lt3A_108 : i32
      %and3A_110 = arith.andi %and3A_107, %lt3A_109 : i1
      %convert_element_type3A = arith.extui %and3A_110 : i1 to i32
      %cond3A = arith.constant 0 : i32
      %cond3A_111 = arith.cmpi ne, %convert_element_type3A, %cond3A : i32
      scf.if %cond3A_111 {
        %dma_wait3A_233 = arith.constant 0 : i32
        %dma_wait3A_234 = arith.constant 0 : i32
        %dma_wait3A_235 = tpu.memref_slice %arg6[%dma_wait3A_233, %dma_wait3A_234] : memref<40x100xi32, #tpu.memory_space<vmem>> -> memref<20x100xi32, #tpu.memory_space<vmem>>
        %dma_wait3A_236 = arith.constant 0 : i32
        %dma_wait3A_237 = tpu.memref_slice %arg3[%mul3A_2, %dma_wait3A_236] : memref<3200x100xi32, #tpu.memory_space<hbm>> -> memref<20x100xi32, #tpu.memory_space<hbm>>
        %dma_wait3A_238 = arith.constant 0 : i32
        %dma_wait3A_239 = arith.constant 0 : i32
        %dma_wait3A_240 = tpu.memref_slice %arg6[%dma_wait3A_238, %dma_wait3A_239] : memref<40x100xi32, #tpu.memory_space<vmem>> -> memref<20x100xi32, #tpu.memory_space<vmem>>
        %dma_wait3A_241 = arith.constant 0 : i32
        %dma_wait3A_242 = tpu.memref_slice %arg3[%mul3A_2, %dma_wait3A_241] : memref<3200x100xi32, #tpu.memory_space<hbm>> -> memref<20x100xi32, #tpu.memory_space<hbm>>
        tpu.wait_dma2 semaphore(%arg9 : memref<!tpu.dma_semaphore, #tpu.memory_space<semaphore_mem>>) src(%dma_wait3A_242 : memref<20x100xi32, #tpu.memory_space<hbm>>) dst(%dma_wait3A_240 : memref<20x100xi32, #tpu.memory_space<vmem>>)
        %dma_wait3A_243 = arith.constant 0 : i32
        %dma_wait3A_244 = arith.constant 0 : i32
        %dma_wait3A_245 = tpu.memref_slice %arg7[%dma_wait3A_243, %dma_wait3A_244] : memref<40x100xi32, #tpu.memory_space<vmem>> -> memref<20x100xi32, #tpu.memory_space<vmem>>
        %dma_wait3A_246 = arith.constant 0 : i32
        %dma_wait3A_247 = tpu.memref_slice %arg4[%mul3A_2, %dma_wait3A_246] : memref<3200x100xi32, #tpu.memory_space<hbm>> -> memref<20x100xi32, #tpu.memory_space<hbm>>
        %dma_wait3A_248 = arith.constant 0 : i32
        %dma_wait3A_249 = arith.constant 0 : i32
        %dma_wait3A_250 = tpu.memref_slice %arg7[%dma_wait3A_248, %dma_wait3A_249] : memref<40x100xi32, #tpu.memory_space<vmem>> -> memref<20x100xi32, #tpu.memory_space<vmem>>
        %dma_wait3A_251 = arith.constant 0 : i32
        %dma_wait3A_252 = tpu.memref_slice %arg4[%mul3A_2, %dma_wait3A_251] : memref<3200x100xi32, #tpu.memory_space<hbm>> -> memref<20x100xi32, #tpu.memory_space<hbm>>
        tpu.wait_dma2 semaphore(%arg9 : memref<!tpu.dma_semaphore, #tpu.memory_space<semaphore_mem>>) src(%dma_wait3A_252 : memref<20x100xi32, #tpu.memory_space<hbm>>) dst(%dma_wait3A_250 : memref<20x100xi32, #tpu.memory_space<vmem>>)
      } else {
      }
      %jit3A_112 = arith.constant 20 : i32
      %eq3A_113 = arith.constant 0 : i32
      %eq3A_114 = arith.cmpi eq, %jit3A_112, %eq3A_113 : i32
      %jit3A_115 = arith.constant 1 : i32
      %select_n3A_116 = arith.select %eq3A_114, %jit3A_115, %jit3A_112 : i32
      %rem3A_117 = arith.remsi %add3A_94, %select_n3A_116 : i32
      %ne3A_118 = arith.constant 0 : i32
      %ne3A_119 = arith.cmpi ne, %rem3A_117, %ne3A_118 : i32
      %lt3A_120 = arith.constant 0 : i32
      %lt3A_121 = arith.cmpi slt, %rem3A_117, %lt3A_120 : i32
      %lt3A_122 = arith.constant 0 : i32
      %lt3A_123 = arith.cmpi slt, %select_n3A_116, %lt3A_122 : i32
      %ne3A_124 = arith.xori %lt3A_121, %lt3A_123 : i1
      %and3A_125 = arith.andi %ne3A_124, %ne3A_119 : i1
      %add3A_126 = arith.addi %rem3A_117, %select_n3A_116 : i32
      %select_n3A_127 = arith.select %and3A_125, %add3A_126, %rem3A_117 : i32
      %eq3A_128 = arith.constant 4 : i32
      %eq3A_129 = arith.cmpi eq, %select_n3A_127, %eq3A_128 : i32
      %add3A_130 = arith.constant 20 : i32
      %add3A_131 = arith.addi %add3A_94, %add3A_130 : i32
      %sub3A = arith.constant 4 : i32
      %sub3A_132 = arith.subi %add3A_131, %sub3A : i32
      %lt3A_133 = arith.constant 100 : i32
      %lt3A_134 = arith.cmpi slt, %sub3A_132, %lt3A_133 : i32
      %and3A_135 = arith.andi %eq3A_129, %lt3A_134 : i1
      %convert_element_type3A_136 = arith.extui %and3A_135 : i1 to i32
      %cond3A_137 = arith.constant 0 : i32
      %cond3A_138 = arith.cmpi ne, %convert_element_type3A_136, %cond3A_137 : i32
      scf.if %cond3A_138 {
        %add3A_233 = arith.constant 20 : i32
        %add3A_234 = arith.addi %add3A_94, %add3A_233 : i32
        %sub3A_235 = arith.constant 4 : i32
        %sub3A_236 = arith.subi %add3A_234, %sub3A_235 : i32
        %jit3A_237 = arith.constant 40 : i32
        %eq3A_238 = arith.constant 0 : i32
        %eq3A_239 = arith.cmpi eq, %jit3A_237, %eq3A_238 : i32
        %jit3A_240 = arith.constant 1 : i32
        %select_n3A_241 = arith.select %eq3A_239, %jit3A_240, %jit3A_237 : i32
        %rem3A_242 = arith.remsi %sub3A_236, %select_n3A_241 : i32
        %ne3A_243 = arith.constant 0 : i32
        %ne3A_244 = arith.cmpi ne, %rem3A_242, %ne3A_243 : i32
        %lt3A_245 = arith.constant 0 : i32
        %lt3A_246 = arith.cmpi slt, %rem3A_242, %lt3A_245 : i32
        %lt3A_247 = arith.constant 0 : i32
        %lt3A_248 = arith.cmpi slt, %select_n3A_241, %lt3A_247 : i32
        %ne3A_249 = arith.xori %lt3A_246, %lt3A_248 : i1
        %and3A_250 = arith.andi %ne3A_249, %ne3A_244 : i1
        %add3A_251 = arith.addi %rem3A_242, %select_n3A_241 : i32
        %select_n3A_252 = arith.select %and3A_250, %add3A_251, %rem3A_242 : i32
        %add3A_253 = arith.addi %mul3A_2, %sub3A_236 : i32
        %dma_start3A_254 = arith.constant 0 : i32
        %dma_start3A_255 = tpu.memref_slice %arg6[%select_n3A_252, %dma_start3A_254] : memref<40x100xi32, #tpu.memory_space<vmem>> -> memref<20x100xi32, #tpu.memory_space<vmem>>
        %dma_start3A_256 = arith.constant 0 : i32
        %dma_start3A_257 = tpu.memref_slice %arg3[%add3A_253, %dma_start3A_256] : memref<3200x100xi32, #tpu.memory_space<hbm>> -> memref<20x100xi32, #tpu.memory_space<hbm>>
        %dma_start3A_258 = arith.constant 0 : i32
        %dma_start3A_259 = tpu.memref_slice %arg6[%select_n3A_252, %dma_start3A_258] : memref<40x100xi32, #tpu.memory_space<vmem>> -> memref<20x100xi32, #tpu.memory_space<vmem>>
        %dma_start3A_260 = arith.constant 0 : i32
        %dma_start3A_261 = tpu.memref_slice %arg3[%add3A_253, %dma_start3A_260] : memref<3200x100xi32, #tpu.memory_space<hbm>> -> memref<20x100xi32, #tpu.memory_space<hbm>>
        tpu.enqueue_dma source(%dma_start3A_261 : memref<20x100xi32, #tpu.memory_space<hbm>>) target(%dma_start3A_259 : memref<20x100xi32, #tpu.memory_space<vmem>>) target_semaphore(%arg9 : memref<!tpu.dma_semaphore, #tpu.memory_space<semaphore_mem>>)
        %add3A_262 = arith.addi %mul3A_2, %sub3A_236 : i32
        %dma_start3A_263 = arith.constant 0 : i32
        %dma_start3A_264 = tpu.memref_slice %arg7[%select_n3A_252, %dma_start3A_263] : memref<40x100xi32, #tpu.memory_space<vmem>> -> memref<20x100xi32, #tpu.memory_space<vmem>>
        %dma_start3A_265 = arith.constant 0 : i32
        %dma_start3A_266 = tpu.memref_slice %arg4[%add3A_262, %dma_start3A_265] : memref<3200x100xi32, #tpu.memory_space<hbm>> -> memref<20x100xi32, #tpu.memory_space<hbm>>
        %dma_start3A_267 = arith.constant 0 : i32
        %dma_start3A_268 = tpu.memref_slice %arg7[%select_n3A_252, %dma_start3A_267] : memref<40x100xi32, #tpu.memory_space<vmem>> -> memref<20x100xi32, #tpu.memory_space<vmem>>
        %dma_start3A_269 = arith.constant 0 : i32
        %dma_start3A_270 = tpu.memref_slice %arg4[%add3A_262, %dma_start3A_269] : memref<3200x100xi32, #tpu.memory_space<hbm>> -> memref<20x100xi32, #tpu.memory_space<hbm>>
        tpu.enqueue_dma source(%dma_start3A_270 : memref<20x100xi32, #tpu.memory_space<hbm>>) target(%dma_start3A_268 : memref<20x100xi32, #tpu.memory_space<vmem>>) target_semaphore(%arg9 : memref<!tpu.dma_semaphore, #tpu.memory_space<semaphore_mem>>)
      } else {
      }
      %add3A_139 = arith.constant 0 : i32
      %add3A_140 = arith.addi %mul3A_92, %add3A_139 : i32
      %jit3A_141 = arith.constant 40 : i32
      %eq3A_142 = arith.constant 0 : i32
      %eq3A_143 = arith.cmpi eq, %jit3A_141, %eq3A_142 : i32
      %jit3A_144 = arith.constant 1 : i32
      %select_n3A_145 = arith.select %eq3A_143, %jit3A_144, %jit3A_141 : i32
      %rem3A_146 = arith.remsi %add3A_140, %select_n3A_145 : i32
      %ne3A_147 = arith.constant 0 : i32
      %ne3A_148 = arith.cmpi ne, %rem3A_146, %ne3A_147 : i32
      %lt3A_149 = arith.constant 0 : i32
      %lt3A_150 = arith.cmpi slt, %rem3A_146, %lt3A_149 : i32
      %lt3A_151 = arith.constant 0 : i32
      %lt3A_152 = arith.cmpi slt, %select_n3A_145, %lt3A_151 : i32
      %ne3A_153 = arith.xori %lt3A_150, %lt3A_152 : i1
      %and3A_154 = arith.andi %ne3A_153, %ne3A_148 : i1
      %add3A_155 = arith.addi %rem3A_146, %select_n3A_145 : i32
      %select_n3A_156 = arith.select %and3A_154, %add3A_155, %rem3A_146 : i32
      %dma_wait3A = arith.constant 0 : i32
      %dma_wait3A_157 = tpu.memref_slice %arg6[%select_n3A_156, %dma_wait3A] : memref<40x100xi32, #tpu.memory_space<vmem>> -> memref<1x100xi32, #tpu.memory_space<vmem>>
      %dma_wait3A_158 = tpu.memref_squeeze %dma_wait3A_157 : memref<1x100xi32, #tpu.memory_space<vmem>> -> memref<100xi32, #tpu.memory_space<vmem>>
      %dma_wait3A_159 = arith.constant 0 : i32
      %dma_wait3A_160 = arith.constant 0 : i32
      %dma_wait3A_161 = tpu.memref_slice %arg2[%dma_wait3A_159, %dma_wait3A_160] : memref<10240x144xf32, #tpu.memory_space<hbm>> -> memref<10240x144xf32, #tpu.memory_space<hbm>>
      tpu.wait_indirect_dma semaphore(%arg12 : memref<!tpu.dma_semaphore, #tpu.memory_space<semaphore_mem>>) src(%dma_wait3A_161 : memref<10240x144xf32, #tpu.memory_space<hbm>>) dst(%arg10 : memref<100x144xf32, #tpu.memory_space<vmem>>)
      %jit3A_162 = arith.constant 40 : i32
      %eq3A_163 = arith.constant 0 : i32
      %eq3A_164 = arith.cmpi eq, %jit3A_162, %eq3A_163 : i32
      %jit3A_165 = arith.constant 1 : i32
      %select_n3A_166 = arith.select %eq3A_164, %jit3A_165, %jit3A_162 : i32
      %rem3A_167 = arith.remsi %add3A_140, %select_n3A_166 : i32
      %ne3A_168 = arith.constant 0 : i32
      %ne3A_169 = arith.cmpi ne, %rem3A_167, %ne3A_168 : i32
      %lt3A_170 = arith.constant 0 : i32
      %lt3A_171 = arith.cmpi slt, %rem3A_167, %lt3A_170 : i32
      %lt3A_172 = arith.constant 0 : i32
      %lt3A_173 = arith.cmpi slt, %select_n3A_166, %lt3A_172 : i32
      %ne3A_174 = arith.xori %lt3A_171, %lt3A_173 : i1
      %and3A_175 = arith.andi %ne3A_174, %ne3A_169 : i1
      %add3A_176 = arith.addi %rem3A_167, %select_n3A_166 : i32
      %select_n3A_177 = arith.select %and3A_175, %add3A_176, %rem3A_167 : i32
      "tpu.region"() ({
        %run_scoped3A = tpu.sem_alloc : memref<!tpu.dma_semaphore, #tpu.memory_space<semaphore_mem>>
        %dma_start3A_233 = arith.constant 0 : i32
        %dma_start3A_234 = tpu.memref_slice %arg7[%select_n3A_177, %dma_start3A_233] : memref<40x100xi32, #tpu.memory_space<vmem>> -> memref<1x100xi32, #tpu.memory_space<vmem>>
        %dma_start3A_235 = tpu.memref_squeeze %dma_start3A_234 : memref<1x100xi32, #tpu.memory_space<vmem>> -> memref<100xi32, #tpu.memory_space<vmem>>
        %dma_start3A_236 = arith.constant 0 : i32
        %dma_start3A_237 = arith.constant 0 : i32
        %dma_start3A_238 = tpu.memref_slice %arg8[%dma_start3A_236, %dma_start3A_237] : memref<10240x144xf32, #tpu.memory_space<vmem_shared>> -> memref<10240x144xf32, #tpu.memory_space<vmem_shared>>
        tpu.enqueue_indirect_dma source(%arg10 : memref<100x144xf32, #tpu.memory_space<vmem>>) target(%dma_start3A_238 : memref<10240x144xf32, #tpu.memory_space<vmem_shared>>) offsets(%dma_start3A_235 : memref<100xi32, #tpu.memory_space<vmem>>) semaphore(%run_scoped3A : memref<!tpu.dma_semaphore, #tpu.memory_space<semaphore_mem>>) {add = true}
        %dma_wait3A_239 = arith.constant 0 : i32
        %dma_wait3A_240 = tpu.memref_slice %arg7[%select_n3A_177, %dma_wait3A_239] : memref<40x100xi32, #tpu.memory_space<vmem>> -> memref<1x100xi32, #tpu.memory_space<vmem>>
        %dma_wait3A_241 = tpu.memref_squeeze %dma_wait3A_240 : memref<1x100xi32, #tpu.memory_space<vmem>> -> memref<100xi32, #tpu.memory_space<vmem>>
        %dma_wait3A_242 = arith.constant 0 : i32
        %dma_wait3A_243 = arith.constant 0 : i32
        %dma_wait3A_244 = tpu.memref_slice %arg8[%dma_wait3A_242, %dma_wait3A_243] : memref<10240x144xf32, #tpu.memory_space<vmem_shared>> -> memref<10240x144xf32, #tpu.memory_space<vmem_shared>>
        tpu.wait_indirect_dma semaphore(%run_scoped3A : memref<!tpu.dma_semaphore, #tpu.memory_space<semaphore_mem>>) src(%arg10 : memref<100x144xf32, #tpu.memory_space<vmem>>) dst(%dma_wait3A_244 : memref<10240x144xf32, #tpu.memory_space<vmem_shared>>)
        tpu.yield
      }) : () -> ()
      %add3A_178 = arith.constant 2 : i32
      %add3A_179 = arith.addi %add3A_140, %add3A_178 : i32
      %lt3A_180 = arith.constant 100 : i32
      %lt3A_181 = arith.cmpi slt, %add3A_179, %lt3A_180 : i32
      %convert_element_type3A_182 = arith.extui %lt3A_181 : i1 to i32
      %cond3A_183 = arith.constant 0 : i32
      %cond3A_184 = arith.cmpi ne, %convert_element_type3A_182, %cond3A_183 : i32
      scf.if %cond3A_184 {
        %add3A_233 = arith.constant 2 : i32
        %add3A_234 = arith.addi %add3A_140, %add3A_233 : i32
        %jit3A_235 = arith.constant 40 : i32
        %eq3A_236 = arith.constant 0 : i32
        %eq3A_237 = arith.cmpi eq, %jit3A_235, %eq3A_236 : i32
        %jit3A_238 = arith.constant 1 : i32
        %select_n3A_239 = arith.select %eq3A_237, %jit3A_238, %jit3A_235 : i32
        %rem3A_240 = arith.remsi %add3A_234, %select_n3A_239 : i32
        %ne3A_241 = arith.constant 0 : i32
        %ne3A_242 = arith.cmpi ne, %rem3A_240, %ne3A_241 : i32
        %lt3A_243 = arith.constant 0 : i32
        %lt3A_244 = arith.cmpi slt, %rem3A_240, %lt3A_243 : i32
        %lt3A_245 = arith.constant 0 : i32
        %lt3A_246 = arith.cmpi slt, %select_n3A_239, %lt3A_245 : i32
        %ne3A_247 = arith.xori %lt3A_244, %lt3A_246 : i1
        %and3A_248 = arith.andi %ne3A_247, %ne3A_242 : i1
        %add3A_249 = arith.addi %rem3A_240, %select_n3A_239 : i32
        %select_n3A_250 = arith.select %and3A_248, %add3A_249, %rem3A_240 : i32
        %dma_start3A_251 = arith.constant 0 : i32
        %dma_start3A_252 = tpu.memref_slice %arg6[%select_n3A_250, %dma_start3A_251] : memref<40x100xi32, #tpu.memory_space<vmem>> -> memref<1x100xi32, #tpu.memory_space<vmem>>
        %dma_start3A_253 = tpu.memref_squeeze %dma_start3A_252 : memref<1x100xi32, #tpu.memory_space<vmem>> -> memref<100xi32, #tpu.memory_space<vmem>>
        %dma_start3A_254 = arith.constant 0 : i32
        %dma_start3A_255 = arith.constant 0 : i32
        %dma_start3A_256 = tpu.memref_slice %arg2[%dma_start3A_254, %dma_start3A_255] : memref<10240x144xf32, #tpu.memory_space<hbm>> -> memref<10240x144xf32, #tpu.memory_space<hbm>>
        tpu.enqueue_indirect_dma source(%dma_start3A_256 : memref<10240x144xf32, #tpu.memory_space<hbm>>) target(%arg10 : memref<100x144xf32, #tpu.memory_space<vmem>>) offsets(%dma_start3A_253 : memref<100xi32, #tpu.memory_space<vmem>>) semaphore(%arg12 : memref<!tpu.dma_semaphore, #tpu.memory_space<semaphore_mem>>)
      } else {
      }
      %add3A_185 = arith.constant 1 : i32
      %add3A_186 = arith.addi %mul3A_92, %add3A_185 : i32
      %jit3A_187 = arith.constant 40 : i32
      %eq3A_188 = arith.constant 0 : i32
      %eq3A_189 = arith.cmpi eq, %jit3A_187, %eq3A_188 : i32
      %jit3A_190 = arith.constant 1 : i32
      %select_n3A_191 = arith.select %eq3A_189, %jit3A_190, %jit3A_187 : i32
      %rem3A_192 = arith.remsi %add3A_186, %select_n3A_191 : i32
      %ne3A_193 = arith.constant 0 : i32
      %ne3A_194 = arith.cmpi ne, %rem3A_192, %ne3A_193 : i32
      %lt3A_195 = arith.constant 0 : i32
      %lt3A_196 = arith.cmpi slt, %rem3A_192, %lt3A_195 : i32
      %lt3A_197 = arith.constant 0 : i32
      %lt3A_198 = arith.cmpi slt, %select_n3A_191, %lt3A_197 : i32
      %ne3A_199 = arith.xori %lt3A_196, %lt3A_198 : i1
      %and3A_200 = arith.andi %ne3A_199, %ne3A_194 : i1
      %add3A_201 = arith.addi %rem3A_192, %select_n3A_191 : i32
      %select_n3A_202 = arith.select %and3A_200, %add3A_201, %rem3A_192 : i32
      %dma_wait3A_203 = arith.constant 0 : i32
      %dma_wait3A_204 = tpu.memref_slice %arg6[%select_n3A_202, %dma_wait3A_203] : memref<40x100xi32, #tpu.memory_space<vmem>> -> memref<1x100xi32, #tpu.memory_space<vmem>>
      %dma_wait3A_205 = tpu.memref_squeeze %dma_wait3A_204 : memref<1x100xi32, #tpu.memory_space<vmem>> -> memref<100xi32, #tpu.memory_space<vmem>>
      %dma_wait3A_206 = arith.constant 0 : i32
      %dma_wait3A_207 = arith.constant 0 : i32
      %dma_wait3A_208 = tpu.memref_slice %arg2[%dma_wait3A_206, %dma_wait3A_207] : memref<10240x144xf32, #tpu.memory_space<hbm>> -> memref<10240x144xf32, #tpu.memory_space<hbm>>
      tpu.wait_indirect_dma semaphore(%arg13 : memref<!tpu.dma_semaphore, #tpu.memory_space<semaphore_mem>>) src(%dma_wait3A_208 : memref<10240x144xf32, #tpu.memory_space<hbm>>) dst(%arg11 : memref<100x144xf32, #tpu.memory_space<vmem>>)
      %jit3A_209 = arith.constant 40 : i32
      %eq3A_210 = arith.constant 0 : i32
      %eq3A_211 = arith.cmpi eq, %jit3A_209, %eq3A_210 : i32
      %jit3A_212 = arith.constant 1 : i32
      %select_n3A_213 = arith.select %eq3A_211, %jit3A_212, %jit3A_209 : i32
      %rem3A_214 = arith.remsi %add3A_186, %select_n3A_213 : i32
      %ne3A_215 = arith.constant 0 : i32
      %ne3A_216 = arith.cmpi ne, %rem3A_214, %ne3A_215 : i32
      %lt3A_217 = arith.constant 0 : i32
      %lt3A_218 = arith.cmpi slt, %rem3A_214, %lt3A_217 : i32
      %lt3A_219 = arith.constant 0 : i32
      %lt3A_220 = arith.cmpi slt, %select_n3A_213, %lt3A_219 : i32
      %ne3A_221 = arith.xori %lt3A_218, %lt3A_220 : i1
      %and3A_222 = arith.andi %ne3A_221, %ne3A_216 : i1
      %add3A_223 = arith.addi %rem3A_214, %select_n3A_213 : i32
      %select_n3A_224 = arith.select %and3A_222, %add3A_223, %rem3A_214 : i32
      "tpu.region"() ({
        %run_scoped3A = tpu.sem_alloc : memref<!tpu.dma_semaphore, #tpu.memory_space<semaphore_mem>>
        %dma_start3A_233 = arith.constant 0 : i32
        %dma_start3A_234 = tpu.memref_slice %arg7[%select_n3A_224, %dma_start3A_233] : memref<40x100xi32, #tpu.memory_space<vmem>> -> memref<1x100xi32, #tpu.memory_space<vmem>>
        %dma_start3A_235 = tpu.memref_squeeze %dma_start3A_234 : memref<1x100xi32, #tpu.memory_space<vmem>> -> memref<100xi32, #tpu.memory_space<vmem>>
        %dma_start3A_236 = arith.constant 0 : i32
        %dma_start3A_237 = arith.constant 0 : i32
        %dma_start3A_238 = tpu.memref_slice %arg8[%dma_start3A_236, %dma_start3A_237] : memref<10240x144xf32, #tpu.memory_space<vmem_shared>> -> memref<10240x144xf32, #tpu.memory_space<vmem_shared>>
        tpu.enqueue_indirect_dma source(%arg11 : memref<100x144xf32, #tpu.memory_space<vmem>>) target(%dma_start3A_238 : memref<10240x144xf32, #tpu.memory_space<vmem_shared>>) offsets(%dma_start3A_235 : memref<100xi32, #tpu.memory_space<vmem>>) semaphore(%run_scoped3A : memref<!tpu.dma_semaphore, #tpu.memory_space<semaphore_mem>>) {add = true}
        %dma_wait3A_239 = arith.constant 0 : i32
        %dma_wait3A_240 = tpu.memref_slice %arg7[%select_n3A_224, %dma_wait3A_239] : memref<40x100xi32, #tpu.memory_space<vmem>> -> memref<1x100xi32, #tpu.memory_space<vmem>>
        %dma_wait3A_241 = tpu.memref_squeeze %dma_wait3A_240 : memref<1x100xi32, #tpu.memory_space<vmem>> -> memref<100xi32, #tpu.memory_space<vmem>>
        %dma_wait3A_242 = arith.constant 0 : i32
        %dma_wait3A_243 = arith.constant 0 : i32
        %dma_wait3A_244 = tpu.memref_slice %arg8[%dma_wait3A_242, %dma_wait3A_243] : memref<10240x144xf32, #tpu.memory_space<vmem_shared>> -> memref<10240x144xf32, #tpu.memory_space<vmem_shared>>
        tpu.wait_indirect_dma semaphore(%run_scoped3A : memref<!tpu.dma_semaphore, #tpu.memory_space<semaphore_mem>>) src(%arg11 : memref<100x144xf32, #tpu.memory_space<vmem>>) dst(%dma_wait3A_244 : memref<10240x144xf32, #tpu.memory_space<vmem_shared>>)
        tpu.yield
      }) : () -> ()
      %add3A_225 = arith.constant 2 : i32
      %add3A_226 = arith.addi %add3A_186, %add3A_225 : i32
      %lt3A_227 = arith.constant 100 : i32
      %lt3A_228 = arith.cmpi slt, %add3A_226, %lt3A_227 : i32
      %convert_element_type3A_229 = arith.extui %lt3A_228 : i1 to i32
      %cond3A_230 = arith.constant 0 : i32
      %cond3A_231 = arith.cmpi ne, %convert_element_type3A_229, %cond3A_230 : i32
      scf.if %cond3A_231 {
        %add3A_233 = arith.constant 2 : i32
        %add3A_234 = arith.addi %add3A_186, %add3A_233 : i32
        %jit3A_235 = arith.constant 40 : i32
        %eq3A_236 = arith.constant 0 : i32
        %eq3A_237 = arith.cmpi eq, %jit3A_235, %eq3A_236 : i32
        %jit3A_238 = arith.constant 1 : i32
        %select_n3A_239 = arith.select %eq3A_237, %jit3A_238, %jit3A_235 : i32
        %rem3A_240 = arith.remsi %add3A_234, %select_n3A_239 : i32
        %ne3A_241 = arith.constant 0 : i32
        %ne3A_242 = arith.cmpi ne, %rem3A_240, %ne3A_241 : i32
        %lt3A_243 = arith.constant 0 : i32
        %lt3A_244 = arith.cmpi slt, %rem3A_240, %lt3A_243 : i32
        %lt3A_245 = arith.constant 0 : i32
        %lt3A_246 = arith.cmpi slt, %select_n3A_239, %lt3A_245 : i32
        %ne3A_247 = arith.xori %lt3A_244, %lt3A_246 : i1
        %and3A_248 = arith.andi %ne3A_247, %ne3A_242 : i1
        %add3A_249 = arith.addi %rem3A_240, %select_n3A_239 : i32
        %select_n3A_250 = arith.select %and3A_248, %add3A_249, %rem3A_240 : i32
        %dma_start3A_251 = arith.constant 0 : i32
        %dma_start3A_252 = tpu.memref_slice %arg6[%select_n3A_250, %dma_start3A_251] : memref<40x100xi32, #tpu.memory_space<vmem>> -> memref<1x100xi32, #tpu.memory_space<vmem>>
        %dma_start3A_253 = tpu.memref_squeeze %dma_start3A_252 : memref<1x100xi32, #tpu.memory_space<vmem>> -> memref<100xi32, #tpu.memory_space<vmem>>
        %dma_start3A_254 = arith.constant 0 : i32
        %dma_start3A_255 = arith.constant 0 : i32
        %dma_start3A_256 = tpu.memref_slice %arg2[%dma_start3A_254, %dma_start3A_255] : memref<10240x144xf32, #tpu.memory_space<hbm>> -> memref<10240x144xf32, #tpu.memory_space<hbm>>
        tpu.enqueue_indirect_dma source(%dma_start3A_256 : memref<10240x144xf32, #tpu.memory_space<hbm>>) target(%arg11 : memref<100x144xf32, #tpu.memory_space<vmem>>) offsets(%dma_start3A_253 : memref<100xi32, #tpu.memory_space<vmem>>) semaphore(%arg13 : memref<!tpu.dma_semaphore, #tpu.memory_space<semaphore_mem>>)
      } else {
      }
      %scan3A_232 = arith.constant 0 : i32
      scf.yield %scan3A_232 : i32
    }
    %scan3A_47 = arith.constant 50 : i32
    %barrier3A_48 = arith.constant 0 : index
    tpu.barrier barrier_id(%barrier3A_48)
    %add3A_49 = arith.constant 0 : i32
    %add3A_50 = arith.addi %mul3A_11, %add3A_49 : i32
    %mul3A_51 = arith.constant 10240 : i32
    %mul3A_52 = arith.muli %arg0, %mul3A_51 : i32
    %add3A_53 = arith.addi %mul3A_52, %add3A_50 : i32
    "tpu.region"() ({
      %run_scoped3A = tpu.sem_alloc : memref<!tpu.dma_semaphore, #tpu.memory_space<semaphore_mem>>
      %dma_start3A_89 = arith.constant 0 : i32
      %dma_start3A_90 = tpu.memref_slice %arg5[%add3A_53, %dma_start3A_89] : memref<20480x144xf32, #tpu.memory_space<hbm>> -> memref<80x144xf32, #tpu.memory_space<hbm>>
      %dma_start3A_91 = arith.constant 0 : i32
      %dma_start3A_92 = tpu.memref_slice %arg8[%add3A_50, %dma_start3A_91] : memref<10240x144xf32, #tpu.memory_space<vmem_shared>> -> memref<80x144xf32, #tpu.memory_space<vmem_shared>>
      tpu.enqueue_dma source(%dma_start3A_92 : memref<80x144xf32, #tpu.memory_space<vmem_shared>>) target(%dma_start3A_90 : memref<80x144xf32, #tpu.memory_space<hbm>>) target_semaphore(%run_scoped3A : memref<!tpu.dma_semaphore, #tpu.memory_space<semaphore_mem>>)
      %dma_wait3A = arith.constant 0 : i32
      %dma_wait3A_93 = tpu.memref_slice %arg5[%add3A_53, %dma_wait3A] : memref<20480x144xf32, #tpu.memory_space<hbm>> -> memref<80x144xf32, #tpu.memory_space<hbm>>
      %dma_wait3A_94 = arith.constant 0 : i32
      %dma_wait3A_95 = tpu.memref_slice %arg8[%add3A_50, %dma_wait3A_94] : memref<10240x144xf32, #tpu.memory_space<vmem_shared>> -> memref<80x144xf32, #tpu.memory_space<vmem_shared>>
      tpu.wait_dma2 semaphore(%run_scoped3A : memref<!tpu.dma_semaphore, #tpu.memory_space<semaphore_mem>>) src(%dma_wait3A_95 : memref<80x144xf32, #tpu.memory_space<vmem_shared>>) dst(%dma_wait3A_93 : memref<80x144xf32, #tpu.memory_space<hbm>>)
      tpu.yield
    }) : () -> ()
    %add3A_54 = arith.constant 80 : i32
    %add3A_55 = arith.addi %mul3A_11, %add3A_54 : i32
    %mul3A_56 = arith.constant 10240 : i32
    %mul3A_57 = arith.muli %arg0, %mul3A_56 : i32
    %add3A_58 = arith.addi %mul3A_57, %add3A_55 : i32
    "tpu.region"() ({
      %run_scoped3A = tpu.sem_alloc : memref<!tpu.dma_semaphore, #tpu.memory_space<semaphore_mem>>
      %dma_start3A_89 = arith.constant 0 : i32
      %dma_start3A_90 = tpu.memref_slice %arg5[%add3A_58, %dma_start3A_89] : memref<20480x144xf32, #tpu.memory_space<hbm>> -> memref<80x144xf32, #tpu.memory_space<hbm>>
      %dma_start3A_91 = arith.constant 0 : i32
      %dma_start3A_92 = tpu.memref_slice %arg8[%add3A_55, %dma_start3A_91] : memref<10240x144xf32, #tpu.memory_space<vmem_shared>> -> memref<80x144xf32, #tpu.memory_space<vmem_shared>>
      tpu.enqueue_dma source(%dma_start3A_92 : memref<80x144xf32, #tpu.memory_space<vmem_shared>>) target(%dma_start3A_90 : memref<80x144xf32, #tpu.memory_space<hbm>>) target_semaphore(%run_scoped3A : memref<!tpu.dma_semaphore, #tpu.memory_space<semaphore_mem>>)
      %dma_wait3A = arith.constant 0 : i32
      %dma_wait3A_93 = tpu.memref_slice %arg5[%add3A_58, %dma_wait3A] : memref<20480x144xf32, #tpu.memory_space<hbm>> -> memref<80x144xf32, #tpu.memory_space<hbm>>
      %dma_wait3A_94 = arith.constant 0 : i32
      %dma_wait3A_95 = tpu.memref_slice %arg8[%add3A_55, %dma_wait3A_94] : memref<10240x144xf32, #tpu.memory_space<vmem_shared>> -> memref<80x144xf32, #tpu.memory_space<vmem_shared>>
      tpu.wait_dma2 semaphore(%run_scoped3A : memref<!tpu.dma_semaphore, #tpu.memory_space<semaphore_mem>>) src(%dma_wait3A_95 : memref<80x144xf32, #tpu.memory_space<vmem_shared>>) dst(%dma_wait3A_93 : memref<80x144xf32, #tpu.memory_space<hbm>>)
      tpu.yield
    }) : () -> ()
    %add3A_59 = arith.constant 160 : i32
    %add3A_60 = arith.addi %mul3A_11, %add3A_59 : i32
    %mul3A_61 = arith.constant 10240 : i32
    %mul3A_62 = arith.muli %arg0, %mul3A_61 : i32
    %add3A_63 = arith.addi %mul3A_62, %add3A_60 : i32
    "tpu.region"() ({
      %run_scoped3A = tpu.sem_alloc : memref<!tpu.dma_semaphore, #tpu.memory_space<semaphore_mem>>
      %dma_start3A_89 = arith.constant 0 : i32
      %dma_start3A_90 = tpu.memref_slice %arg5[%add3A_63, %dma_start3A_89] : memref<20480x144xf32, #tpu.memory_space<hbm>> -> memref<80x144xf32, #tpu.memory_space<hbm>>
      %dma_start3A_91 = arith.constant 0 : i32
      %dma_start3A_92 = tpu.memref_slice %arg8[%add3A_60, %dma_start3A_91] : memref<10240x144xf32, #tpu.memory_space<vmem_shared>> -> memref<80x144xf32, #tpu.memory_space<vmem_shared>>
      tpu.enqueue_dma source(%dma_start3A_92 : memref<80x144xf32, #tpu.memory_space<vmem_shared>>) target(%dma_start3A_90 : memref<80x144xf32, #tpu.memory_space<hbm>>) target_semaphore(%run_scoped3A : memref<!tpu.dma_semaphore, #tpu.memory_space<semaphore_mem>>)
      %dma_wait3A = arith.constant 0 : i32
      %dma_wait3A_93 = tpu.memref_slice %arg5[%add3A_63, %dma_wait3A] : memref<20480x144xf32, #tpu.memory_space<hbm>> -> memref<80x144xf32, #tpu.memory_space<hbm>>
      %dma_wait3A_94 = arith.constant 0 : i32
      %dma_wait3A_95 = tpu.memref_slice %arg8[%add3A_60, %dma_wait3A_94] : memref<10240x144xf32, #tpu.memory_space<vmem_shared>> -> memref<80x144xf32, #tpu.memory_space<vmem_shared>>
      tpu.wait_dma2 semaphore(%run_scoped3A : memref<!tpu.dma_semaphore, #tpu.memory_space<semaphore_mem>>) src(%dma_wait3A_95 : memref<80x144xf32, #tpu.memory_space<vmem_shared>>) dst(%dma_wait3A_93 : memref<80x144xf32, #tpu.memory_space<hbm>>)
      tpu.yield
    }) : () -> ()
    %add3A_64 = arith.constant 240 : i32
    %add3A_65 = arith.addi %mul3A_11, %add3A_64 : i32
    %mul3A_66 = arith.constant 10240 : i32
    %mul3A_67 = arith.muli %arg0, %mul3A_66 : i32
    %add3A_68 = arith.addi %mul3A_67, %add3A_65 : i32
    "tpu.region"() ({
      %run_scoped3A = tpu.sem_alloc : memref<!tpu.dma_semaphore, #tpu.memory_space<semaphore_mem>>
      %dma_start3A_89 = arith.constant 0 : i32
      %dma_start3A_90 = tpu.memref_slice %arg5[%add3A_68, %dma_start3A_89] : memref<20480x144xf32, #tpu.memory_space<hbm>> -> memref<80x144xf32, #tpu.memory_space<hbm>>
      %dma_start3A_91 = arith.constant 0 : i32
      %dma_start3A_92 = tpu.memref_slice %arg8[%add3A_65, %dma_start3A_91] : memref<10240x144xf32, #tpu.memory_space<vmem_shared>> -> memref<80x144xf32, #tpu.memory_space<vmem_shared>>
      tpu.enqueue_dma source(%dma_start3A_92 : memref<80x144xf32, #tpu.memory_space<vmem_shared>>) target(%dma_start3A_90 : memref<80x144xf32, #tpu.memory_space<hbm>>) target_semaphore(%run_scoped3A : memref<!tpu.dma_semaphore, #tpu.memory_space<semaphore_mem>>)
      %dma_wait3A = arith.constant 0 : i32
      %dma_wait3A_93 = tpu.memref_slice %arg5[%add3A_68, %dma_wait3A] : memref<20480x144xf32, #tpu.memory_space<hbm>> -> memref<80x144xf32, #tpu.memory_space<hbm>>
      %dma_wait3A_94 = arith.constant 0 : i32
      %dma_wait3A_95 = tpu.memref_slice %arg8[%add3A_65, %dma_wait3A_94] : memref<10240x144xf32, #tpu.memory_space<vmem_shared>> -> memref<80x144xf32, #tpu.memory_space<vmem_shared>>
      tpu.wait_dma2 semaphore(%run_scoped3A : memref<!tpu.dma_semaphore, #tpu.memory_space<semaphore_mem>>) src(%dma_wait3A_95 : memref<80x144xf32, #tpu.memory_space<vmem_shared>>) dst(%dma_wait3A_93 : memref<80x144xf32, #tpu.memory_space<hbm>>)
      tpu.yield
    }) : () -> ()
    %add3A_69 = arith.constant 320 : i32
    %add3A_70 = arith.addi %mul3A_11, %add3A_69 : i32
    %mul3A_71 = arith.constant 10240 : i32
    %mul3A_72 = arith.muli %arg0, %mul3A_71 : i32
    %add3A_73 = arith.addi %mul3A_72, %add3A_70 : i32
    "tpu.region"() ({
      %run_scoped3A = tpu.sem_alloc : memref<!tpu.dma_semaphore, #tpu.memory_space<semaphore_mem>>
      %dma_start3A_89 = arith.constant 0 : i32
      %dma_start3A_90 = tpu.memref_slice %arg5[%add3A_73, %dma_start3A_89] : memref<20480x144xf32, #tpu.memory_space<hbm>> -> memref<80x144xf32, #tpu.memory_space<hbm>>
      %dma_start3A_91 = arith.constant 0 : i32
      %dma_start3A_92 = tpu.memref_slice %arg8[%add3A_70, %dma_start3A_91] : memref<10240x144xf32, #tpu.memory_space<vmem_shared>> -> memref<80x144xf32, #tpu.memory_space<vmem_shared>>
      tpu.enqueue_dma source(%dma_start3A_92 : memref<80x144xf32, #tpu.memory_space<vmem_shared>>) target(%dma_start3A_90 : memref<80x144xf32, #tpu.memory_space<hbm>>) target_semaphore(%run_scoped3A : memref<!tpu.dma_semaphore, #tpu.memory_space<semaphore_mem>>)
      %dma_wait3A = arith.constant 0 : i32
      %dma_wait3A_93 = tpu.memref_slice %arg5[%add3A_73, %dma_wait3A] : memref<20480x144xf32, #tpu.memory_space<hbm>> -> memref<80x144xf32, #tpu.memory_space<hbm>>
      %dma_wait3A_94 = arith.constant 0 : i32
      %dma_wait3A_95 = tpu.memref_slice %arg8[%add3A_70, %dma_wait3A_94] : memref<10240x144xf32, #tpu.memory_space<vmem_shared>> -> memref<80x144xf32, #tpu.memory_space<vmem_shared>>
      tpu.wait_dma2 semaphore(%run_scoped3A : memref<!tpu.dma_semaphore, #tpu.memory_space<semaphore_mem>>) src(%dma_wait3A_95 : memref<80x144xf32, #tpu.memory_space<vmem_shared>>) dst(%dma_wait3A_93 : memref<80x144xf32, #tpu.memory_space<hbm>>)
      tpu.yield
    }) : () -> ()
    %add3A_74 = arith.constant 400 : i32
    %add3A_75 = arith.addi %mul3A_11, %add3A_74 : i32
    %mul3A_76 = arith.constant 10240 : i32
    %mul3A_77 = arith.muli %arg0, %mul3A_76 : i32
    %add3A_78 = arith.addi %mul3A_77, %add3A_75 : i32
    "tpu.region"() ({
      %run_scoped3A = tpu.sem_alloc : memref<!tpu.dma_semaphore, #tpu.memory_space<semaphore_mem>>
      %dma_start3A_89 = arith.constant 0 : i32
      %dma_start3A_90 = tpu.memref_slice %arg5[%add3A_78, %dma_start3A_89] : memref<20480x144xf32, #tpu.memory_space<hbm>> -> memref<80x144xf32, #tpu.memory_space<hbm>>
      %dma_start3A_91 = arith.constant 0 : i32
      %dma_start3A_92 = tpu.memref_slice %arg8[%add3A_75, %dma_start3A_91] : memref<10240x144xf32, #tpu.memory_space<vmem_shared>> -> memref<80x144xf32, #tpu.memory_space<vmem_shared>>
      tpu.enqueue_dma source(%dma_start3A_92 : memref<80x144xf32, #tpu.memory_space<vmem_shared>>) target(%dma_start3A_90 : memref<80x144xf32, #tpu.memory_space<hbm>>) target_semaphore(%run_scoped3A : memref<!tpu.dma_semaphore, #tpu.memory_space<semaphore_mem>>)
      %dma_wait3A = arith.constant 0 : i32
      %dma_wait3A_93 = tpu.memref_slice %arg5[%add3A_78, %dma_wait3A] : memref<20480x144xf32, #tpu.memory_space<hbm>> -> memref<80x144xf32, #tpu.memory_space<hbm>>
      %dma_wait3A_94 = arith.constant 0 : i32
      %dma_wait3A_95 = tpu.memref_slice %arg8[%add3A_75, %dma_wait3A_94] : memref<10240x144xf32, #tpu.memory_space<vmem_shared>> -> memref<80x144xf32, #tpu.memory_space<vmem_shared>>
      tpu.wait_dma2 semaphore(%run_scoped3A : memref<!tpu.dma_semaphore, #tpu.memory_space<semaphore_mem>>) src(%dma_wait3A_95 : memref<80x144xf32, #tpu.memory_space<vmem_shared>>) dst(%dma_wait3A_93 : memref<80x144xf32, #tpu.memory_space<hbm>>)
      tpu.yield
    }) : () -> ()
    %add3A_79 = arith.constant 480 : i32
    %add3A_80 = arith.addi %mul3A_11, %add3A_79 : i32
    %mul3A_81 = arith.constant 10240 : i32
    %mul3A_82 = arith.muli %arg0, %mul3A_81 : i32
    %add3A_83 = arith.addi %mul3A_82, %add3A_80 : i32
    "tpu.region"() ({
      %run_scoped3A = tpu.sem_alloc : memref<!tpu.dma_semaphore, #tpu.memory_space<semaphore_mem>>
      %dma_start3A_89 = arith.constant 0 : i32
      %dma_start3A_90 = tpu.memref_slice %arg5[%add3A_83, %dma_start3A_89] : memref<20480x144xf32, #tpu.memory_space<hbm>> -> memref<80x144xf32, #tpu.memory_space<hbm>>
      %dma_start3A_91 = arith.constant 0 : i32
      %dma_start3A_92 = tpu.memref_slice %arg8[%add3A_80, %dma_start3A_91] : memref<10240x144xf32, #tpu.memory_space<vmem_shared>> -> memref<80x144xf32, #tpu.memory_space<vmem_shared>>
      tpu.enqueue_dma source(%dma_start3A_92 : memref<80x144xf32, #tpu.memory_space<vmem_shared>>) target(%dma_start3A_90 : memref<80x144xf32, #tpu.memory_space<hbm>>) target_semaphore(%run_scoped3A : memref<!tpu.dma_semaphore, #tpu.memory_space<semaphore_mem>>)
      %dma_wait3A = arith.constant 0 : i32
      %dma_wait3A_93 = tpu.memref_slice %arg5[%add3A_83, %dma_wait3A] : memref<20480x144xf32, #tpu.memory_space<hbm>> -> memref<80x144xf32, #tpu.memory_space<hbm>>
      %dma_wait3A_94 = arith.constant 0 : i32
      %dma_wait3A_95 = tpu.memref_slice %arg8[%add3A_80, %dma_wait3A_94] : memref<10240x144xf32, #tpu.memory_space<vmem_shared>> -> memref<80x144xf32, #tpu.memory_space<vmem_shared>>
      tpu.wait_dma2 semaphore(%run_scoped3A : memref<!tpu.dma_semaphore, #tpu.memory_space<semaphore_mem>>) src(%dma_wait3A_95 : memref<80x144xf32, #tpu.memory_space<vmem_shared>>) dst(%dma_wait3A_93 : memref<80x144xf32, #tpu.memory_space<hbm>>)
      tpu.yield
    }) : () -> ()
    %add3A_84 = arith.constant 560 : i32
    %add3A_85 = arith.addi %mul3A_11, %add3A_84 : i32
    %mul3A_86 = arith.constant 10240 : i32
    %mul3A_87 = arith.muli %arg0, %mul3A_86 : i32
    %add3A_88 = arith.addi %mul3A_87, %add3A_85 : i32
    "tpu.region"() ({
      %run_scoped3A = tpu.sem_alloc : memref<!tpu.dma_semaphore, #tpu.memory_space<semaphore_mem>>
      %dma_start3A_89 = arith.constant 0 : i32
      %dma_start3A_90 = tpu.memref_slice %arg5[%add3A_88, %dma_start3A_89] : memref<20480x144xf32, #tpu.memory_space<hbm>> -> memref<80x144xf32, #tpu.memory_space<hbm>>
      %dma_start3A_91 = arith.constant 0 : i32
      %dma_start3A_92 = tpu.memref_slice %arg8[%add3A_85, %dma_start3A_91] : memref<10240x144xf32, #tpu.memory_space<vmem_shared>> -> memref<80x144xf32, #tpu.memory_space<vmem_shared>>
      tpu.enqueue_dma source(%dma_start3A_92 : memref<80x144xf32, #tpu.memory_space<vmem_shared>>) target(%dma_start3A_90 : memref<80x144xf32, #tpu.memory_space<hbm>>) target_semaphore(%run_scoped3A : memref<!tpu.dma_semaphore, #tpu.memory_space<semaphore_mem>>)
      %dma_wait3A = arith.constant 0 : i32
      %dma_wait3A_93 = tpu.memref_slice %arg5[%add3A_88, %dma_wait3A] : memref<20480x144xf32, #tpu.memory_space<hbm>> -> memref<80x144xf32, #tpu.memory_space<hbm>>
      %dma_wait3A_94 = arith.constant 0 : i32
      %dma_wait3A_95 = tpu.memref_slice %arg8[%add3A_85, %dma_wait3A_94] : memref<10240x144xf32, #tpu.memory_space<vmem_shared>> -> memref<80x144xf32, #tpu.memory_space<vmem_shared>>
      tpu.wait_dma2 semaphore(%run_scoped3A : memref<!tpu.dma_semaphore, #tpu.memory_space<semaphore_mem>>) src(%dma_wait3A_95 : memref<80x144xf32, #tpu.memory_space<vmem_shared>>) dst(%dma_wait3A_93 : memref<80x144xf32, #tpu.memory_space<hbm>>)
      tpu.yield
    }) : () -> ()
    return
  }
}

#map = affine_map<(d0, d1) -> (0, 0)>
module attributes {stable_mosaic.version = 14 : i64} {
  func.func @body(%arg0: i32, %arg1: i32, %arg2: memref<10000x16xf32, #tpu.memory_space<hbm>>, %arg3: memref<3200x100xi32, #tpu.memory_space<hbm>>, %arg4: memref<3200x100xi32, #tpu.memory_space<hbm>>, %arg5: memref<20480x16xf32, #tpu.memory_space<hbm>>, %arg6: memref<40x100xi32, #tpu.memory_space<vmem>>, %arg7: memref<40x100xi32, #tpu.memory_space<vmem>>, %arg8: memref<10240x16xf32, #tpu.memory_space<vmem_shared>>, %arg9: memref<!tpu.dma_semaphore, #tpu.memory_space<semaphore_mem>>, %arg10: memref<100x16xf32, #tpu.memory_space<vmem>>, %arg11: memref<100x16xf32, #tpu.memory_space<vmem>>, %arg12: memref<100x16xf32, #tpu.memory_space<vmem>>, %arg13: memref<100x16xf32, #tpu.memory_space<vmem>>, %arg14: memref<!tpu.dma_semaphore, #tpu.memory_space<semaphore_mem>>, %arg15: memref<!tpu.dma_semaphore, #tpu.memory_space<semaphore_mem>>, %arg16: memref<!tpu.dma_semaphore, #tpu.memory_space<semaphore_mem>>, %arg17: memref<!tpu.dma_semaphore, #tpu.memory_space<semaphore_mem>>) attributes {dimension_semantics = [#tpu.dimension_semantics<core_parallel>, #tpu.dimension_semantics<subcore_parallel>], iteration_bounds = array<i64: 2, 16>, scalar_prefetch = 0 : i64, scratch_operands = 12 : i64, tpu.core_type = #tpu.core_type<sc_vector_subcore>, window_params = [{transform_indices = #map}, {transform_indices = #map}, {transform_indices = #map}, {transform_indices = #map}]} {
    %mul3A = arith.constant 2 : i32
    %mul3A_0 = arith.muli %arg1, %mul3A : i32
    %add3A = arith.addi %mul3A_0, %arg0 : i32
    %mul3A_1 = arith.constant 100 : i32
    %mul3A_2 = arith.muli %add3A, %mul3A_1 : i32
    %broadcast_in_dim3A = arith.constant 0.000000e+00 : f32
    %broadcast_in_dim3A_3 = vector.broadcast %broadcast_in_dim3A : f32 to vector<16xf32>
    %scan3A = arith.constant 0 : i32
    %scan3A_4 = arith.constant 0 : i32
    %scan3A_5 = arith.constant 80 : i32
    %scan3A_6 = arith.addi %scan3A_4, %scan3A_5 : i32
    %scan3A_7 = arith.constant 1 : i32
    %scan3A_8 = scf.for %scan3A_103 = %scan3A_4 to %scan3A_6 step %scan3A_7 iter_args(%scan3A_104 = %scan3A) -> (i32)  : i32 {
      %swap3A = arith.index_cast %scan3A_103 : i32 to index
      %swap3A_105 = arith.constant 0 : index
      %swap3A_106 = tpu.vector_load %arg10[%swap3A, %swap3A_105] {strides = array<i32>} : memref<100x16xf32, #tpu.memory_space<vmem>>, vector<1x16xf32>,
      %swap3A_107 = vector.shape_cast %swap3A_106 : vector<1x16xf32> to vector<16xf32>
      %swap3A_108 = vector.shape_cast %broadcast_in_dim3A_3 : vector<16xf32> to vector<1x16xf32>
      tpu.vector_store %arg10[%swap3A, %swap3A_105], %swap3A_108 {strides = array<i32>} : memref<100x16xf32, #tpu.memory_space<vmem>>, vector<1x16xf32>,
      %scan3A_109 = arith.constant 0 : i32
      scf.yield %scan3A_109 : i32
    }
    %scan3A_9 = arith.constant 80 : i32
    %mul3A_10 = arith.constant 640 : i32
    %mul3A_11 = arith.muli %arg1, %mul3A_10 : i32
    %add3A_12 = arith.constant 0 : i32
    %add3A_13 = arith.addi %mul3A_11, %add3A_12 : i32
    "tpu.region"() ({
      %run_scoped3A = tpu.sem_alloc : memref<!tpu.dma_semaphore, #tpu.memory_space<semaphore_mem>>
      %dma_start3A_103 = arith.constant 0 : i32
      %dma_start3A_104 = arith.constant 0 : i32
      %dma_start3A_105 = tpu.memref_slice %arg10[%dma_start3A_103, %dma_start3A_104] : memref<100x16xf32, #tpu.memory_space<vmem>> -> memref<80x16xf32, #tpu.memory_space<vmem>>
      %dma_start3A_106 = arith.constant 0 : i32
      %dma_start3A_107 = tpu.memref_slice %arg8[%add3A_13, %dma_start3A_106] : memref<10240x16xf32, #tpu.memory_space<vmem_shared>> -> memref<80x16xf32, #tpu.memory_space<vmem_shared>>
      %dma_start3A_108 = arith.constant 0 : i32
      %dma_start3A_109 = tpu.memref_slice %arg8[%add3A_13, %dma_start3A_108] : memref<10240x16xf32, #tpu.memory_space<vmem_shared>> -> memref<80x16xf32, #tpu.memory_space<vmem_shared>>
      %dma_start3A_110 = arith.constant 0 : i32
      %dma_start3A_111 = arith.constant 0 : i32
      %dma_start3A_112 = tpu.memref_slice %arg10[%dma_start3A_110, %dma_start3A_111] : memref<100x16xf32, #tpu.memory_space<vmem>> -> memref<80x16xf32, #tpu.memory_space<vmem>>
      tpu.enqueue_dma source(%dma_start3A_112 : memref<80x16xf32, #tpu.memory_space<vmem>>) target(%dma_start3A_109 : memref<80x16xf32, #tpu.memory_space<vmem_shared>>) target_semaphore(%run_scoped3A : memref<!tpu.dma_semaphore, #tpu.memory_space<semaphore_mem>>)
      %dma_wait3A = arith.constant 0 : i32
      %dma_wait3A_113 = arith.constant 0 : i32
      %dma_wait3A_114 = tpu.memref_slice %arg10[%dma_wait3A, %dma_wait3A_113] : memref<100x16xf32, #tpu.memory_space<vmem>> -> memref<80x16xf32, #tpu.memory_space<vmem>>
      %dma_wait3A_115 = arith.constant 0 : i32
      %dma_wait3A_116 = tpu.memref_slice %arg8[%add3A_13, %dma_wait3A_115] : memref<10240x16xf32, #tpu.memory_space<vmem_shared>> -> memref<80x16xf32, #tpu.memory_space<vmem_shared>>
      %dma_wait3A_117 = arith.constant 0 : i32
      %dma_wait3A_118 = tpu.memref_slice %arg8[%add3A_13, %dma_wait3A_117] : memref<10240x16xf32, #tpu.memory_space<vmem_shared>> -> memref<80x16xf32, #tpu.memory_space<vmem_shared>>
      %dma_wait3A_119 = arith.constant 0 : i32
      %dma_wait3A_120 = arith.constant 0 : i32
      %dma_wait3A_121 = tpu.memref_slice %arg10[%dma_wait3A_119, %dma_wait3A_120] : memref<100x16xf32, #tpu.memory_space<vmem>> -> memref<80x16xf32, #tpu.memory_space<vmem>>
      tpu.wait_dma2 semaphore(%run_scoped3A : memref<!tpu.dma_semaphore, #tpu.memory_space<semaphore_mem>>) src(%dma_wait3A_121 : memref<80x16xf32, #tpu.memory_space<vmem>>) dst(%dma_wait3A_118 : memref<80x16xf32, #tpu.memory_space<vmem_shared>>)
      tpu.yield
    }) : () -> ()
    %add3A_14 = arith.constant 80 : i32
    %add3A_15 = arith.addi %mul3A_11, %add3A_14 : i32
    "tpu.region"() ({
      %run_scoped3A = tpu.sem_alloc : memref<!tpu.dma_semaphore, #tpu.memory_space<semaphore_mem>>
      %dma_start3A_103 = arith.constant 0 : i32
      %dma_start3A_104 = arith.constant 0 : i32
      %dma_start3A_105 = tpu.memref_slice %arg10[%dma_start3A_103, %dma_start3A_104] : memref<100x16xf32, #tpu.memory_space<vmem>> -> memref<80x16xf32, #tpu.memory_space<vmem>>
      %dma_start3A_106 = arith.constant 0 : i32
      %dma_start3A_107 = tpu.memref_slice %arg8[%add3A_15, %dma_start3A_106] : memref<10240x16xf32, #tpu.memory_space<vmem_shared>> -> memref<80x16xf32, #tpu.memory_space<vmem_shared>>
      %dma_start3A_108 = arith.constant 0 : i32
      %dma_start3A_109 = tpu.memref_slice %arg8[%add3A_15, %dma_start3A_108] : memref<10240x16xf32, #tpu.memory_space<vmem_shared>> -> memref<80x16xf32, #tpu.memory_space<vmem_shared>>
      %dma_start3A_110 = arith.constant 0 : i32
      %dma_start3A_111 = arith.constant 0 : i32
      %dma_start3A_112 = tpu.memref_slice %arg10[%dma_start3A_110, %dma_start3A_111] : memref<100x16xf32, #tpu.memory_space<vmem>> -> memref<80x16xf32, #tpu.memory_space<vmem>>
      tpu.enqueue_dma source(%dma_start3A_112 : memref<80x16xf32, #tpu.memory_space<vmem>>) target(%dma_start3A_109 : memref<80x16xf32, #tpu.memory_space<vmem_shared>>) target_semaphore(%run_scoped3A : memref<!tpu.dma_semaphore, #tpu.memory_space<semaphore_mem>>)
      %dma_wait3A = arith.constant 0 : i32
      %dma_wait3A_113 = arith.constant 0 : i32
      %dma_wait3A_114 = tpu.memref_slice %arg10[%dma_wait3A, %dma_wait3A_113] : memref<100x16xf32, #tpu.memory_space<vmem>> -> memref<80x16xf32, #tpu.memory_space<vmem>>
      %dma_wait3A_115 = arith.constant 0 : i32
      %dma_wait3A_116 = tpu.memref_slice %arg8[%add3A_15, %dma_wait3A_115] : memref<10240x16xf32, #tpu.memory_space<vmem_shared>> -> memref<80x16xf32, #tpu.memory_space<vmem_shared>>
      %dma_wait3A_117 = arith.constant 0 : i32
      %dma_wait3A_118 = tpu.memref_slice %arg8[%add3A_15, %dma_wait3A_117] : memref<10240x16xf32, #tpu.memory_space<vmem_shared>> -> memref<80x16xf32, #tpu.memory_space<vmem_shared>>
      %dma_wait3A_119 = arith.constant 0 : i32
      %dma_wait3A_120 = arith.constant 0 : i32
      %dma_wait3A_121 = tpu.memref_slice %arg10[%dma_wait3A_119, %dma_wait3A_120] : memref<100x16xf32, #tpu.memory_space<vmem>> -> memref<80x16xf32, #tpu.memory_space<vmem>>
      tpu.wait_dma2 semaphore(%run_scoped3A : memref<!tpu.dma_semaphore, #tpu.memory_space<semaphore_mem>>) src(%dma_wait3A_121 : memref<80x16xf32, #tpu.memory_space<vmem>>) dst(%dma_wait3A_118 : memref<80x16xf32, #tpu.memory_space<vmem_shared>>)
      tpu.yield
    }) : () -> ()
    %add3A_16 = arith.constant 160 : i32
    %add3A_17 = arith.addi %mul3A_11, %add3A_16 : i32
    "tpu.region"() ({
      %run_scoped3A = tpu.sem_alloc : memref<!tpu.dma_semaphore, #tpu.memory_space<semaphore_mem>>
      %dma_start3A_103 = arith.constant 0 : i32
      %dma_start3A_104 = arith.constant 0 : i32
      %dma_start3A_105 = tpu.memref_slice %arg10[%dma_start3A_103, %dma_start3A_104] : memref<100x16xf32, #tpu.memory_space<vmem>> -> memref<80x16xf32, #tpu.memory_space<vmem>>
      %dma_start3A_106 = arith.constant 0 : i32
      %dma_start3A_107 = tpu.memref_slice %arg8[%add3A_17, %dma_start3A_106] : memref<10240x16xf32, #tpu.memory_space<vmem_shared>> -> memref<80x16xf32, #tpu.memory_space<vmem_shared>>
      %dma_start3A_108 = arith.constant 0 : i32
      %dma_start3A_109 = tpu.memref_slice %arg8[%add3A_17, %dma_start3A_108] : memref<10240x16xf32, #tpu.memory_space<vmem_shared>> -> memref<80x16xf32, #tpu.memory_space<vmem_shared>>
      %dma_start3A_110 = arith.constant 0 : i32
      %dma_start3A_111 = arith.constant 0 : i32
      %dma_start3A_112 = tpu.memref_slice %arg10[%dma_start3A_110, %dma_start3A_111] : memref<100x16xf32, #tpu.memory_space<vmem>> -> memref<80x16xf32, #tpu.memory_space<vmem>>
      tpu.enqueue_dma source(%dma_start3A_112 : memref<80x16xf32, #tpu.memory_space<vmem>>) target(%dma_start3A_109 : memref<80x16xf32, #tpu.memory_space<vmem_shared>>) target_semaphore(%run_scoped3A : memref<!tpu.dma_semaphore, #tpu.memory_space<semaphore_mem>>)
      %dma_wait3A = arith.constant 0 : i32
      %dma_wait3A_113 = arith.constant 0 : i32
      %dma_wait3A_114 = tpu.memref_slice %arg10[%dma_wait3A, %dma_wait3A_113] : memref<100x16xf32, #tpu.memory_space<vmem>> -> memref<80x16xf32, #tpu.memory_space<vmem>>
      %dma_wait3A_115 = arith.constant 0 : i32
      %dma_wait3A_116 = tpu.memref_slice %arg8[%add3A_17, %dma_wait3A_115] : memref<10240x16xf32, #tpu.memory_space<vmem_shared>> -> memref<80x16xf32, #tpu.memory_space<vmem_shared>>
      %dma_wait3A_117 = arith.constant 0 : i32
      %dma_wait3A_118 = tpu.memref_slice %arg8[%add3A_17, %dma_wait3A_117] : memref<10240x16xf32, #tpu.memory_space<vmem_shared>> -> memref<80x16xf32, #tpu.memory_space<vmem_shared>>
      %dma_wait3A_119 = arith.constant 0 : i32
      %dma_wait3A_120 = arith.constant 0 : i32
      %dma_wait3A_121 = tpu.memref_slice %arg10[%dma_wait3A_119, %dma_wait3A_120] : memref<100x16xf32, #tpu.memory_space<vmem>> -> memref<80x16xf32, #tpu.memory_space<vmem>>
      tpu.wait_dma2 semaphore(%run_scoped3A : memref<!tpu.dma_semaphore, #tpu.memory_space<semaphore_mem>>) src(%dma_wait3A_121 : memref<80x16xf32, #tpu.memory_space<vmem>>) dst(%dma_wait3A_118 : memref<80x16xf32, #tpu.memory_space<vmem_shared>>)
      tpu.yield
    }) : () -> ()
    %add3A_18 = arith.constant 240 : i32
    %add3A_19 = arith.addi %mul3A_11, %add3A_18 : i32
    "tpu.region"() ({
      %run_scoped3A = tpu.sem_alloc : memref<!tpu.dma_semaphore, #tpu.memory_space<semaphore_mem>>
      %dma_start3A_103 = arith.constant 0 : i32
      %dma_start3A_104 = arith.constant 0 : i32
      %dma_start3A_105 = tpu.memref_slice %arg10[%dma_start3A_103, %dma_start3A_104] : memref<100x16xf32, #tpu.memory_space<vmem>> -> memref<80x16xf32, #tpu.memory_space<vmem>>
      %dma_start3A_106 = arith.constant 0 : i32
      %dma_start3A_107 = tpu.memref_slice %arg8[%add3A_19, %dma_start3A_106] : memref<10240x16xf32, #tpu.memory_space<vmem_shared>> -> memref<80x16xf32, #tpu.memory_space<vmem_shared>>
      %dma_start3A_108 = arith.constant 0 : i32
      %dma_start3A_109 = tpu.memref_slice %arg8[%add3A_19, %dma_start3A_108] : memref<10240x16xf32, #tpu.memory_space<vmem_shared>> -> memref<80x16xf32, #tpu.memory_space<vmem_shared>>
      %dma_start3A_110 = arith.constant 0 : i32
      %dma_start3A_111 = arith.constant 0 : i32
      %dma_start3A_112 = tpu.memref_slice %arg10[%dma_start3A_110, %dma_start3A_111] : memref<100x16xf32, #tpu.memory_space<vmem>> -> memref<80x16xf32, #tpu.memory_space<vmem>>
      tpu.enqueue_dma source(%dma_start3A_112 : memref<80x16xf32, #tpu.memory_space<vmem>>) target(%dma_start3A_109 : memref<80x16xf32, #tpu.memory_space<vmem_shared>>) target_semaphore(%run_scoped3A : memref<!tpu.dma_semaphore, #tpu.memory_space<semaphore_mem>>)
      %dma_wait3A = arith.constant 0 : i32
      %dma_wait3A_113 = arith.constant 0 : i32
      %dma_wait3A_114 = tpu.memref_slice %arg10[%dma_wait3A, %dma_wait3A_113] : memref<100x16xf32, #tpu.memory_space<vmem>> -> memref<80x16xf32, #tpu.memory_space<vmem>>
      %dma_wait3A_115 = arith.constant 0 : i32
      %dma_wait3A_116 = tpu.memref_slice %arg8[%add3A_19, %dma_wait3A_115] : memref<10240x16xf32, #tpu.memory_space<vmem_shared>> -> memref<80x16xf32, #tpu.memory_space<vmem_shared>>
      %dma_wait3A_117 = arith.constant 0 : i32
      %dma_wait3A_118 = tpu.memref_slice %arg8[%add3A_19, %dma_wait3A_117] : memref<10240x16xf32, #tpu.memory_space<vmem_shared>> -> memref<80x16xf32, #tpu.memory_space<vmem_shared>>
      %dma_wait3A_119 = arith.constant 0 : i32
      %dma_wait3A_120 = arith.constant 0 : i32
      %dma_wait3A_121 = tpu.memref_slice %arg10[%dma_wait3A_119, %dma_wait3A_120] : memref<100x16xf32, #tpu.memory_space<vmem>> -> memref<80x16xf32, #tpu.memory_space<vmem>>
      tpu.wait_dma2 semaphore(%run_scoped3A : memref<!tpu.dma_semaphore, #tpu.memory_space<semaphore_mem>>) src(%dma_wait3A_121 : memref<80x16xf32, #tpu.memory_space<vmem>>) dst(%dma_wait3A_118 : memref<80x16xf32, #tpu.memory_space<vmem_shared>>)
      tpu.yield
    }) : () -> ()
    %add3A_20 = arith.constant 320 : i32
    %add3A_21 = arith.addi %mul3A_11, %add3A_20 : i32
    "tpu.region"() ({
      %run_scoped3A = tpu.sem_alloc : memref<!tpu.dma_semaphore, #tpu.memory_space<semaphore_mem>>
      %dma_start3A_103 = arith.constant 0 : i32
      %dma_start3A_104 = arith.constant 0 : i32
      %dma_start3A_105 = tpu.memref_slice %arg10[%dma_start3A_103, %dma_start3A_104] : memref<100x16xf32, #tpu.memory_space<vmem>> -> memref<80x16xf32, #tpu.memory_space<vmem>>
      %dma_start3A_106 = arith.constant 0 : i32
      %dma_start3A_107 = tpu.memref_slice %arg8[%add3A_21, %dma_start3A_106] : memref<10240x16xf32, #tpu.memory_space<vmem_shared>> -> memref<80x16xf32, #tpu.memory_space<vmem_shared>>
      %dma_start3A_108 = arith.constant 0 : i32
      %dma_start3A_109 = tpu.memref_slice %arg8[%add3A_21, %dma_start3A_108] : memref<10240x16xf32, #tpu.memory_space<vmem_shared>> -> memref<80x16xf32, #tpu.memory_space<vmem_shared>>
      %dma_start3A_110 = arith.constant 0 : i32
      %dma_start3A_111 = arith.constant 0 : i32
      %dma_start3A_112 = tpu.memref_slice %arg10[%dma_start3A_110, %dma_start3A_111] : memref<100x16xf32, #tpu.memory_space<vmem>> -> memref<80x16xf32, #tpu.memory_space<vmem>>
      tpu.enqueue_dma source(%dma_start3A_112 : memref<80x16xf32, #tpu.memory_space<vmem>>) target(%dma_start3A_109 : memref<80x16xf32, #tpu.memory_space<vmem_shared>>) target_semaphore(%run_scoped3A : memref<!tpu.dma_semaphore, #tpu.memory_space<semaphore_mem>>)
      %dma_wait3A = arith.constant 0 : i32
      %dma_wait3A_113 = arith.constant 0 : i32
      %dma_wait3A_114 = tpu.memref_slice %arg10[%dma_wait3A, %dma_wait3A_113] : memref<100x16xf32, #tpu.memory_space<vmem>> -> memref<80x16xf32, #tpu.memory_space<vmem>>
      %dma_wait3A_115 = arith.constant 0 : i32
      %dma_wait3A_116 = tpu.memref_slice %arg8[%add3A_21, %dma_wait3A_115] : memref<10240x16xf32, #tpu.memory_space<vmem_shared>> -> memref<80x16xf32, #tpu.memory_space<vmem_shared>>
      %dma_wait3A_117 = arith.constant 0 : i32
      %dma_wait3A_118 = tpu.memref_slice %arg8[%add3A_21, %dma_wait3A_117] : memref<10240x16xf32, #tpu.memory_space<vmem_shared>> -> memref<80x16xf32, #tpu.memory_space<vmem_shared>>
      %dma_wait3A_119 = arith.constant 0 : i32
      %dma_wait3A_120 = arith.constant 0 : i32
      %dma_wait3A_121 = tpu.memref_slice %arg10[%dma_wait3A_119, %dma_wait3A_120] : memref<100x16xf32, #tpu.memory_space<vmem>> -> memref<80x16xf32, #tpu.memory_space<vmem>>
      tpu.wait_dma2 semaphore(%run_scoped3A : memref<!tpu.dma_semaphore, #tpu.memory_space<semaphore_mem>>) src(%dma_wait3A_121 : memref<80x16xf32, #tpu.memory_space<vmem>>) dst(%dma_wait3A_118 : memref<80x16xf32, #tpu.memory_space<vmem_shared>>)
      tpu.yield
    }) : () -> ()
    %add3A_22 = arith.constant 400 : i32
    %add3A_23 = arith.addi %mul3A_11, %add3A_22 : i32
    "tpu.region"() ({
      %run_scoped3A = tpu.sem_alloc : memref<!tpu.dma_semaphore, #tpu.memory_space<semaphore_mem>>
      %dma_start3A_103 = arith.constant 0 : i32
      %dma_start3A_104 = arith.constant 0 : i32
      %dma_start3A_105 = tpu.memref_slice %arg10[%dma_start3A_103, %dma_start3A_104] : memref<100x16xf32, #tpu.memory_space<vmem>> -> memref<80x16xf32, #tpu.memory_space<vmem>>
      %dma_start3A_106 = arith.constant 0 : i32
      %dma_start3A_107 = tpu.memref_slice %arg8[%add3A_23, %dma_start3A_106] : memref<10240x16xf32, #tpu.memory_space<vmem_shared>> -> memref<80x16xf32, #tpu.memory_space<vmem_shared>>
      %dma_start3A_108 = arith.constant 0 : i32
      %dma_start3A_109 = tpu.memref_slice %arg8[%add3A_23, %dma_start3A_108] : memref<10240x16xf32, #tpu.memory_space<vmem_shared>> -> memref<80x16xf32, #tpu.memory_space<vmem_shared>>
      %dma_start3A_110 = arith.constant 0 : i32
      %dma_start3A_111 = arith.constant 0 : i32
      %dma_start3A_112 = tpu.memref_slice %arg10[%dma_start3A_110, %dma_start3A_111] : memref<100x16xf32, #tpu.memory_space<vmem>> -> memref<80x16xf32, #tpu.memory_space<vmem>>
      tpu.enqueue_dma source(%dma_start3A_112 : memref<80x16xf32, #tpu.memory_space<vmem>>) target(%dma_start3A_109 : memref<80x16xf32, #tpu.memory_space<vmem_shared>>) target_semaphore(%run_scoped3A : memref<!tpu.dma_semaphore, #tpu.memory_space<semaphore_mem>>)
      %dma_wait3A = arith.constant 0 : i32
      %dma_wait3A_113 = arith.constant 0 : i32
      %dma_wait3A_114 = tpu.memref_slice %arg10[%dma_wait3A, %dma_wait3A_113] : memref<100x16xf32, #tpu.memory_space<vmem>> -> memref<80x16xf32, #tpu.memory_space<vmem>>
      %dma_wait3A_115 = arith.constant 0 : i32
      %dma_wait3A_116 = tpu.memref_slice %arg8[%add3A_23, %dma_wait3A_115] : memref<10240x16xf32, #tpu.memory_space<vmem_shared>> -> memref<80x16xf32, #tpu.memory_space<vmem_shared>>
      %dma_wait3A_117 = arith.constant 0 : i32
      %dma_wait3A_118 = tpu.memref_slice %arg8[%add3A_23, %dma_wait3A_117] : memref<10240x16xf32, #tpu.memory_space<vmem_shared>> -> memref<80x16xf32, #tpu.memory_space<vmem_shared>>
      %dma_wait3A_119 = arith.constant 0 : i32
      %dma_wait3A_120 = arith.constant 0 : i32
      %dma_wait3A_121 = tpu.memref_slice %arg10[%dma_wait3A_119, %dma_wait3A_120] : memref<100x16xf32, #tpu.memory_space<vmem>> -> memref<80x16xf32, #tpu.memory_space<vmem>>
      tpu.wait_dma2 semaphore(%run_scoped3A : memref<!tpu.dma_semaphore, #tpu.memory_space<semaphore_mem>>) src(%dma_wait3A_121 : memref<80x16xf32, #tpu.memory_space<vmem>>) dst(%dma_wait3A_118 : memref<80x16xf32, #tpu.memory_space<vmem_shared>>)
      tpu.yield
    }) : () -> ()
    %add3A_24 = arith.constant 480 : i32
    %add3A_25 = arith.addi %mul3A_11, %add3A_24 : i32
    "tpu.region"() ({
      %run_scoped3A = tpu.sem_alloc : memref<!tpu.dma_semaphore, #tpu.memory_space<semaphore_mem>>
      %dma_start3A_103 = arith.constant 0 : i32
      %dma_start3A_104 = arith.constant 0 : i32
      %dma_start3A_105 = tpu.memref_slice %arg10[%dma_start3A_103, %dma_start3A_104] : memref<100x16xf32, #tpu.memory_space<vmem>> -> memref<80x16xf32, #tpu.memory_space<vmem>>
      %dma_start3A_106 = arith.constant 0 : i32
      %dma_start3A_107 = tpu.memref_slice %arg8[%add3A_25, %dma_start3A_106] : memref<10240x16xf32, #tpu.memory_space<vmem_shared>> -> memref<80x16xf32, #tpu.memory_space<vmem_shared>>
      %dma_start3A_108 = arith.constant 0 : i32
      %dma_start3A_109 = tpu.memref_slice %arg8[%add3A_25, %dma_start3A_108] : memref<10240x16xf32, #tpu.memory_space<vmem_shared>> -> memref<80x16xf32, #tpu.memory_space<vmem_shared>>
      %dma_start3A_110 = arith.constant 0 : i32
      %dma_start3A_111 = arith.constant 0 : i32
      %dma_start3A_112 = tpu.memref_slice %arg10[%dma_start3A_110, %dma_start3A_111] : memref<100x16xf32, #tpu.memory_space<vmem>> -> memref<80x16xf32, #tpu.memory_space<vmem>>
      tpu.enqueue_dma source(%dma_start3A_112 : memref<80x16xf32, #tpu.memory_space<vmem>>) target(%dma_start3A_109 : memref<80x16xf32, #tpu.memory_space<vmem_shared>>) target_semaphore(%run_scoped3A : memref<!tpu.dma_semaphore, #tpu.memory_space<semaphore_mem>>)
      %dma_wait3A = arith.constant 0 : i32
      %dma_wait3A_113 = arith.constant 0 : i32
      %dma_wait3A_114 = tpu.memref_slice %arg10[%dma_wait3A, %dma_wait3A_113] : memref<100x16xf32, #tpu.memory_space<vmem>> -> memref<80x16xf32, #tpu.memory_space<vmem>>
      %dma_wait3A_115 = arith.constant 0 : i32
      %dma_wait3A_116 = tpu.memref_slice %arg8[%add3A_25, %dma_wait3A_115] : memref<10240x16xf32, #tpu.memory_space<vmem_shared>> -> memref<80x16xf32, #tpu.memory_space<vmem_shared>>
      %dma_wait3A_117 = arith.constant 0 : i32
      %dma_wait3A_118 = tpu.memref_slice %arg8[%add3A_25, %dma_wait3A_117] : memref<10240x16xf32, #tpu.memory_space<vmem_shared>> -> memref<80x16xf32, #tpu.memory_space<vmem_shared>>
      %dma_wait3A_119 = arith.constant 0 : i32
      %dma_wait3A_120 = arith.constant 0 : i32
      %dma_wait3A_121 = tpu.memref_slice %arg10[%dma_wait3A_119, %dma_wait3A_120] : memref<100x16xf32, #tpu.memory_space<vmem>> -> memref<80x16xf32, #tpu.memory_space<vmem>>
      tpu.wait_dma2 semaphore(%run_scoped3A : memref<!tpu.dma_semaphore, #tpu.memory_space<semaphore_mem>>) src(%dma_wait3A_121 : memref<80x16xf32, #tpu.memory_space<vmem>>) dst(%dma_wait3A_118 : memref<80x16xf32, #tpu.memory_space<vmem_shared>>)
      tpu.yield
    }) : () -> ()
    %add3A_26 = arith.constant 560 : i32
    %add3A_27 = arith.addi %mul3A_11, %add3A_26 : i32
    "tpu.region"() ({
      %run_scoped3A = tpu.sem_alloc : memref<!tpu.dma_semaphore, #tpu.memory_space<semaphore_mem>>
      %dma_start3A_103 = arith.constant 0 : i32
      %dma_start3A_104 = arith.constant 0 : i32
      %dma_start3A_105 = tpu.memref_slice %arg10[%dma_start3A_103, %dma_start3A_104] : memref<100x16xf32, #tpu.memory_space<vmem>> -> memref<80x16xf32, #tpu.memory_space<vmem>>
      %dma_start3A_106 = arith.constant 0 : i32
      %dma_start3A_107 = tpu.memref_slice %arg8[%add3A_27, %dma_start3A_106] : memref<10240x16xf32, #tpu.memory_space<vmem_shared>> -> memref<80x16xf32, #tpu.memory_space<vmem_shared>>
      %dma_start3A_108 = arith.constant 0 : i32
      %dma_start3A_109 = tpu.memref_slice %arg8[%add3A_27, %dma_start3A_108] : memref<10240x16xf32, #tpu.memory_space<vmem_shared>> -> memref<80x16xf32, #tpu.memory_space<vmem_shared>>
      %dma_start3A_110 = arith.constant 0 : i32
      %dma_start3A_111 = arith.constant 0 : i32
      %dma_start3A_112 = tpu.memref_slice %arg10[%dma_start3A_110, %dma_start3A_111] : memref<100x16xf32, #tpu.memory_space<vmem>> -> memref<80x16xf32, #tpu.memory_space<vmem>>
      tpu.enqueue_dma source(%dma_start3A_112 : memref<80x16xf32, #tpu.memory_space<vmem>>) target(%dma_start3A_109 : memref<80x16xf32, #tpu.memory_space<vmem_shared>>) target_semaphore(%run_scoped3A : memref<!tpu.dma_semaphore, #tpu.memory_space<semaphore_mem>>)
      %dma_wait3A = arith.constant 0 : i32
      %dma_wait3A_113 = arith.constant 0 : i32
      %dma_wait3A_114 = tpu.memref_slice %arg10[%dma_wait3A, %dma_wait3A_113] : memref<100x16xf32, #tpu.memory_space<vmem>> -> memref<80x16xf32, #tpu.memory_space<vmem>>
      %dma_wait3A_115 = arith.constant 0 : i32
      %dma_wait3A_116 = tpu.memref_slice %arg8[%add3A_27, %dma_wait3A_115] : memref<10240x16xf32, #tpu.memory_space<vmem_shared>> -> memref<80x16xf32, #tpu.memory_space<vmem_shared>>
      %dma_wait3A_117 = arith.constant 0 : i32
      %dma_wait3A_118 = tpu.memref_slice %arg8[%add3A_27, %dma_wait3A_117] : memref<10240x16xf32, #tpu.memory_space<vmem_shared>> -> memref<80x16xf32, #tpu.memory_space<vmem_shared>>
      %dma_wait3A_119 = arith.constant 0 : i32
      %dma_wait3A_120 = arith.constant 0 : i32
      %dma_wait3A_121 = tpu.memref_slice %arg10[%dma_wait3A_119, %dma_wait3A_120] : memref<100x16xf32, #tpu.memory_space<vmem>> -> memref<80x16xf32, #tpu.memory_space<vmem>>
      tpu.wait_dma2 semaphore(%run_scoped3A : memref<!tpu.dma_semaphore, #tpu.memory_space<semaphore_mem>>) src(%dma_wait3A_121 : memref<80x16xf32, #tpu.memory_space<vmem>>) dst(%dma_wait3A_118 : memref<80x16xf32, #tpu.memory_space<vmem_shared>>)
      tpu.yield
    }) : () -> ()
    %barrier3A = arith.constant 0 : index
    tpu.barrier barrier_id(%barrier3A)
    "tpu.region"() ({
      %run_scoped3A = tpu.sem_alloc : memref<!tpu.dma_semaphore, #tpu.memory_space<semaphore_mem>>
      %dma_start3A_103 = arith.constant 0 : i32
      %dma_start3A_104 = arith.constant 0 : i32
      %dma_start3A_105 = tpu.memref_slice %arg6[%dma_start3A_103, %dma_start3A_104] : memref<40x100xi32, #tpu.memory_space<vmem>> -> memref<20x100xi32, #tpu.memory_space<vmem>>
      %dma_start3A_106 = arith.constant 0 : i32
      %dma_start3A_107 = tpu.memref_slice %arg3[%mul3A_2, %dma_start3A_106] : memref<3200x100xi32, #tpu.memory_space<hbm>> -> memref<20x100xi32, #tpu.memory_space<hbm>>
      %dma_start3A_108 = arith.constant 0 : i32
      %dma_start3A_109 = arith.constant 0 : i32
      %dma_start3A_110 = tpu.memref_slice %arg6[%dma_start3A_108, %dma_start3A_109] : memref<40x100xi32, #tpu.memory_space<vmem>> -> memref<20x100xi32, #tpu.memory_space<vmem>>
      %dma_start3A_111 = arith.constant 0 : i32
      %dma_start3A_112 = tpu.memref_slice %arg3[%mul3A_2, %dma_start3A_111] : memref<3200x100xi32, #tpu.memory_space<hbm>> -> memref<20x100xi32, #tpu.memory_space<hbm>>
      tpu.enqueue_dma source(%dma_start3A_112 : memref<20x100xi32, #tpu.memory_space<hbm>>) target(%dma_start3A_110 : memref<20x100xi32, #tpu.memory_space<vmem>>) target_semaphore(%run_scoped3A : memref<!tpu.dma_semaphore, #tpu.memory_space<semaphore_mem>>)
      %dma_wait3A = arith.constant 0 : i32
      %dma_wait3A_113 = arith.constant 0 : i32
      %dma_wait3A_114 = tpu.memref_slice %arg6[%dma_wait3A, %dma_wait3A_113] : memref<40x100xi32, #tpu.memory_space<vmem>> -> memref<20x100xi32, #tpu.memory_space<vmem>>
      %dma_wait3A_115 = arith.constant 0 : i32
      %dma_wait3A_116 = tpu.memref_slice %arg3[%mul3A_2, %dma_wait3A_115] : memref<3200x100xi32, #tpu.memory_space<hbm>> -> memref<20x100xi32, #tpu.memory_space<hbm>>
      %dma_wait3A_117 = arith.constant 0 : i32
      %dma_wait3A_118 = arith.constant 0 : i32
      %dma_wait3A_119 = tpu.memref_slice %arg6[%dma_wait3A_117, %dma_wait3A_118] : memref<40x100xi32, #tpu.memory_space<vmem>> -> memref<20x100xi32, #tpu.memory_space<vmem>>
      %dma_wait3A_120 = arith.constant 0 : i32
      %dma_wait3A_121 = tpu.memref_slice %arg3[%mul3A_2, %dma_wait3A_120] : memref<3200x100xi32, #tpu.memory_space<hbm>> -> memref<20x100xi32, #tpu.memory_space<hbm>>
      tpu.wait_dma2 semaphore(%run_scoped3A : memref<!tpu.dma_semaphore, #tpu.memory_space<semaphore_mem>>) src(%dma_wait3A_121 : memref<20x100xi32, #tpu.memory_space<hbm>>) dst(%dma_wait3A_119 : memref<20x100xi32, #tpu.memory_space<vmem>>)
      tpu.yield
    }) : () -> ()
    "tpu.region"() ({
      %run_scoped3A = tpu.sem_alloc : memref<!tpu.dma_semaphore, #tpu.memory_space<semaphore_mem>>
      %dma_start3A_103 = arith.constant 0 : i32
      %dma_start3A_104 = arith.constant 0 : i32
      %dma_start3A_105 = tpu.memref_slice %arg7[%dma_start3A_103, %dma_start3A_104] : memref<40x100xi32, #tpu.memory_space<vmem>> -> memref<20x100xi32, #tpu.memory_space<vmem>>
      %dma_start3A_106 = arith.constant 0 : i32
      %dma_start3A_107 = tpu.memref_slice %arg4[%mul3A_2, %dma_start3A_106] : memref<3200x100xi32, #tpu.memory_space<hbm>> -> memref<20x100xi32, #tpu.memory_space<hbm>>
      %dma_start3A_108 = arith.constant 0 : i32
      %dma_start3A_109 = arith.constant 0 : i32
      %dma_start3A_110 = tpu.memref_slice %arg7[%dma_start3A_108, %dma_start3A_109] : memref<40x100xi32, #tpu.memory_space<vmem>> -> memref<20x100xi32, #tpu.memory_space<vmem>>
      %dma_start3A_111 = arith.constant 0 : i32
      %dma_start3A_112 = tpu.memref_slice %arg4[%mul3A_2, %dma_start3A_111] : memref<3200x100xi32, #tpu.memory_space<hbm>> -> memref<20x100xi32, #tpu.memory_space<hbm>>
      tpu.enqueue_dma source(%dma_start3A_112 : memref<20x100xi32, #tpu.memory_space<hbm>>) target(%dma_start3A_110 : memref<20x100xi32, #tpu.memory_space<vmem>>) target_semaphore(%run_scoped3A : memref<!tpu.dma_semaphore, #tpu.memory_space<semaphore_mem>>)
      %dma_wait3A = arith.constant 0 : i32
      %dma_wait3A_113 = arith.constant 0 : i32
      %dma_wait3A_114 = tpu.memref_slice %arg7[%dma_wait3A, %dma_wait3A_113] : memref<40x100xi32, #tpu.memory_space<vmem>> -> memref<20x100xi32, #tpu.memory_space<vmem>>
      %dma_wait3A_115 = arith.constant 0 : i32
      %dma_wait3A_116 = tpu.memref_slice %arg4[%mul3A_2, %dma_wait3A_115] : memref<3200x100xi32, #tpu.memory_space<hbm>> -> memref<20x100xi32, #tpu.memory_space<hbm>>
      %dma_wait3A_117 = arith.constant 0 : i32
      %dma_wait3A_118 = arith.constant 0 : i32
      %dma_wait3A_119 = tpu.memref_slice %arg7[%dma_wait3A_117, %dma_wait3A_118] : memref<40x100xi32, #tpu.memory_space<vmem>> -> memref<20x100xi32, #tpu.memory_space<vmem>>
      %dma_wait3A_120 = arith.constant 0 : i32
      %dma_wait3A_121 = tpu.memref_slice %arg4[%mul3A_2, %dma_wait3A_120] : memref<3200x100xi32, #tpu.memory_space<hbm>> -> memref<20x100xi32, #tpu.memory_space<hbm>>
      tpu.wait_dma2 semaphore(%run_scoped3A : memref<!tpu.dma_semaphore, #tpu.memory_space<semaphore_mem>>) src(%dma_wait3A_121 : memref<20x100xi32, #tpu.memory_space<hbm>>) dst(%dma_wait3A_119 : memref<20x100xi32, #tpu.memory_space<vmem>>)
      tpu.yield
    }) : () -> ()
    %dma_start3A = arith.constant 0 : i32
    %dma_start3A_28 = arith.constant 0 : i32
    %dma_start3A_29 = tpu.memref_slice %arg6[%dma_start3A, %dma_start3A_28] : memref<40x100xi32, #tpu.memory_space<vmem>> -> memref<1x100xi32, #tpu.memory_space<vmem>>
    %dma_start3A_30 = tpu.memref_squeeze %dma_start3A_29 : memref<1x100xi32, #tpu.memory_space<vmem>> -> memref<100xi32, #tpu.memory_space<vmem>>
    %dma_start3A_31 = arith.constant 0 : i32
    %dma_start3A_32 = arith.constant 0 : i32
    %dma_start3A_33 = tpu.memref_slice %arg2[%dma_start3A_31, %dma_start3A_32] : memref<10000x16xf32, #tpu.memory_space<hbm>> -> memref<10000x16xf32, #tpu.memory_space<hbm>>
    tpu.enqueue_indirect_dma source(%dma_start3A_33 : memref<10000x16xf32, #tpu.memory_space<hbm>>) target(%arg10 : memref<100x16xf32, #tpu.memory_space<vmem>>) offsets(%dma_start3A_30 : memref<100xi32, #tpu.memory_space<vmem>>) semaphore(%arg14 : memref<!tpu.dma_semaphore, #tpu.memory_space<semaphore_mem>>)
    %dma_start3A_34 = arith.constant 1 : i32
    %dma_start3A_35 = arith.constant 0 : i32
    %dma_start3A_36 = tpu.memref_slice %arg6[%dma_start3A_34, %dma_start3A_35] : memref<40x100xi32, #tpu.memory_space<vmem>> -> memref<1x100xi32, #tpu.memory_space<vmem>>
    %dma_start3A_37 = tpu.memref_squeeze %dma_start3A_36 : memref<1x100xi32, #tpu.memory_space<vmem>> -> memref<100xi32, #tpu.memory_space<vmem>>
    %dma_start3A_38 = arith.constant 0 : i32
    %dma_start3A_39 = arith.constant 0 : i32
    %dma_start3A_40 = tpu.memref_slice %arg2[%dma_start3A_38, %dma_start3A_39] : memref<10000x16xf32, #tpu.memory_space<hbm>> -> memref<10000x16xf32, #tpu.memory_space<hbm>>
    tpu.enqueue_indirect_dma source(%dma_start3A_40 : memref<10000x16xf32, #tpu.memory_space<hbm>>) target(%arg11 : memref<100x16xf32, #tpu.memory_space<vmem>>) offsets(%dma_start3A_37 : memref<100xi32, #tpu.memory_space<vmem>>) semaphore(%arg15 : memref<!tpu.dma_semaphore, #tpu.memory_space<semaphore_mem>>)
    %dma_start3A_41 = arith.constant 2 : i32
    %dma_start3A_42 = arith.constant 0 : i32
    %dma_start3A_43 = tpu.memref_slice %arg6[%dma_start3A_41, %dma_start3A_42] : memref<40x100xi32, #tpu.memory_space<vmem>> -> memref<1x100xi32, #tpu.memory_space<vmem>>
    %dma_start3A_44 = tpu.memref_squeeze %dma_start3A_43 : memref<1x100xi32, #tpu.memory_space<vmem>> -> memref<100xi32, #tpu.memory_space<vmem>>
    %dma_start3A_45 = arith.constant 0 : i32
    %dma_start3A_46 = arith.constant 0 : i32
    %dma_start3A_47 = tpu.memref_slice %arg2[%dma_start3A_45, %dma_start3A_46] : memref<10000x16xf32, #tpu.memory_space<hbm>> -> memref<10000x16xf32, #tpu.memory_space<hbm>>
    tpu.enqueue_indirect_dma source(%dma_start3A_47 : memref<10000x16xf32, #tpu.memory_space<hbm>>) target(%arg12 : memref<100x16xf32, #tpu.memory_space<vmem>>) offsets(%dma_start3A_44 : memref<100xi32, #tpu.memory_space<vmem>>) semaphore(%arg16 : memref<!tpu.dma_semaphore, #tpu.memory_space<semaphore_mem>>)
    %dma_start3A_48 = arith.constant 3 : i32
    %dma_start3A_49 = arith.constant 0 : i32
    %dma_start3A_50 = tpu.memref_slice %arg6[%dma_start3A_48, %dma_start3A_49] : memref<40x100xi32, #tpu.memory_space<vmem>> -> memref<1x100xi32, #tpu.memory_space<vmem>>
    %dma_start3A_51 = tpu.memref_squeeze %dma_start3A_50 : memref<1x100xi32, #tpu.memory_space<vmem>> -> memref<100xi32, #tpu.memory_space<vmem>>
    %dma_start3A_52 = arith.constant 0 : i32
    %dma_start3A_53 = arith.constant 0 : i32
    %dma_start3A_54 = tpu.memref_slice %arg2[%dma_start3A_52, %dma_start3A_53] : memref<10000x16xf32, #tpu.memory_space<hbm>> -> memref<10000x16xf32, #tpu.memory_space<hbm>>
    tpu.enqueue_indirect_dma source(%dma_start3A_54 : memref<10000x16xf32, #tpu.memory_space<hbm>>) target(%arg13 : memref<100x16xf32, #tpu.memory_space<vmem>>) offsets(%dma_start3A_51 : memref<100xi32, #tpu.memory_space<vmem>>) semaphore(%arg17 : memref<!tpu.dma_semaphore, #tpu.memory_space<semaphore_mem>>)
    %scan3A_55 = arith.constant 0 : i32
    %scan3A_56 = arith.constant 0 : i32
    %scan3A_57 = arith.constant 25 : i32
    %scan3A_58 = arith.addi %scan3A_56, %scan3A_57 : i32
    %scan3A_59 = arith.constant 1 : i32
    %scan3A_60 = scf.for %scan3A_103 = %scan3A_56 to %scan3A_58 step %scan3A_59 iter_args(%scan3A_104 = %scan3A_55) -> (i32)  : i32 {
      %mul3A_105 = arith.constant 4 : i32
      %mul3A_106 = arith.muli %scan3A_103, %mul3A_105 : i32
      %add3A_107 = arith.constant 4 : i32
      %add3A_108 = arith.addi %mul3A_106, %add3A_107 : i32
      %jit3A = arith.constant 20 : i32
      %eq3A = arith.constant 0 : i32
      %eq3A_109 = arith.cmpi eq, %jit3A, %eq3A : i32
      %jit3A_110 = arith.constant 1 : i32
      %select_n3A = arith.select %eq3A_109, %jit3A_110, %jit3A : i32
      %rem3A = arith.remsi %add3A_108, %select_n3A : i32
      %ne3A = arith.constant 0 : i32
      %ne3A_111 = arith.cmpi ne, %rem3A, %ne3A : i32
      %lt3A = arith.constant 0 : i32
      %lt3A_112 = arith.cmpi slt, %rem3A, %lt3A : i32
      %lt3A_113 = arith.constant 0 : i32
      %lt3A_114 = arith.cmpi slt, %select_n3A, %lt3A_113 : i32
      %ne3A_115 = arith.xori %lt3A_112, %lt3A_114 : i1
      %and3A = arith.andi %ne3A_115, %ne3A_111 : i1
      %add3A_116 = arith.addi %rem3A, %select_n3A : i32
      %select_n3A_117 = arith.select %and3A, %add3A_116, %rem3A : i32
      %eq3A_118 = arith.constant 0 : i32
      %eq3A_119 = arith.cmpi eq, %select_n3A_117, %eq3A_118 : i32
      %gt3A = arith.constant 4 : i32
      %gt3A_120 = arith.cmpi sgt, %add3A_108, %gt3A : i32
      %and3A_121 = arith.andi %eq3A_119, %gt3A_120 : i1
      %lt3A_122 = arith.constant 100 : i32
      %lt3A_123 = arith.cmpi slt, %add3A_108, %lt3A_122 : i32
      %and3A_124 = arith.andi %and3A_121, %lt3A_123 : i1
      %convert_element_type3A = arith.extui %and3A_124 : i1 to i32
      %cond3A = arith.constant 0 : i32
      %cond3A_125 = arith.cmpi ne, %convert_element_type3A, %cond3A : i32
      scf.if %cond3A_125 {
        %dma_wait3A_341 = arith.constant 0 : i32
        %dma_wait3A_342 = arith.constant 0 : i32
        %dma_wait3A_343 = tpu.memref_slice %arg6[%dma_wait3A_341, %dma_wait3A_342] : memref<40x100xi32, #tpu.memory_space<vmem>> -> memref<20x100xi32, #tpu.memory_space<vmem>>
        %dma_wait3A_344 = arith.constant 0 : i32
        %dma_wait3A_345 = tpu.memref_slice %arg3[%mul3A_2, %dma_wait3A_344] : memref<3200x100xi32, #tpu.memory_space<hbm>> -> memref<20x100xi32, #tpu.memory_space<hbm>>
        %dma_wait3A_346 = arith.constant 0 : i32
        %dma_wait3A_347 = arith.constant 0 : i32
        %dma_wait3A_348 = tpu.memref_slice %arg6[%dma_wait3A_346, %dma_wait3A_347] : memref<40x100xi32, #tpu.memory_space<vmem>> -> memref<20x100xi32, #tpu.memory_space<vmem>>
        %dma_wait3A_349 = arith.constant 0 : i32
        %dma_wait3A_350 = tpu.memref_slice %arg3[%mul3A_2, %dma_wait3A_349] : memref<3200x100xi32, #tpu.memory_space<hbm>> -> memref<20x100xi32, #tpu.memory_space<hbm>>
        tpu.wait_dma2 semaphore(%arg9 : memref<!tpu.dma_semaphore, #tpu.memory_space<semaphore_mem>>) src(%dma_wait3A_350 : memref<20x100xi32, #tpu.memory_space<hbm>>) dst(%dma_wait3A_348 : memref<20x100xi32, #tpu.memory_space<vmem>>)
        %dma_wait3A_351 = arith.constant 0 : i32
        %dma_wait3A_352 = arith.constant 0 : i32
        %dma_wait3A_353 = tpu.memref_slice %arg7[%dma_wait3A_351, %dma_wait3A_352] : memref<40x100xi32, #tpu.memory_space<vmem>> -> memref<20x100xi32, #tpu.memory_space<vmem>>
        %dma_wait3A_354 = arith.constant 0 : i32
        %dma_wait3A_355 = tpu.memref_slice %arg4[%mul3A_2, %dma_wait3A_354] : memref<3200x100xi32, #tpu.memory_space<hbm>> -> memref<20x100xi32, #tpu.memory_space<hbm>>
        %dma_wait3A_356 = arith.constant 0 : i32
        %dma_wait3A_357 = arith.constant 0 : i32
        %dma_wait3A_358 = tpu.memref_slice %arg7[%dma_wait3A_356, %dma_wait3A_357] : memref<40x100xi32, #tpu.memory_space<vmem>> -> memref<20x100xi32, #tpu.memory_space<vmem>>
        %dma_wait3A_359 = arith.constant 0 : i32
        %dma_wait3A_360 = tpu.memref_slice %arg4[%mul3A_2, %dma_wait3A_359] : memref<3200x100xi32, #tpu.memory_space<hbm>> -> memref<20x100xi32, #tpu.memory_space<hbm>>
        tpu.wait_dma2 semaphore(%arg9 : memref<!tpu.dma_semaphore, #tpu.memory_space<semaphore_mem>>) src(%dma_wait3A_360 : memref<20x100xi32, #tpu.memory_space<hbm>>) dst(%dma_wait3A_358 : memref<20x100xi32, #tpu.memory_space<vmem>>)
      } else {
      }
      %jit3A_126 = arith.constant 20 : i32
      %eq3A_127 = arith.constant 0 : i32
      %eq3A_128 = arith.cmpi eq, %jit3A_126, %eq3A_127 : i32
      %jit3A_129 = arith.constant 1 : i32
      %select_n3A_130 = arith.select %eq3A_128, %jit3A_129, %jit3A_126 : i32
      %rem3A_131 = arith.remsi %add3A_108, %select_n3A_130 : i32
      %ne3A_132 = arith.constant 0 : i32
      %ne3A_133 = arith.cmpi ne, %rem3A_131, %ne3A_132 : i32
      %lt3A_134 = arith.constant 0 : i32
      %lt3A_135 = arith.cmpi slt, %rem3A_131, %lt3A_134 : i32
      %lt3A_136 = arith.constant 0 : i32
      %lt3A_137 = arith.cmpi slt, %select_n3A_130, %lt3A_136 : i32
      %ne3A_138 = arith.xori %lt3A_135, %lt3A_137 : i1
      %and3A_139 = arith.andi %ne3A_138, %ne3A_133 : i1
      %add3A_140 = arith.addi %rem3A_131, %select_n3A_130 : i32
      %select_n3A_141 = arith.select %and3A_139, %add3A_140, %rem3A_131 : i32
      %eq3A_142 = arith.constant 4 : i32
      %eq3A_143 = arith.cmpi eq, %select_n3A_141, %eq3A_142 : i32
      %add3A_144 = arith.constant 20 : i32
      %add3A_145 = arith.addi %add3A_108, %add3A_144 : i32
      %sub3A = arith.constant 4 : i32
      %sub3A_146 = arith.subi %add3A_145, %sub3A : i32
      %lt3A_147 = arith.constant 100 : i32
      %lt3A_148 = arith.cmpi slt, %sub3A_146, %lt3A_147 : i32
      %and3A_149 = arith.andi %eq3A_143, %lt3A_148 : i1
      %convert_element_type3A_150 = arith.extui %and3A_149 : i1 to i32
      %cond3A_151 = arith.constant 0 : i32
      %cond3A_152 = arith.cmpi ne, %convert_element_type3A_150, %cond3A_151 : i32
      scf.if %cond3A_152 {
        %add3A_341 = arith.constant 20 : i32
        %add3A_342 = arith.addi %add3A_108, %add3A_341 : i32
        %sub3A_343 = arith.constant 4 : i32
        %sub3A_344 = arith.subi %add3A_342, %sub3A_343 : i32
        %jit3A_345 = arith.constant 40 : i32
        %eq3A_346 = arith.constant 0 : i32
        %eq3A_347 = arith.cmpi eq, %jit3A_345, %eq3A_346 : i32
        %jit3A_348 = arith.constant 1 : i32
        %select_n3A_349 = arith.select %eq3A_347, %jit3A_348, %jit3A_345 : i32
        %rem3A_350 = arith.remsi %sub3A_344, %select_n3A_349 : i32
        %ne3A_351 = arith.constant 0 : i32
        %ne3A_352 = arith.cmpi ne, %rem3A_350, %ne3A_351 : i32
        %lt3A_353 = arith.constant 0 : i32
        %lt3A_354 = arith.cmpi slt, %rem3A_350, %lt3A_353 : i32
        %lt3A_355 = arith.constant 0 : i32
        %lt3A_356 = arith.cmpi slt, %select_n3A_349, %lt3A_355 : i32
        %ne3A_357 = arith.xori %lt3A_354, %lt3A_356 : i1
        %and3A_358 = arith.andi %ne3A_357, %ne3A_352 : i1
        %add3A_359 = arith.addi %rem3A_350, %select_n3A_349 : i32
        %select_n3A_360 = arith.select %and3A_358, %add3A_359, %rem3A_350 : i32
        %add3A_361 = arith.addi %mul3A_2, %sub3A_344 : i32
        %dma_start3A_362 = arith.constant 0 : i32
        %dma_start3A_363 = tpu.memref_slice %arg6[%select_n3A_360, %dma_start3A_362] : memref<40x100xi32, #tpu.memory_space<vmem>> -> memref<20x100xi32, #tpu.memory_space<vmem>>
        %dma_start3A_364 = arith.constant 0 : i32
        %dma_start3A_365 = tpu.memref_slice %arg3[%add3A_361, %dma_start3A_364] : memref<3200x100xi32, #tpu.memory_space<hbm>> -> memref<20x100xi32, #tpu.memory_space<hbm>>
        %dma_start3A_366 = arith.constant 0 : i32
        %dma_start3A_367 = tpu.memref_slice %arg6[%select_n3A_360, %dma_start3A_366] : memref<40x100xi32, #tpu.memory_space<vmem>> -> memref<20x100xi32, #tpu.memory_space<vmem>>
        %dma_start3A_368 = arith.constant 0 : i32
        %dma_start3A_369 = tpu.memref_slice %arg3[%add3A_361, %dma_start3A_368] : memref<3200x100xi32, #tpu.memory_space<hbm>> -> memref<20x100xi32, #tpu.memory_space<hbm>>
        tpu.enqueue_dma source(%dma_start3A_369 : memref<20x100xi32, #tpu.memory_space<hbm>>) target(%dma_start3A_367 : memref<20x100xi32, #tpu.memory_space<vmem>>) target_semaphore(%arg9 : memref<!tpu.dma_semaphore, #tpu.memory_space<semaphore_mem>>)
        %add3A_370 = arith.addi %mul3A_2, %sub3A_344 : i32
        %dma_start3A_371 = arith.constant 0 : i32
        %dma_start3A_372 = tpu.memref_slice %arg7[%select_n3A_360, %dma_start3A_371] : memref<40x100xi32, #tpu.memory_space<vmem>> -> memref<20x100xi32, #tpu.memory_space<vmem>>
        %dma_start3A_373 = arith.constant 0 : i32
        %dma_start3A_374 = tpu.memref_slice %arg4[%add3A_370, %dma_start3A_373] : memref<3200x100xi32, #tpu.memory_space<hbm>> -> memref<20x100xi32, #tpu.memory_space<hbm>>
        %dma_start3A_375 = arith.constant 0 : i32
        %dma_start3A_376 = tpu.memref_slice %arg7[%select_n3A_360, %dma_start3A_375] : memref<40x100xi32, #tpu.memory_space<vmem>> -> memref<20x100xi32, #tpu.memory_space<vmem>>
        %dma_start3A_377 = arith.constant 0 : i32
        %dma_start3A_378 = tpu.memref_slice %arg4[%add3A_370, %dma_start3A_377] : memref<3200x100xi32, #tpu.memory_space<hbm>> -> memref<20x100xi32, #tpu.memory_space<hbm>>
        tpu.enqueue_dma source(%dma_start3A_378 : memref<20x100xi32, #tpu.memory_space<hbm>>) target(%dma_start3A_376 : memref<20x100xi32, #tpu.memory_space<vmem>>) target_semaphore(%arg9 : memref<!tpu.dma_semaphore, #tpu.memory_space<semaphore_mem>>)
      } else {
      }
      %add3A_153 = arith.constant 0 : i32
      %add3A_154 = arith.addi %mul3A_106, %add3A_153 : i32
      %jit3A_155 = arith.constant 40 : i32
      %eq3A_156 = arith.constant 0 : i32
      %eq3A_157 = arith.cmpi eq, %jit3A_155, %eq3A_156 : i32
      %jit3A_158 = arith.constant 1 : i32
      %select_n3A_159 = arith.select %eq3A_157, %jit3A_158, %jit3A_155 : i32
      %rem3A_160 = arith.remsi %add3A_154, %select_n3A_159 : i32
      %ne3A_161 = arith.constant 0 : i32
      %ne3A_162 = arith.cmpi ne, %rem3A_160, %ne3A_161 : i32
      %lt3A_163 = arith.constant 0 : i32
      %lt3A_164 = arith.cmpi slt, %rem3A_160, %lt3A_163 : i32
      %lt3A_165 = arith.constant 0 : i32
      %lt3A_166 = arith.cmpi slt, %select_n3A_159, %lt3A_165 : i32
      %ne3A_167 = arith.xori %lt3A_164, %lt3A_166 : i1
      %and3A_168 = arith.andi %ne3A_167, %ne3A_162 : i1
      %add3A_169 = arith.addi %rem3A_160, %select_n3A_159 : i32
      %select_n3A_170 = arith.select %and3A_168, %add3A_169, %rem3A_160 : i32
      %dma_wait3A = arith.constant 0 : i32
      %dma_wait3A_171 = tpu.memref_slice %arg6[%select_n3A_170, %dma_wait3A] : memref<40x100xi32, #tpu.memory_space<vmem>> -> memref<1x100xi32, #tpu.memory_space<vmem>>
      %dma_wait3A_172 = tpu.memref_squeeze %dma_wait3A_171 : memref<1x100xi32, #tpu.memory_space<vmem>> -> memref<100xi32, #tpu.memory_space<vmem>>
      %dma_wait3A_173 = arith.constant 0 : i32
      %dma_wait3A_174 = arith.constant 0 : i32
      %dma_wait3A_175 = tpu.memref_slice %arg2[%dma_wait3A_173, %dma_wait3A_174] : memref<10000x16xf32, #tpu.memory_space<hbm>> -> memref<10000x16xf32, #tpu.memory_space<hbm>>
      tpu.wait_indirect_dma semaphore(%arg14 : memref<!tpu.dma_semaphore, #tpu.memory_space<semaphore_mem>>) src(%dma_wait3A_175 : memref<10000x16xf32, #tpu.memory_space<hbm>>) dst(%arg10 : memref<100x16xf32, #tpu.memory_space<vmem>>)
      %jit3A_176 = arith.constant 40 : i32
      %eq3A_177 = arith.constant 0 : i32
      %eq3A_178 = arith.cmpi eq, %jit3A_176, %eq3A_177 : i32
      %jit3A_179 = arith.constant 1 : i32
      %select_n3A_180 = arith.select %eq3A_178, %jit3A_179, %jit3A_176 : i32
      %rem3A_181 = arith.remsi %add3A_154, %select_n3A_180 : i32
      %ne3A_182 = arith.constant 0 : i32
      %ne3A_183 = arith.cmpi ne, %rem3A_181, %ne3A_182 : i32
      %lt3A_184 = arith.constant 0 : i32
      %lt3A_185 = arith.cmpi slt, %rem3A_181, %lt3A_184 : i32
      %lt3A_186 = arith.constant 0 : i32
      %lt3A_187 = arith.cmpi slt, %select_n3A_180, %lt3A_186 : i32
      %ne3A_188 = arith.xori %lt3A_185, %lt3A_187 : i1
      %and3A_189 = arith.andi %ne3A_188, %ne3A_183 : i1
      %add3A_190 = arith.addi %rem3A_181, %select_n3A_180 : i32
      %select_n3A_191 = arith.select %and3A_189, %add3A_190, %rem3A_181 : i32
      "tpu.region"() ({
        %run_scoped3A = tpu.sem_alloc : memref<!tpu.dma_semaphore, #tpu.memory_space<semaphore_mem>>
        %dma_start3A_341 = arith.constant 0 : i32
        %dma_start3A_342 = tpu.memref_slice %arg7[%select_n3A_191, %dma_start3A_341] : memref<40x100xi32, #tpu.memory_space<vmem>> -> memref<1x100xi32, #tpu.memory_space<vmem>>
        %dma_start3A_343 = tpu.memref_squeeze %dma_start3A_342 : memref<1x100xi32, #tpu.memory_space<vmem>> -> memref<100xi32, #tpu.memory_space<vmem>>
        %dma_start3A_344 = arith.constant 0 : i32
        %dma_start3A_345 = arith.constant 0 : i32
        %dma_start3A_346 = tpu.memref_slice %arg8[%dma_start3A_344, %dma_start3A_345] : memref<10240x16xf32, #tpu.memory_space<vmem_shared>> -> memref<10240x16xf32, #tpu.memory_space<vmem_shared>>
        tpu.enqueue_indirect_dma source(%arg10 : memref<100x16xf32, #tpu.memory_space<vmem>>) target(%dma_start3A_346 : memref<10240x16xf32, #tpu.memory_space<vmem_shared>>) offsets(%dma_start3A_343 : memref<100xi32, #tpu.memory_space<vmem>>) semaphore(%run_scoped3A : memref<!tpu.dma_semaphore, #tpu.memory_space<semaphore_mem>>) {add = true}
        %dma_wait3A_347 = arith.constant 0 : i32
        %dma_wait3A_348 = tpu.memref_slice %arg7[%select_n3A_191, %dma_wait3A_347] : memref<40x100xi32, #tpu.memory_space<vmem>> -> memref<1x100xi32, #tpu.memory_space<vmem>>
        %dma_wait3A_349 = tpu.memref_squeeze %dma_wait3A_348 : memref<1x100xi32, #tpu.memory_space<vmem>> -> memref<100xi32, #tpu.memory_space<vmem>>
        %dma_wait3A_350 = arith.constant 0 : i32
        %dma_wait3A_351 = arith.constant 0 : i32
        %dma_wait3A_352 = tpu.memref_slice %arg8[%dma_wait3A_350, %dma_wait3A_351] : memref<10240x16xf32, #tpu.memory_space<vmem_shared>> -> memref<10240x16xf32, #tpu.memory_space<vmem_shared>>
        tpu.wait_indirect_dma semaphore(%run_scoped3A : memref<!tpu.dma_semaphore, #tpu.memory_space<semaphore_mem>>) src(%arg10 : memref<100x16xf32, #tpu.memory_space<vmem>>) dst(%dma_wait3A_352 : memref<10240x16xf32, #tpu.memory_space<vmem_shared>>)
        tpu.yield
      }) : () -> ()
      %add3A_192 = arith.constant 4 : i32
      %add3A_193 = arith.addi %add3A_154, %add3A_192 : i32
      %lt3A_194 = arith.constant 100 : i32
      %lt3A_195 = arith.cmpi slt, %add3A_193, %lt3A_194 : i32
      %convert_element_type3A_196 = arith.extui %lt3A_195 : i1 to i32
      %cond3A_197 = arith.constant 0 : i32
      %cond3A_198 = arith.cmpi ne, %convert_element_type3A_196, %cond3A_197 : i32
      scf.if %cond3A_198 {
        %add3A_341 = arith.constant 4 : i32
        %add3A_342 = arith.addi %add3A_154, %add3A_341 : i32
        %jit3A_343 = arith.constant 40 : i32
        %eq3A_344 = arith.constant 0 : i32
        %eq3A_345 = arith.cmpi eq, %jit3A_343, %eq3A_344 : i32
        %jit3A_346 = arith.constant 1 : i32
        %select_n3A_347 = arith.select %eq3A_345, %jit3A_346, %jit3A_343 : i32
        %rem3A_348 = arith.remsi %add3A_342, %select_n3A_347 : i32
        %ne3A_349 = arith.constant 0 : i32
        %ne3A_350 = arith.cmpi ne, %rem3A_348, %ne3A_349 : i32
        %lt3A_351 = arith.constant 0 : i32
        %lt3A_352 = arith.cmpi slt, %rem3A_348, %lt3A_351 : i32
        %lt3A_353 = arith.constant 0 : i32
        %lt3A_354 = arith.cmpi slt, %select_n3A_347, %lt3A_353 : i32
        %ne3A_355 = arith.xori %lt3A_352, %lt3A_354 : i1
        %and3A_356 = arith.andi %ne3A_355, %ne3A_350 : i1
        %add3A_357 = arith.addi %rem3A_348, %select_n3A_347 : i32
        %select_n3A_358 = arith.select %and3A_356, %add3A_357, %rem3A_348 : i32
        %dma_start3A_359 = arith.constant 0 : i32
        %dma_start3A_360 = tpu.memref_slice %arg6[%select_n3A_358, %dma_start3A_359] : memref<40x100xi32, #tpu.memory_space<vmem>> -> memref<1x100xi32, #tpu.memory_space<vmem>>
        %dma_start3A_361 = tpu.memref_squeeze %dma_start3A_360 : memref<1x100xi32, #tpu.memory_space<vmem>> -> memref<100xi32, #tpu.memory_space<vmem>>
        %dma_start3A_362 = arith.constant 0 : i32
        %dma_start3A_363 = arith.constant 0 : i32
        %dma_start3A_364 = tpu.memref_slice %arg2[%dma_start3A_362, %dma_start3A_363] : memref<10000x16xf32, #tpu.memory_space<hbm>> -> memref<10000x16xf32, #tpu.memory_space<hbm>>
        tpu.enqueue_indirect_dma source(%dma_start3A_364 : memref<10000x16xf32, #tpu.memory_space<hbm>>) target(%arg10 : memref<100x16xf32, #tpu.memory_space<vmem>>) offsets(%dma_start3A_361 : memref<100xi32, #tpu.memory_space<vmem>>) semaphore(%arg14 : memref<!tpu.dma_semaphore, #tpu.memory_space<semaphore_mem>>)
      } else {
      }
      %add3A_199 = arith.constant 1 : i32
      %add3A_200 = arith.addi %mul3A_106, %add3A_199 : i32
      %jit3A_201 = arith.constant 40 : i32
      %eq3A_202 = arith.constant 0 : i32
      %eq3A_203 = arith.cmpi eq, %jit3A_201, %eq3A_202 : i32
      %jit3A_204 = arith.constant 1 : i32
      %select_n3A_205 = arith.select %eq3A_203, %jit3A_204, %jit3A_201 : i32
      %rem3A_206 = arith.remsi %add3A_200, %select_n3A_205 : i32
      %ne3A_207 = arith.constant 0 : i32
      %ne3A_208 = arith.cmpi ne, %rem3A_206, %ne3A_207 : i32
      %lt3A_209 = arith.constant 0 : i32
      %lt3A_210 = arith.cmpi slt, %rem3A_206, %lt3A_209 : i32
      %lt3A_211 = arith.constant 0 : i32
      %lt3A_212 = arith.cmpi slt, %select_n3A_205, %lt3A_211 : i32
      %ne3A_213 = arith.xori %lt3A_210, %lt3A_212 : i1
      %and3A_214 = arith.andi %ne3A_213, %ne3A_208 : i1
      %add3A_215 = arith.addi %rem3A_206, %select_n3A_205 : i32
      %select_n3A_216 = arith.select %and3A_214, %add3A_215, %rem3A_206 : i32
      %dma_wait3A_217 = arith.constant 0 : i32
      %dma_wait3A_218 = tpu.memref_slice %arg6[%select_n3A_216, %dma_wait3A_217] : memref<40x100xi32, #tpu.memory_space<vmem>> -> memref<1x100xi32, #tpu.memory_space<vmem>>
      %dma_wait3A_219 = tpu.memref_squeeze %dma_wait3A_218 : memref<1x100xi32, #tpu.memory_space<vmem>> -> memref<100xi32, #tpu.memory_space<vmem>>
      %dma_wait3A_220 = arith.constant 0 : i32
      %dma_wait3A_221 = arith.constant 0 : i32
      %dma_wait3A_222 = tpu.memref_slice %arg2[%dma_wait3A_220, %dma_wait3A_221] : memref<10000x16xf32, #tpu.memory_space<hbm>> -> memref<10000x16xf32, #tpu.memory_space<hbm>>
      tpu.wait_indirect_dma semaphore(%arg15 : memref<!tpu.dma_semaphore, #tpu.memory_space<semaphore_mem>>) src(%dma_wait3A_222 : memref<10000x16xf32, #tpu.memory_space<hbm>>) dst(%arg11 : memref<100x16xf32, #tpu.memory_space<vmem>>)
      %jit3A_223 = arith.constant 40 : i32
      %eq3A_224 = arith.constant 0 : i32
      %eq3A_225 = arith.cmpi eq, %jit3A_223, %eq3A_224 : i32
      %jit3A_226 = arith.constant 1 : i32
      %select_n3A_227 = arith.select %eq3A_225, %jit3A_226, %jit3A_223 : i32
      %rem3A_228 = arith.remsi %add3A_200, %select_n3A_227 : i32
      %ne3A_229 = arith.constant 0 : i32
      %ne3A_230 = arith.cmpi ne, %rem3A_228, %ne3A_229 : i32
      %lt3A_231 = arith.constant 0 : i32
      %lt3A_232 = arith.cmpi slt, %rem3A_228, %lt3A_231 : i32
      %lt3A_233 = arith.constant 0 : i32
      %lt3A_234 = arith.cmpi slt, %select_n3A_227, %lt3A_233 : i32
      %ne3A_235 = arith.xori %lt3A_232, %lt3A_234 : i1
      %and3A_236 = arith.andi %ne3A_235, %ne3A_230 : i1
      %add3A_237 = arith.addi %rem3A_228, %select_n3A_227 : i32
      %select_n3A_238 = arith.select %and3A_236, %add3A_237, %rem3A_228 : i32
      "tpu.region"() ({
        %run_scoped3A = tpu.sem_alloc : memref<!tpu.dma_semaphore, #tpu.memory_space<semaphore_mem>>
        %dma_start3A_341 = arith.constant 0 : i32
        %dma_start3A_342 = tpu.memref_slice %arg7[%select_n3A_238, %dma_start3A_341] : memref<40x100xi32, #tpu.memory_space<vmem>> -> memref<1x100xi32, #tpu.memory_space<vmem>>
        %dma_start3A_343 = tpu.memref_squeeze %dma_start3A_342 : memref<1x100xi32, #tpu.memory_space<vmem>> -> memref<100xi32, #tpu.memory_space<vmem>>
        %dma_start3A_344 = arith.constant 0 : i32
        %dma_start3A_345 = arith.constant 0 : i32
        %dma_start3A_346 = tpu.memref_slice %arg8[%dma_start3A_344, %dma_start3A_345] : memref<10240x16xf32, #tpu.memory_space<vmem_shared>> -> memref<10240x16xf32, #tpu.memory_space<vmem_shared>>
        tpu.enqueue_indirect_dma source(%arg11 : memref<100x16xf32, #tpu.memory_space<vmem>>) target(%dma_start3A_346 : memref<10240x16xf32, #tpu.memory_space<vmem_shared>>) offsets(%dma_start3A_343 : memref<100xi32, #tpu.memory_space<vmem>>) semaphore(%run_scoped3A : memref<!tpu.dma_semaphore, #tpu.memory_space<semaphore_mem>>) {add = true}
        %dma_wait3A_347 = arith.constant 0 : i32
        %dma_wait3A_348 = tpu.memref_slice %arg7[%select_n3A_238, %dma_wait3A_347] : memref<40x100xi32, #tpu.memory_space<vmem>> -> memref<1x100xi32, #tpu.memory_space<vmem>>
        %dma_wait3A_349 = tpu.memref_squeeze %dma_wait3A_348 : memref<1x100xi32, #tpu.memory_space<vmem>> -> memref<100xi32, #tpu.memory_space<vmem>>
        %dma_wait3A_350 = arith.constant 0 : i32
        %dma_wait3A_351 = arith.constant 0 : i32
        %dma_wait3A_352 = tpu.memref_slice %arg8[%dma_wait3A_350, %dma_wait3A_351] : memref<10240x16xf32, #tpu.memory_space<vmem_shared>> -> memref<10240x16xf32, #tpu.memory_space<vmem_shared>>
        tpu.wait_indirect_dma semaphore(%run_scoped3A : memref<!tpu.dma_semaphore, #tpu.memory_space<semaphore_mem>>) src(%arg11 : memref<100x16xf32, #tpu.memory_space<vmem>>) dst(%dma_wait3A_352 : memref<10240x16xf32, #tpu.memory_space<vmem_shared>>)
        tpu.yield
      }) : () -> ()
      %add3A_239 = arith.constant 4 : i32
      %add3A_240 = arith.addi %add3A_200, %add3A_239 : i32
      %lt3A_241 = arith.constant 100 : i32
      %lt3A_242 = arith.cmpi slt, %add3A_240, %lt3A_241 : i32
      %convert_element_type3A_243 = arith.extui %lt3A_242 : i1 to i32
      %cond3A_244 = arith.constant 0 : i32
      %cond3A_245 = arith.cmpi ne, %convert_element_type3A_243, %cond3A_244 : i32
      scf.if %cond3A_245 {
        %add3A_341 = arith.constant 4 : i32
        %add3A_342 = arith.addi %add3A_200, %add3A_341 : i32
        %jit3A_343 = arith.constant 40 : i32
        %eq3A_344 = arith.constant 0 : i32
        %eq3A_345 = arith.cmpi eq, %jit3A_343, %eq3A_344 : i32
        %jit3A_346 = arith.constant 1 : i32
        %select_n3A_347 = arith.select %eq3A_345, %jit3A_346, %jit3A_343 : i32
        %rem3A_348 = arith.remsi %add3A_342, %select_n3A_347 : i32
        %ne3A_349 = arith.constant 0 : i32
        %ne3A_350 = arith.cmpi ne, %rem3A_348, %ne3A_349 : i32
        %lt3A_351 = arith.constant 0 : i32
        %lt3A_352 = arith.cmpi slt, %rem3A_348, %lt3A_351 : i32
        %lt3A_353 = arith.constant 0 : i32
        %lt3A_354 = arith.cmpi slt, %select_n3A_347, %lt3A_353 : i32
        %ne3A_355 = arith.xori %lt3A_352, %lt3A_354 : i1
        %and3A_356 = arith.andi %ne3A_355, %ne3A_350 : i1
        %add3A_357 = arith.addi %rem3A_348, %select_n3A_347 : i32
        %select_n3A_358 = arith.select %and3A_356, %add3A_357, %rem3A_348 : i32
        %dma_start3A_359 = arith.constant 0 : i32
        %dma_start3A_360 = tpu.memref_slice %arg6[%select_n3A_358, %dma_start3A_359] : memref<40x100xi32, #tpu.memory_space<vmem>> -> memref<1x100xi32, #tpu.memory_space<vmem>>
        %dma_start3A_361 = tpu.memref_squeeze %dma_start3A_360 : memref<1x100xi32, #tpu.memory_space<vmem>> -> memref<100xi32, #tpu.memory_space<vmem>>
        %dma_start3A_362 = arith.constant 0 : i32
        %dma_start3A_363 = arith.constant 0 : i32
        %dma_start3A_364 = tpu.memref_slice %arg2[%dma_start3A_362, %dma_start3A_363] : memref<10000x16xf32, #tpu.memory_space<hbm>> -> memref<10000x16xf32, #tpu.memory_space<hbm>>
        tpu.enqueue_indirect_dma source(%dma_start3A_364 : memref<10000x16xf32, #tpu.memory_space<hbm>>) target(%arg11 : memref<100x16xf32, #tpu.memory_space<vmem>>) offsets(%dma_start3A_361 : memref<100xi32, #tpu.memory_space<vmem>>) semaphore(%arg15 : memref<!tpu.dma_semaphore, #tpu.memory_space<semaphore_mem>>)
      } else {
      }
      %add3A_246 = arith.constant 2 : i32
      %add3A_247 = arith.addi %mul3A_106, %add3A_246 : i32
      %jit3A_248 = arith.constant 40 : i32
      %eq3A_249 = arith.constant 0 : i32
      %eq3A_250 = arith.cmpi eq, %jit3A_248, %eq3A_249 : i32
      %jit3A_251 = arith.constant 1 : i32
      %select_n3A_252 = arith.select %eq3A_250, %jit3A_251, %jit3A_248 : i32
      %rem3A_253 = arith.remsi %add3A_247, %select_n3A_252 : i32
      %ne3A_254 = arith.constant 0 : i32
      %ne3A_255 = arith.cmpi ne, %rem3A_253, %ne3A_254 : i32
      %lt3A_256 = arith.constant 0 : i32
      %lt3A_257 = arith.cmpi slt, %rem3A_253, %lt3A_256 : i32
      %lt3A_258 = arith.constant 0 : i32
      %lt3A_259 = arith.cmpi slt, %select_n3A_252, %lt3A_258 : i32
      %ne3A_260 = arith.xori %lt3A_257, %lt3A_259 : i1
      %and3A_261 = arith.andi %ne3A_260, %ne3A_255 : i1
      %add3A_262 = arith.addi %rem3A_253, %select_n3A_252 : i32
      %select_n3A_263 = arith.select %and3A_261, %add3A_262, %rem3A_253 : i32
      %dma_wait3A_264 = arith.constant 0 : i32
      %dma_wait3A_265 = tpu.memref_slice %arg6[%select_n3A_263, %dma_wait3A_264] : memref<40x100xi32, #tpu.memory_space<vmem>> -> memref<1x100xi32, #tpu.memory_space<vmem>>
      %dma_wait3A_266 = tpu.memref_squeeze %dma_wait3A_265 : memref<1x100xi32, #tpu.memory_space<vmem>> -> memref<100xi32, #tpu.memory_space<vmem>>
      %dma_wait3A_267 = arith.constant 0 : i32
      %dma_wait3A_268 = arith.constant 0 : i32
      %dma_wait3A_269 = tpu.memref_slice %arg2[%dma_wait3A_267, %dma_wait3A_268] : memref<10000x16xf32, #tpu.memory_space<hbm>> -> memref<10000x16xf32, #tpu.memory_space<hbm>>
      tpu.wait_indirect_dma semaphore(%arg16 : memref<!tpu.dma_semaphore, #tpu.memory_space<semaphore_mem>>) src(%dma_wait3A_269 : memref<10000x16xf32, #tpu.memory_space<hbm>>) dst(%arg12 : memref<100x16xf32, #tpu.memory_space<vmem>>)
      %jit3A_270 = arith.constant 40 : i32
      %eq3A_271 = arith.constant 0 : i32
      %eq3A_272 = arith.cmpi eq, %jit3A_270, %eq3A_271 : i32
      %jit3A_273 = arith.constant 1 : i32
      %select_n3A_274 = arith.select %eq3A_272, %jit3A_273, %jit3A_270 : i32
      %rem3A_275 = arith.remsi %add3A_247, %select_n3A_274 : i32
      %ne3A_276 = arith.constant 0 : i32
      %ne3A_277 = arith.cmpi ne, %rem3A_275, %ne3A_276 : i32
      %lt3A_278 = arith.constant 0 : i32
      %lt3A_279 = arith.cmpi slt, %rem3A_275, %lt3A_278 : i32
      %lt3A_280 = arith.constant 0 : i32
      %lt3A_281 = arith.cmpi slt, %select_n3A_274, %lt3A_280 : i32
      %ne3A_282 = arith.xori %lt3A_279, %lt3A_281 : i1
      %and3A_283 = arith.andi %ne3A_282, %ne3A_277 : i1
      %add3A_284 = arith.addi %rem3A_275, %select_n3A_274 : i32
      %select_n3A_285 = arith.select %and3A_283, %add3A_284, %rem3A_275 : i32
      "tpu.region"() ({
        %run_scoped3A = tpu.sem_alloc : memref<!tpu.dma_semaphore, #tpu.memory_space<semaphore_mem>>
        %dma_start3A_341 = arith.constant 0 : i32
        %dma_start3A_342 = tpu.memref_slice %arg7[%select_n3A_285, %dma_start3A_341] : memref<40x100xi32, #tpu.memory_space<vmem>> -> memref<1x100xi32, #tpu.memory_space<vmem>>
        %dma_start3A_343 = tpu.memref_squeeze %dma_start3A_342 : memref<1x100xi32, #tpu.memory_space<vmem>> -> memref<100xi32, #tpu.memory_space<vmem>>
        %dma_start3A_344 = arith.constant 0 : i32
        %dma_start3A_345 = arith.constant 0 : i32
        %dma_start3A_346 = tpu.memref_slice %arg8[%dma_start3A_344, %dma_start3A_345] : memref<10240x16xf32, #tpu.memory_space<vmem_shared>> -> memref<10240x16xf32, #tpu.memory_space<vmem_shared>>
        tpu.enqueue_indirect_dma source(%arg12 : memref<100x16xf32, #tpu.memory_space<vmem>>) target(%dma_start3A_346 : memref<10240x16xf32, #tpu.memory_space<vmem_shared>>) offsets(%dma_start3A_343 : memref<100xi32, #tpu.memory_space<vmem>>) semaphore(%run_scoped3A : memref<!tpu.dma_semaphore, #tpu.memory_space<semaphore_mem>>) {add = true}
        %dma_wait3A_347 = arith.constant 0 : i32
        %dma_wait3A_348 = tpu.memref_slice %arg7[%select_n3A_285, %dma_wait3A_347] : memref<40x100xi32, #tpu.memory_space<vmem>> -> memref<1x100xi32, #tpu.memory_space<vmem>>
        %dma_wait3A_349 = tpu.memref_squeeze %dma_wait3A_348 : memref<1x100xi32, #tpu.memory_space<vmem>> -> memref<100xi32, #tpu.memory_space<vmem>>
        %dma_wait3A_350 = arith.constant 0 : i32
        %dma_wait3A_351 = arith.constant 0 : i32
        %dma_wait3A_352 = tpu.memref_slice %arg8[%dma_wait3A_350, %dma_wait3A_351] : memref<10240x16xf32, #tpu.memory_space<vmem_shared>> -> memref<10240x16xf32, #tpu.memory_space<vmem_shared>>
        tpu.wait_indirect_dma semaphore(%run_scoped3A : memref<!tpu.dma_semaphore, #tpu.memory_space<semaphore_mem>>) src(%arg12 : memref<100x16xf32, #tpu.memory_space<vmem>>) dst(%dma_wait3A_352 : memref<10240x16xf32, #tpu.memory_space<vmem_shared>>)
        tpu.yield
      }) : () -> ()
      %add3A_286 = arith.constant 4 : i32
      %add3A_287 = arith.addi %add3A_247, %add3A_286 : i32
      %lt3A_288 = arith.constant 100 : i32
      %lt3A_289 = arith.cmpi slt, %add3A_287, %lt3A_288 : i32
      %convert_element_type3A_290 = arith.extui %lt3A_289 : i1 to i32
      %cond3A_291 = arith.constant 0 : i32
      %cond3A_292 = arith.cmpi ne, %convert_element_type3A_290, %cond3A_291 : i32
      scf.if %cond3A_292 {
        %add3A_341 = arith.constant 4 : i32
        %add3A_342 = arith.addi %add3A_247, %add3A_341 : i32
        %jit3A_343 = arith.constant 40 : i32
        %eq3A_344 = arith.constant 0 : i32
        %eq3A_345 = arith.cmpi eq, %jit3A_343, %eq3A_344 : i32
        %jit3A_346 = arith.constant 1 : i32
        %select_n3A_347 = arith.select %eq3A_345, %jit3A_346, %jit3A_343 : i32
        %rem3A_348 = arith.remsi %add3A_342, %select_n3A_347 : i32
        %ne3A_349 = arith.constant 0 : i32
        %ne3A_350 = arith.cmpi ne, %rem3A_348, %ne3A_349 : i32
        %lt3A_351 = arith.constant 0 : i32
        %lt3A_352 = arith.cmpi slt, %rem3A_348, %lt3A_351 : i32
        %lt3A_353 = arith.constant 0 : i32
        %lt3A_354 = arith.cmpi slt, %select_n3A_347, %lt3A_353 : i32
        %ne3A_355 = arith.xori %lt3A_352, %lt3A_354 : i1
        %and3A_356 = arith.andi %ne3A_355, %ne3A_350 : i1
        %add3A_357 = arith.addi %rem3A_348, %select_n3A_347 : i32
        %select_n3A_358 = arith.select %and3A_356, %add3A_357, %rem3A_348 : i32
        %dma_start3A_359 = arith.constant 0 : i32
        %dma_start3A_360 = tpu.memref_slice %arg6[%select_n3A_358, %dma_start3A_359] : memref<40x100xi32, #tpu.memory_space<vmem>> -> memref<1x100xi32, #tpu.memory_space<vmem>>
        %dma_start3A_361 = tpu.memref_squeeze %dma_start3A_360 : memref<1x100xi32, #tpu.memory_space<vmem>> -> memref<100xi32, #tpu.memory_space<vmem>>
        %dma_start3A_362 = arith.constant 0 : i32
        %dma_start3A_363 = arith.constant 0 : i32
        %dma_start3A_364 = tpu.memref_slice %arg2[%dma_start3A_362, %dma_start3A_363] : memref<10000x16xf32, #tpu.memory_space<hbm>> -> memref<10000x16xf32, #tpu.memory_space<hbm>>
        tpu.enqueue_indirect_dma source(%dma_start3A_364 : memref<10000x16xf32, #tpu.memory_space<hbm>>) target(%arg12 : memref<100x16xf32, #tpu.memory_space<vmem>>) offsets(%dma_start3A_361 : memref<100xi32, #tpu.memory_space<vmem>>) semaphore(%arg16 : memref<!tpu.dma_semaphore, #tpu.memory_space<semaphore_mem>>)
      } else {
      }
      %add3A_293 = arith.constant 3 : i32
      %add3A_294 = arith.addi %mul3A_106, %add3A_293 : i32
      %jit3A_295 = arith.constant 40 : i32
      %eq3A_296 = arith.constant 0 : i32
      %eq3A_297 = arith.cmpi eq, %jit3A_295, %eq3A_296 : i32
      %jit3A_298 = arith.constant 1 : i32
      %select_n3A_299 = arith.select %eq3A_297, %jit3A_298, %jit3A_295 : i32
      %rem3A_300 = arith.remsi %add3A_294, %select_n3A_299 : i32
      %ne3A_301 = arith.constant 0 : i32
      %ne3A_302 = arith.cmpi ne, %rem3A_300, %ne3A_301 : i32
      %lt3A_303 = arith.constant 0 : i32
      %lt3A_304 = arith.cmpi slt, %rem3A_300, %lt3A_303 : i32
      %lt3A_305 = arith.constant 0 : i32
      %lt3A_306 = arith.cmpi slt, %select_n3A_299, %lt3A_305 : i32
      %ne3A_307 = arith.xori %lt3A_304, %lt3A_306 : i1
      %and3A_308 = arith.andi %ne3A_307, %ne3A_302 : i1
      %add3A_309 = arith.addi %rem3A_300, %select_n3A_299 : i32
      %select_n3A_310 = arith.select %and3A_308, %add3A_309, %rem3A_300 : i32
      %dma_wait3A_311 = arith.constant 0 : i32
      %dma_wait3A_312 = tpu.memref_slice %arg6[%select_n3A_310, %dma_wait3A_311] : memref<40x100xi32, #tpu.memory_space<vmem>> -> memref<1x100xi32, #tpu.memory_space<vmem>>
      %dma_wait3A_313 = tpu.memref_squeeze %dma_wait3A_312 : memref<1x100xi32, #tpu.memory_space<vmem>> -> memref<100xi32, #tpu.memory_space<vmem>>
      %dma_wait3A_314 = arith.constant 0 : i32
      %dma_wait3A_315 = arith.constant 0 : i32
      %dma_wait3A_316 = tpu.memref_slice %arg2[%dma_wait3A_314, %dma_wait3A_315] : memref<10000x16xf32, #tpu.memory_space<hbm>> -> memref<10000x16xf32, #tpu.memory_space<hbm>>
      tpu.wait_indirect_dma semaphore(%arg17 : memref<!tpu.dma_semaphore, #tpu.memory_space<semaphore_mem>>) src(%dma_wait3A_316 : memref<10000x16xf32, #tpu.memory_space<hbm>>) dst(%arg13 : memref<100x16xf32, #tpu.memory_space<vmem>>)
      %jit3A_317 = arith.constant 40 : i32
      %eq3A_318 = arith.constant 0 : i32
      %eq3A_319 = arith.cmpi eq, %jit3A_317, %eq3A_318 : i32
      %jit3A_320 = arith.constant 1 : i32
      %select_n3A_321 = arith.select %eq3A_319, %jit3A_320, %jit3A_317 : i32
      %rem3A_322 = arith.remsi %add3A_294, %select_n3A_321 : i32
      %ne3A_323 = arith.constant 0 : i32
      %ne3A_324 = arith.cmpi ne, %rem3A_322, %ne3A_323 : i32
      %lt3A_325 = arith.constant 0 : i32
      %lt3A_326 = arith.cmpi slt, %rem3A_322, %lt3A_325 : i32
      %lt3A_327 = arith.constant 0 : i32
      %lt3A_328 = arith.cmpi slt, %select_n3A_321, %lt3A_327 : i32
      %ne3A_329 = arith.xori %lt3A_326, %lt3A_328 : i1
      %and3A_330 = arith.andi %ne3A_329, %ne3A_324 : i1
      %add3A_331 = arith.addi %rem3A_322, %select_n3A_321 : i32
      %select_n3A_332 = arith.select %and3A_330, %add3A_331, %rem3A_322 : i32
      "tpu.region"() ({
        %run_scoped3A = tpu.sem_alloc : memref<!tpu.dma_semaphore, #tpu.memory_space<semaphore_mem>>
        %dma_start3A_341 = arith.constant 0 : i32
        %dma_start3A_342 = tpu.memref_slice %arg7[%select_n3A_332, %dma_start3A_341] : memref<40x100xi32, #tpu.memory_space<vmem>> -> memref<1x100xi32, #tpu.memory_space<vmem>>
        %dma_start3A_343 = tpu.memref_squeeze %dma_start3A_342 : memref<1x100xi32, #tpu.memory_space<vmem>> -> memref<100xi32, #tpu.memory_space<vmem>>
        %dma_start3A_344 = arith.constant 0 : i32
        %dma_start3A_345 = arith.constant 0 : i32
        %dma_start3A_346 = tpu.memref_slice %arg8[%dma_start3A_344, %dma_start3A_345] : memref<10240x16xf32, #tpu.memory_space<vmem_shared>> -> memref<10240x16xf32, #tpu.memory_space<vmem_shared>>
        tpu.enqueue_indirect_dma source(%arg13 : memref<100x16xf32, #tpu.memory_space<vmem>>) target(%dma_start3A_346 : memref<10240x16xf32, #tpu.memory_space<vmem_shared>>) offsets(%dma_start3A_343 : memref<100xi32, #tpu.memory_space<vmem>>) semaphore(%run_scoped3A : memref<!tpu.dma_semaphore, #tpu.memory_space<semaphore_mem>>) {add = true}
        %dma_wait3A_347 = arith.constant 0 : i32
        %dma_wait3A_348 = tpu.memref_slice %arg7[%select_n3A_332, %dma_wait3A_347] : memref<40x100xi32, #tpu.memory_space<vmem>> -> memref<1x100xi32, #tpu.memory_space<vmem>>
        %dma_wait3A_349 = tpu.memref_squeeze %dma_wait3A_348 : memref<1x100xi32, #tpu.memory_space<vmem>> -> memref<100xi32, #tpu.memory_space<vmem>>
        %dma_wait3A_350 = arith.constant 0 : i32
        %dma_wait3A_351 = arith.constant 0 : i32
        %dma_wait3A_352 = tpu.memref_slice %arg8[%dma_wait3A_350, %dma_wait3A_351] : memref<10240x16xf32, #tpu.memory_space<vmem_shared>> -> memref<10240x16xf32, #tpu.memory_space<vmem_shared>>
        tpu.wait_indirect_dma semaphore(%run_scoped3A : memref<!tpu.dma_semaphore, #tpu.memory_space<semaphore_mem>>) src(%arg13 : memref<100x16xf32, #tpu.memory_space<vmem>>) dst(%dma_wait3A_352 : memref<10240x16xf32, #tpu.memory_space<vmem_shared>>)
        tpu.yield
      }) : () -> ()
      %add3A_333 = arith.constant 4 : i32
      %add3A_334 = arith.addi %add3A_294, %add3A_333 : i32
      %lt3A_335 = arith.constant 100 : i32
      %lt3A_336 = arith.cmpi slt, %add3A_334, %lt3A_335 : i32
      %convert_element_type3A_337 = arith.extui %lt3A_336 : i1 to i32
      %cond3A_338 = arith.constant 0 : i32
      %cond3A_339 = arith.cmpi ne, %convert_element_type3A_337, %cond3A_338 : i32
      scf.if %cond3A_339 {
        %add3A_341 = arith.constant 4 : i32
        %add3A_342 = arith.addi %add3A_294, %add3A_341 : i32
        %jit3A_343 = arith.constant 40 : i32
        %eq3A_344 = arith.constant 0 : i32
        %eq3A_345 = arith.cmpi eq, %jit3A_343, %eq3A_344 : i32
        %jit3A_346 = arith.constant 1 : i32
        %select_n3A_347 = arith.select %eq3A_345, %jit3A_346, %jit3A_343 : i32
        %rem3A_348 = arith.remsi %add3A_342, %select_n3A_347 : i32
        %ne3A_349 = arith.constant 0 : i32
        %ne3A_350 = arith.cmpi ne, %rem3A_348, %ne3A_349 : i32
        %lt3A_351 = arith.constant 0 : i32
        %lt3A_352 = arith.cmpi slt, %rem3A_348, %lt3A_351 : i32
        %lt3A_353 = arith.constant 0 : i32
        %lt3A_354 = arith.cmpi slt, %select_n3A_347, %lt3A_353 : i32
        %ne3A_355 = arith.xori %lt3A_352, %lt3A_354 : i1
        %and3A_356 = arith.andi %ne3A_355, %ne3A_350 : i1
        %add3A_357 = arith.addi %rem3A_348, %select_n3A_347 : i32
        %select_n3A_358 = arith.select %and3A_356, %add3A_357, %rem3A_348 : i32
        %dma_start3A_359 = arith.constant 0 : i32
        %dma_start3A_360 = tpu.memref_slice %arg6[%select_n3A_358, %dma_start3A_359] : memref<40x100xi32, #tpu.memory_space<vmem>> -> memref<1x100xi32, #tpu.memory_space<vmem>>
        %dma_start3A_361 = tpu.memref_squeeze %dma_start3A_360 : memref<1x100xi32, #tpu.memory_space<vmem>> -> memref<100xi32, #tpu.memory_space<vmem>>
        %dma_start3A_362 = arith.constant 0 : i32
        %dma_start3A_363 = arith.constant 0 : i32
        %dma_start3A_364 = tpu.memref_slice %arg2[%dma_start3A_362, %dma_start3A_363] : memref<10000x16xf32, #tpu.memory_space<hbm>> -> memref<10000x16xf32, #tpu.memory_space<hbm>>
        tpu.enqueue_indirect_dma source(%dma_start3A_364 : memref<10000x16xf32, #tpu.memory_space<hbm>>) target(%arg13 : memref<100x16xf32, #tpu.memory_space<vmem>>) offsets(%dma_start3A_361 : memref<100xi32, #tpu.memory_space<vmem>>) semaphore(%arg17 : memref<!tpu.dma_semaphore, #tpu.memory_space<semaphore_mem>>)
      } else {
      }
      %scan3A_340 = arith.constant 0 : i32
      scf.yield %scan3A_340 : i32
    }
    %scan3A_61 = arith.constant 25 : i32
    %barrier3A_62 = arith.constant 0 : index
    tpu.barrier barrier_id(%barrier3A_62)
    %add3A_63 = arith.constant 0 : i32
    %add3A_64 = arith.addi %mul3A_11, %add3A_63 : i32
    %mul3A_65 = arith.constant 10240 : i32
    %mul3A_66 = arith.muli %arg0, %mul3A_65 : i32
    %add3A_67 = arith.addi %mul3A_66, %add3A_64 : i32
    "tpu.region"() ({
      %run_scoped3A = tpu.sem_alloc : memref<!tpu.dma_semaphore, #tpu.memory_space<semaphore_mem>>
      %dma_start3A_103 = arith.constant 0 : i32
      %dma_start3A_104 = tpu.memref_slice %arg5[%add3A_67, %dma_start3A_103] : memref<20480x16xf32, #tpu.memory_space<hbm>> -> memref<80x16xf32, #tpu.memory_space<hbm>>
      %dma_start3A_105 = arith.constant 0 : i32
      %dma_start3A_106 = tpu.memref_slice %arg8[%add3A_64, %dma_start3A_105] : memref<10240x16xf32, #tpu.memory_space<vmem_shared>> -> memref<80x16xf32, #tpu.memory_space<vmem_shared>>
      tpu.enqueue_dma source(%dma_start3A_106 : memref<80x16xf32, #tpu.memory_space<vmem_shared>>) target(%dma_start3A_104 : memref<80x16xf32, #tpu.memory_space<hbm>>) target_semaphore(%run_scoped3A : memref<!tpu.dma_semaphore, #tpu.memory_space<semaphore_mem>>)
      %dma_wait3A = arith.constant 0 : i32
      %dma_wait3A_107 = tpu.memref_slice %arg5[%add3A_67, %dma_wait3A] : memref<20480x16xf32, #tpu.memory_space<hbm>> -> memref<80x16xf32, #tpu.memory_space<hbm>>
      %dma_wait3A_108 = arith.constant 0 : i32
      %dma_wait3A_109 = tpu.memref_slice %arg8[%add3A_64, %dma_wait3A_108] : memref<10240x16xf32, #tpu.memory_space<vmem_shared>> -> memref<80x16xf32, #tpu.memory_space<vmem_shared>>
      tpu.wait_dma2 semaphore(%run_scoped3A : memref<!tpu.dma_semaphore, #tpu.memory_space<semaphore_mem>>) src(%dma_wait3A_109 : memref<80x16xf32, #tpu.memory_space<vmem_shared>>) dst(%dma_wait3A_107 : memref<80x16xf32, #tpu.memory_space<hbm>>)
      tpu.yield
    }) : () -> ()
    %add3A_68 = arith.constant 80 : i32
    %add3A_69 = arith.addi %mul3A_11, %add3A_68 : i32
    %mul3A_70 = arith.constant 10240 : i32
    %mul3A_71 = arith.muli %arg0, %mul3A_70 : i32
    %add3A_72 = arith.addi %mul3A_71, %add3A_69 : i32
    "tpu.region"() ({
      %run_scoped3A = tpu.sem_alloc : memref<!tpu.dma_semaphore, #tpu.memory_space<semaphore_mem>>
      %dma_start3A_103 = arith.constant 0 : i32
      %dma_start3A_104 = tpu.memref_slice %arg5[%add3A_72, %dma_start3A_103] : memref<20480x16xf32, #tpu.memory_space<hbm>> -> memref<80x16xf32, #tpu.memory_space<hbm>>
      %dma_start3A_105 = arith.constant 0 : i32
      %dma_start3A_106 = tpu.memref_slice %arg8[%add3A_69, %dma_start3A_105] : memref<10240x16xf32, #tpu.memory_space<vmem_shared>> -> memref<80x16xf32, #tpu.memory_space<vmem_shared>>
      tpu.enqueue_dma source(%dma_start3A_106 : memref<80x16xf32, #tpu.memory_space<vmem_shared>>) target(%dma_start3A_104 : memref<80x16xf32, #tpu.memory_space<hbm>>) target_semaphore(%run_scoped3A : memref<!tpu.dma_semaphore, #tpu.memory_space<semaphore_mem>>)
      %dma_wait3A = arith.constant 0 : i32
      %dma_wait3A_107 = tpu.memref_slice %arg5[%add3A_72, %dma_wait3A] : memref<20480x16xf32, #tpu.memory_space<hbm>> -> memref<80x16xf32, #tpu.memory_space<hbm>>
      %dma_wait3A_108 = arith.constant 0 : i32
      %dma_wait3A_109 = tpu.memref_slice %arg8[%add3A_69, %dma_wait3A_108] : memref<10240x16xf32, #tpu.memory_space<vmem_shared>> -> memref<80x16xf32, #tpu.memory_space<vmem_shared>>
      tpu.wait_dma2 semaphore(%run_scoped3A : memref<!tpu.dma_semaphore, #tpu.memory_space<semaphore_mem>>) src(%dma_wait3A_109 : memref<80x16xf32, #tpu.memory_space<vmem_shared>>) dst(%dma_wait3A_107 : memref<80x16xf32, #tpu.memory_space<hbm>>)
      tpu.yield
    }) : () -> ()
    %add3A_73 = arith.constant 160 : i32
    %add3A_74 = arith.addi %mul3A_11, %add3A_73 : i32
    %mul3A_75 = arith.constant 10240 : i32
    %mul3A_76 = arith.muli %arg0, %mul3A_75 : i32
    %add3A_77 = arith.addi %mul3A_76, %add3A_74 : i32
    "tpu.region"() ({
      %run_scoped3A = tpu.sem_alloc : memref<!tpu.dma_semaphore, #tpu.memory_space<semaphore_mem>>
      %dma_start3A_103 = arith.constant 0 : i32
      %dma_start3A_104 = tpu.memref_slice %arg5[%add3A_77, %dma_start3A_103] : memref<20480x16xf32, #tpu.memory_space<hbm>> -> memref<80x16xf32, #tpu.memory_space<hbm>>
      %dma_start3A_105 = arith.constant 0 : i32
      %dma_start3A_106 = tpu.memref_slice %arg8[%add3A_74, %dma_start3A_105] : memref<10240x16xf32, #tpu.memory_space<vmem_shared>> -> memref<80x16xf32, #tpu.memory_space<vmem_shared>>
      tpu.enqueue_dma source(%dma_start3A_106 : memref<80x16xf32, #tpu.memory_space<vmem_shared>>) target(%dma_start3A_104 : memref<80x16xf32, #tpu.memory_space<hbm>>) target_semaphore(%run_scoped3A : memref<!tpu.dma_semaphore, #tpu.memory_space<semaphore_mem>>)
      %dma_wait3A = arith.constant 0 : i32
      %dma_wait3A_107 = tpu.memref_slice %arg5[%add3A_77, %dma_wait3A] : memref<20480x16xf32, #tpu.memory_space<hbm>> -> memref<80x16xf32, #tpu.memory_space<hbm>>
      %dma_wait3A_108 = arith.constant 0 : i32
      %dma_wait3A_109 = tpu.memref_slice %arg8[%add3A_74, %dma_wait3A_108] : memref<10240x16xf32, #tpu.memory_space<vmem_shared>> -> memref<80x16xf32, #tpu.memory_space<vmem_shared>>
      tpu.wait_dma2 semaphore(%run_scoped3A : memref<!tpu.dma_semaphore, #tpu.memory_space<semaphore_mem>>) src(%dma_wait3A_109 : memref<80x16xf32, #tpu.memory_space<vmem_shared>>) dst(%dma_wait3A_107 : memref<80x16xf32, #tpu.memory_space<hbm>>)
      tpu.yield
    }) : () -> ()
    %add3A_78 = arith.constant 240 : i32
    %add3A_79 = arith.addi %mul3A_11, %add3A_78 : i32
    %mul3A_80 = arith.constant 10240 : i32
    %mul3A_81 = arith.muli %arg0, %mul3A_80 : i32
    %add3A_82 = arith.addi %mul3A_81, %add3A_79 : i32
    "tpu.region"() ({
      %run_scoped3A = tpu.sem_alloc : memref<!tpu.dma_semaphore, #tpu.memory_space<semaphore_mem>>
      %dma_start3A_103 = arith.constant 0 : i32
      %dma_start3A_104 = tpu.memref_slice %arg5[%add3A_82, %dma_start3A_103] : memref<20480x16xf32, #tpu.memory_space<hbm>> -> memref<80x16xf32, #tpu.memory_space<hbm>>
      %dma_start3A_105 = arith.constant 0 : i32
      %dma_start3A_106 = tpu.memref_slice %arg8[%add3A_79, %dma_start3A_105] : memref<10240x16xf32, #tpu.memory_space<vmem_shared>> -> memref<80x16xf32, #tpu.memory_space<vmem_shared>>
      tpu.enqueue_dma source(%dma_start3A_106 : memref<80x16xf32, #tpu.memory_space<vmem_shared>>) target(%dma_start3A_104 : memref<80x16xf32, #tpu.memory_space<hbm>>) target_semaphore(%run_scoped3A : memref<!tpu.dma_semaphore, #tpu.memory_space<semaphore_mem>>)
      %dma_wait3A = arith.constant 0 : i32
      %dma_wait3A_107 = tpu.memref_slice %arg5[%add3A_82, %dma_wait3A] : memref<20480x16xf32, #tpu.memory_space<hbm>> -> memref<80x16xf32, #tpu.memory_space<hbm>>
      %dma_wait3A_108 = arith.constant 0 : i32
      %dma_wait3A_109 = tpu.memref_slice %arg8[%add3A_79, %dma_wait3A_108] : memref<10240x16xf32, #tpu.memory_space<vmem_shared>> -> memref<80x16xf32, #tpu.memory_space<vmem_shared>>
      tpu.wait_dma2 semaphore(%run_scoped3A : memref<!tpu.dma_semaphore, #tpu.memory_space<semaphore_mem>>) src(%dma_wait3A_109 : memref<80x16xf32, #tpu.memory_space<vmem_shared>>) dst(%dma_wait3A_107 : memref<80x16xf32, #tpu.memory_space<hbm>>)
      tpu.yield
    }) : () -> ()
    %add3A_83 = arith.constant 320 : i32
    %add3A_84 = arith.addi %mul3A_11, %add3A_83 : i32
    %mul3A_85 = arith.constant 10240 : i32
    %mul3A_86 = arith.muli %arg0, %mul3A_85 : i32
    %add3A_87 = arith.addi %mul3A_86, %add3A_84 : i32
    "tpu.region"() ({
      %run_scoped3A = tpu.sem_alloc : memref<!tpu.dma_semaphore, #tpu.memory_space<semaphore_mem>>
      %dma_start3A_103 = arith.constant 0 : i32
      %dma_start3A_104 = tpu.memref_slice %arg5[%add3A_87, %dma_start3A_103] : memref<20480x16xf32, #tpu.memory_space<hbm>> -> memref<80x16xf32, #tpu.memory_space<hbm>>
      %dma_start3A_105 = arith.constant 0 : i32
      %dma_start3A_106 = tpu.memref_slice %arg8[%add3A_84, %dma_start3A_105] : memref<10240x16xf32, #tpu.memory_space<vmem_shared>> -> memref<80x16xf32, #tpu.memory_space<vmem_shared>>
      tpu.enqueue_dma source(%dma_start3A_106 : memref<80x16xf32, #tpu.memory_space<vmem_shared>>) target(%dma_start3A_104 : memref<80x16xf32, #tpu.memory_space<hbm>>) target_semaphore(%run_scoped3A : memref<!tpu.dma_semaphore, #tpu.memory_space<semaphore_mem>>)
      %dma_wait3A = arith.constant 0 : i32
      %dma_wait3A_107 = tpu.memref_slice %arg5[%add3A_87, %dma_wait3A] : memref<20480x16xf32, #tpu.memory_space<hbm>> -> memref<80x16xf32, #tpu.memory_space<hbm>>
      %dma_wait3A_108 = arith.constant 0 : i32
      %dma_wait3A_109 = tpu.memref_slice %arg8[%add3A_84, %dma_wait3A_108] : memref<10240x16xf32, #tpu.memory_space<vmem_shared>> -> memref<80x16xf32, #tpu.memory_space<vmem_shared>>
      tpu.wait_dma2 semaphore(%run_scoped3A : memref<!tpu.dma_semaphore, #tpu.memory_space<semaphore_mem>>) src(%dma_wait3A_109 : memref<80x16xf32, #tpu.memory_space<vmem_shared>>) dst(%dma_wait3A_107 : memref<80x16xf32, #tpu.memory_space<hbm>>)
      tpu.yield
    }) : () -> ()
    %add3A_88 = arith.constant 400 : i32
    %add3A_89 = arith.addi %mul3A_11, %add3A_88 : i32
    %mul3A_90 = arith.constant 10240 : i32
    %mul3A_91 = arith.muli %arg0, %mul3A_90 : i32
    %add3A_92 = arith.addi %mul3A_91, %add3A_89 : i32
    "tpu.region"() ({
      %run_scoped3A = tpu.sem_alloc : memref<!tpu.dma_semaphore, #tpu.memory_space<semaphore_mem>>
      %dma_start3A_103 = arith.constant 0 : i32
      %dma_start3A_104 = tpu.memref_slice %arg5[%add3A_92, %dma_start3A_103] : memref<20480x16xf32, #tpu.memory_space<hbm>> -> memref<80x16xf32, #tpu.memory_space<hbm>>
      %dma_start3A_105 = arith.constant 0 : i32
      %dma_start3A_106 = tpu.memref_slice %arg8[%add3A_89, %dma_start3A_105] : memref<10240x16xf32, #tpu.memory_space<vmem_shared>> -> memref<80x16xf32, #tpu.memory_space<vmem_shared>>
      tpu.enqueue_dma source(%dma_start3A_106 : memref<80x16xf32, #tpu.memory_space<vmem_shared>>) target(%dma_start3A_104 : memref<80x16xf32, #tpu.memory_space<hbm>>) target_semaphore(%run_scoped3A : memref<!tpu.dma_semaphore, #tpu.memory_space<semaphore_mem>>)
      %dma_wait3A = arith.constant 0 : i32
      %dma_wait3A_107 = tpu.memref_slice %arg5[%add3A_92, %dma_wait3A] : memref<20480x16xf32, #tpu.memory_space<hbm>> -> memref<80x16xf32, #tpu.memory_space<hbm>>
      %dma_wait3A_108 = arith.constant 0 : i32
      %dma_wait3A_109 = tpu.memref_slice %arg8[%add3A_89, %dma_wait3A_108] : memref<10240x16xf32, #tpu.memory_space<vmem_shared>> -> memref<80x16xf32, #tpu.memory_space<vmem_shared>>
      tpu.wait_dma2 semaphore(%run_scoped3A : memref<!tpu.dma_semaphore, #tpu.memory_space<semaphore_mem>>) src(%dma_wait3A_109 : memref<80x16xf32, #tpu.memory_space<vmem_shared>>) dst(%dma_wait3A_107 : memref<80x16xf32, #tpu.memory_space<hbm>>)
      tpu.yield
    }) : () -> ()
    %add3A_93 = arith.constant 480 : i32
    %add3A_94 = arith.addi %mul3A_11, %add3A_93 : i32
    %mul3A_95 = arith.constant 10240 : i32
    %mul3A_96 = arith.muli %arg0, %mul3A_95 : i32
    %add3A_97 = arith.addi %mul3A_96, %add3A_94 : i32
    "tpu.region"() ({
      %run_scoped3A = tpu.sem_alloc : memref<!tpu.dma_semaphore, #tpu.memory_space<semaphore_mem>>
      %dma_start3A_103 = arith.constant 0 : i32
      %dma_start3A_104 = tpu.memref_slice %arg5[%add3A_97, %dma_start3A_103] : memref<20480x16xf32, #tpu.memory_space<hbm>> -> memref<80x16xf32, #tpu.memory_space<hbm>>
      %dma_start3A_105 = arith.constant 0 : i32
      %dma_start3A_106 = tpu.memref_slice %arg8[%add3A_94, %dma_start3A_105] : memref<10240x16xf32, #tpu.memory_space<vmem_shared>> -> memref<80x16xf32, #tpu.memory_space<vmem_shared>>
      tpu.enqueue_dma source(%dma_start3A_106 : memref<80x16xf32, #tpu.memory_space<vmem_shared>>) target(%dma_start3A_104 : memref<80x16xf32, #tpu.memory_space<hbm>>) target_semaphore(%run_scoped3A : memref<!tpu.dma_semaphore, #tpu.memory_space<semaphore_mem>>)
      %dma_wait3A = arith.constant 0 : i32
      %dma_wait3A_107 = tpu.memref_slice %arg5[%add3A_97, %dma_wait3A] : memref<20480x16xf32, #tpu.memory_space<hbm>> -> memref<80x16xf32, #tpu.memory_space<hbm>>
      %dma_wait3A_108 = arith.constant 0 : i32
      %dma_wait3A_109 = tpu.memref_slice %arg8[%add3A_94, %dma_wait3A_108] : memref<10240x16xf32, #tpu.memory_space<vmem_shared>> -> memref<80x16xf32, #tpu.memory_space<vmem_shared>>
      tpu.wait_dma2 semaphore(%run_scoped3A : memref<!tpu.dma_semaphore, #tpu.memory_space<semaphore_mem>>) src(%dma_wait3A_109 : memref<80x16xf32, #tpu.memory_space<vmem_shared>>) dst(%dma_wait3A_107 : memref<80x16xf32, #tpu.memory_space<hbm>>)
      tpu.yield
    }) : () -> ()
    %add3A_98 = arith.constant 560 : i32
    %add3A_99 = arith.addi %mul3A_11, %add3A_98 : i32
    %mul3A_100 = arith.constant 10240 : i32
    %mul3A_101 = arith.muli %arg0, %mul3A_100 : i32
    %add3A_102 = arith.addi %mul3A_101, %add3A_99 : i32
    "tpu.region"() ({
      %run_scoped3A = tpu.sem_alloc : memref<!tpu.dma_semaphore, #tpu.memory_space<semaphore_mem>>
      %dma_start3A_103 = arith.constant 0 : i32
      %dma_start3A_104 = tpu.memref_slice %arg5[%add3A_102, %dma_start3A_103] : memref<20480x16xf32, #tpu.memory_space<hbm>> -> memref<80x16xf32, #tpu.memory_space<hbm>>
      %dma_start3A_105 = arith.constant 0 : i32
      %dma_start3A_106 = tpu.memref_slice %arg8[%add3A_99, %dma_start3A_105] : memref<10240x16xf32, #tpu.memory_space<vmem_shared>> -> memref<80x16xf32, #tpu.memory_space<vmem_shared>>
      tpu.enqueue_dma source(%dma_start3A_106 : memref<80x16xf32, #tpu.memory_space<vmem_shared>>) target(%dma_start3A_104 : memref<80x16xf32, #tpu.memory_space<hbm>>) target_semaphore(%run_scoped3A : memref<!tpu.dma_semaphore, #tpu.memory_space<semaphore_mem>>)
      %dma_wait3A = arith.constant 0 : i32
      %dma_wait3A_107 = tpu.memref_slice %arg5[%add3A_102, %dma_wait3A] : memref<20480x16xf32, #tpu.memory_space<hbm>> -> memref<80x16xf32, #tpu.memory_space<hbm>>
      %dma_wait3A_108 = arith.constant 0 : i32
      %dma_wait3A_109 = tpu.memref_slice %arg8[%add3A_99, %dma_wait3A_108] : memref<10240x16xf32, #tpu.memory_space<vmem_shared>> -> memref<80x16xf32, #tpu.memory_space<vmem_shared>>
      tpu.wait_dma2 semaphore(%run_scoped3A : memref<!tpu.dma_semaphore, #tpu.memory_space<semaphore_mem>>) src(%dma_wait3A_109 : memref<80x16xf32, #tpu.memory_space<vmem_shared>>) dst(%dma_wait3A_107 : memref<80x16xf32, #tpu.memory_space<hbm>>)
      tpu.yield
    }) : () -> ()
    return
  }
}

module attributes {stable_mosaic.version = 14 : i64} {
  func.func @_tc_mid(%arg0: i32, %arg1: memref<2048x144xf32, #tpu.memory_space<vmem>>, %arg2: memref<2048x144xf32, #tpu.memory_space<vmem>>, %arg3: memref<2048x128xf32, #tpu.memory_space<vmem>>, %arg4: memref<128x128xf32, #tpu.memory_space<vmem>>, %arg5: memref<1x128xf32, #tpu.memory_space<vmem>>, %arg6: memref<128x128xf32, #tpu.memory_space<vmem>>, %arg7: memref<1x128xf32, #tpu.memory_space<vmem>>, %arg8: memref<1x128xf32, #tpu.memory_space<vmem>>, %arg9: memref<2048x16xf32, #tpu.memory_space<vmem>>, %arg10: memref<2048x16xf32, #tpu.memory_space<vmem>>, %arg11: memref<2048x16xf32, #tpu.memory_space<vmem>>) attributes {dimension_semantics = [#tpu.dimension_semantics<arbitrary>], iteration_bounds = array<i64: 5>, scalar_prefetch = 0 : i64, scratch_operands = 0 : i64, tpu.core_type = #tpu.core_type<tc>, window_params = [{transform_indices = @transform_0, window_bounds = array<i64: 2048, 144>}, {transform_indices = @transform_1, window_bounds = array<i64: 2048, 144>}, {transform_indices = @transform_2, window_bounds = array<i64: 2048, 128>}, {pipeline_mode = #tpu.pipeline_mode<synchronous>, transform_indices = @transform_3, window_bounds = array<i64: 128, 128>}, {pipeline_mode = #tpu.pipeline_mode<synchronous>, transform_indices = @transform_4, window_bounds = array<i64: 1, 128>}, {pipeline_mode = #tpu.pipeline_mode<synchronous>, transform_indices = @transform_5, window_bounds = array<i64: 128, 128>}, {pipeline_mode = #tpu.pipeline_mode<synchronous>, transform_indices = @transform_6, window_bounds = array<i64: 1, 128>}, {pipeline_mode = #tpu.pipeline_mode<synchronous>, transform_indices = @transform_7, window_bounds = array<i64: 1, 128>}, {transform_indices = @transform_8, window_bounds = array<i64: 2048, 16>}, {transform_indices = @transform_9, window_bounds = array<i64: 2048, 16>}, {transform_indices = @transform_10, window_bounds = array<i64: 2048, 16>}]} {
    %get3A = arith.constant 0 : index
    %get3A_0 = arith.constant 0 : index
    %get3A_1 = vector.load %arg1[%get3A, %get3A_0] : memref<2048x144xf32, #tpu.memory_space<vmem>>, vector<2048x144xf32>
    %get3A_2 = arith.constant 0 : index
    %get3A_3 = arith.constant 0 : index
    %get3A_4 = vector.load %arg2[%get3A_2, %get3A_3] : memref<2048x144xf32, #tpu.memory_space<vmem>>, vector<2048x144xf32>
    %slice3A = vector.extract_strided_slice %get3A_1 {offsets = [0, 0], sizes = [2048, 128], strides = [1, 1]} : vector<2048x144xf32> to vector<2048x128xf32>
    %slice3A_5 = vector.extract_strided_slice %get3A_4 {offsets = [0, 0], sizes = [2048, 128], strides = [1, 1]} : vector<2048x144xf32> to vector<2048x128xf32>
    %add3A = arith.addf %slice3A, %slice3A_5 : vector<2048x128xf32>
    %slice3A_6 = vector.extract_strided_slice %get3A_1 {offsets = [0, 128], sizes = [2048, 1], strides = [1, 1]} : vector<2048x144xf32> to vector<2048x1xf32>
    %slice3A_7 = vector.extract_strided_slice %get3A_4 {offsets = [0, 128], sizes = [2048, 1], strides = [1, 1]} : vector<2048x144xf32> to vector<2048x1xf32>
    %add3A_8 = arith.addf %slice3A_6, %slice3A_7 : vector<2048x1xf32>
    %max3A = arith.constant 1.000000e+00 : f32
    %max3A_9 = vector.broadcast %max3A : f32 to vector<2048x1xf32>
    %max3A_10 = arith.maximumf %add3A_8, %max3A_9 : vector<2048x1xf32>
    %div3A = vector.broadcast %max3A_10 : vector<2048x1xf32> to vector<2048x128xf32>
    %div3A_11 = arith.divf %add3A, %div3A : vector<2048x128xf32>
    %get3A_12 = arith.constant 0 : index
    %get3A_13 = arith.constant 0 : index
    %get3A_14 = vector.load %arg4[%get3A_12, %get3A_13] : memref<128x128xf32, #tpu.memory_space<vmem>>, vector<128x128xf32>
    %dot_general3A = arith.constant dense<0.000000e+00> : vector<2048x128xf32>
    %dot_general3A_15 = tpu.matmul %div3A_11, %get3A_14, %dot_general3A {dimension_numbers = #tpu.dot_dimension_numbers<[1], [0], [0], [1], [0, 0, 1, 1], [], []>, transpose_lhs_hint = false} : vector<2048x128xf32>, vector<128x128xf32>, vector<2048x128xf32> -> vector<2048x128xf32>
    %get3A_16 = arith.constant 0 : index
    %get3A_17 = arith.constant 0 : index
    %get3A_18 = vector.load %arg5[%get3A_16, %get3A_17] : memref<1x128xf32, #tpu.memory_space<vmem>>, vector<1x128xf32>
    %add3A_19 = vector.broadcast %get3A_18 : vector<1x128xf32> to vector<2048x128xf32>
    %add3A_20 = arith.addf %dot_general3A_15, %add3A_19 : vector<2048x128xf32>
    %get3A_21 = arith.constant 0 : index
    %get3A_22 = arith.constant 0 : index
    %get3A_23 = vector.load %arg3[%get3A_21, %get3A_22] : memref<2048x128xf32, #tpu.memory_space<vmem>>, vector<2048x128xf32>
    %get3A_24 = arith.constant 0 : index
    %get3A_25 = arith.constant 0 : index
    %get3A_26 = vector.load %arg6[%get3A_24, %get3A_25] : memref<128x128xf32, #tpu.memory_space<vmem>>, vector<128x128xf32>
    %dot_general3A_27 = arith.constant dense<0.000000e+00> : vector<2048x128xf32>
    %dot_general3A_28 = tpu.matmul %get3A_23, %get3A_26, %dot_general3A_27 {dimension_numbers = #tpu.dot_dimension_numbers<[1], [0], [0], [1], [0, 0, 1, 1], [], []>, transpose_lhs_hint = false} : vector<2048x128xf32>, vector<128x128xf32>, vector<2048x128xf32> -> vector<2048x128xf32>
    %add3A_29 = arith.addf %add3A_20, %dot_general3A_28 : vector<2048x128xf32>
    %max3A_30 = arith.constant 0.000000e+00 : f32
    %max3A_31 = vector.broadcast %max3A_30 : f32 to vector<2048x128xf32>
    %max3A_32 = arith.maximumf %add3A_29, %max3A_31 : vector<2048x128xf32>
    %get3A_33 = arith.constant 0 : index
    %get3A_34 = arith.constant 0 : index
    %get3A_35 = vector.load %arg7[%get3A_33, %get3A_34] : memref<1x128xf32, #tpu.memory_space<vmem>>, vector<1x128xf32>
    %mul3A = vector.broadcast %get3A_35 : vector<1x128xf32> to vector<2048x128xf32>
    %mul3A_36 = arith.mulf %max3A_32, %mul3A : vector<2048x128xf32>
    %reduce_sum3A = arith.constant dense<0.000000e+00> : vector<2048xf32>
    %reduce_sum3A_37 = vector.multi_reduction <add>, %mul3A_36, %reduce_sum3A [1] : vector<2048x128xf32> to vector<2048xf32>
    %broadcast_in_dim3A = vector.shape_cast %reduce_sum3A_37 : vector<2048xf32> to vector<2048x1xf32>
    %get3A_38 = arith.constant 0 : index
    %get3A_39 = arith.constant 0 : index
    %get3A_40 = vector.load %arg8[%get3A_38, %get3A_39] : memref<1x128xf32, #tpu.memory_space<vmem>>, vector<1x128xf32>
    %mul3A_41 = vector.broadcast %get3A_40 : vector<1x128xf32> to vector<2048x128xf32>
    %mul3A_42 = arith.mulf %max3A_32, %mul3A_41 : vector<2048x128xf32>
    %reduce_sum3A_43 = arith.constant dense<0.000000e+00> : vector<2048xf32>
    %reduce_sum3A_44 = vector.multi_reduction <add>, %mul3A_42, %reduce_sum3A_43 [1] : vector<2048x128xf32> to vector<2048xf32>
    %broadcast_in_dim3A_45 = vector.shape_cast %reduce_sum3A_44 : vector<2048xf32> to vector<2048x1xf32>
    %broadcast_in_dim3A_46 = vector.shape_cast %broadcast_in_dim3A : vector<2048x1xf32> to vector<2048x1xf32>
    %broadcast_in_dim3A_47 = vector.broadcast %broadcast_in_dim3A_46 : vector<2048x1xf32> to vector<2048x16xf32>
    %swap3A = arith.constant 0 : index
    %swap3A_48 = arith.constant 0 : index
    %swap3A_49 = vector.load %arg9[%swap3A, %swap3A_48] : memref<2048x16xf32, #tpu.memory_space<vmem>>, vector<2048x16xf32>
    tpu.vector_store %arg9[%swap3A, %swap3A_48], %broadcast_in_dim3A_47 {strides = array<i32>} : memref<2048x16xf32, #tpu.memory_space<vmem>>, vector<2048x16xf32>,
    %broadcast_in_dim3A_50 = vector.shape_cast %broadcast_in_dim3A_45 : vector<2048x1xf32> to vector<2048x1xf32>
    %broadcast_in_dim3A_51 = vector.broadcast %broadcast_in_dim3A_50 : vector<2048x1xf32> to vector<2048x16xf32>
    %swap3A_52 = arith.constant 0 : index
    %swap3A_53 = arith.constant 0 : index
    %swap3A_54 = vector.load %arg10[%swap3A_52, %swap3A_53] : memref<2048x16xf32, #tpu.memory_space<vmem>>, vector<2048x16xf32>
    tpu.vector_store %arg10[%swap3A_52, %swap3A_53], %broadcast_in_dim3A_51 {strides = array<i32>} : memref<2048x16xf32, #tpu.memory_space<vmem>>, vector<2048x16xf32>,
    %broadcast_in_dim3A_55 = vector.shape_cast %max3A_10 : vector<2048x1xf32> to vector<2048x1xf32>
    %broadcast_in_dim3A_56 = vector.broadcast %broadcast_in_dim3A_55 : vector<2048x1xf32> to vector<2048x16xf32>
    %swap3A_57 = arith.constant 0 : index
    %swap3A_58 = arith.constant 0 : index
    %swap3A_59 = vector.load %arg11[%swap3A_57, %swap3A_58] : memref<2048x16xf32, #tpu.memory_space<vmem>>, vector<2048x16xf32>
    tpu.vector_store %arg11[%swap3A_57, %swap3A_58], %broadcast_in_dim3A_56 {strides = array<i32>} : memref<2048x16xf32, #tpu.memory_space<vmem>>, vector<2048x16xf32>,
    return
  }
  func.func @transform_0(%arg0: i32) -> (i32, i32) {
    %c0_i32 = arith.constant 0 : i32
    %c0_i32_0 = arith.constant 0 : i32
    return %arg0, %c0_i32 : i32, i32
  }
  func.func @transform_1(%arg0: i32) -> (i32, i32) {
    %add3A = arith.constant 5 : i32
    %add3A_0 = arith.addi %add3A, %arg0 : i32
    %c0_i32 = arith.constant 0 : i32
    %c0_i32_1 = arith.constant 0 : i32
    return %add3A_0, %c0_i32 : i32, i32
  }
  func.func @transform_2(%arg0: i32) -> (i32, i32) {
    %c0_i32 = arith.constant 0 : i32
    %c0_i32_0 = arith.constant 0 : i32
    return %arg0, %c0_i32 : i32, i32
  }
  func.func @transform_3(%arg0: i32) -> (i32, i32) {
    %c0_i32 = arith.constant 0 : i32
    %c0_i32_0 = arith.constant 0 : i32
    %c0_i32_1 = arith.constant 0 : i32
    return %c0_i32, %c0_i32_0 : i32, i32
  }
  func.func @transform_4(%arg0: i32) -> (i32, i32) {
    %c0_i32 = arith.constant 0 : i32
    %c0_i32_0 = arith.constant 0 : i32
    %c0_i32_1 = arith.constant 0 : i32
    return %c0_i32, %c0_i32_0 : i32, i32
  }
  func.func @transform_5(%arg0: i32) -> (i32, i32) {
    %c0_i32 = arith.constant 0 : i32
    %c0_i32_0 = arith.constant 0 : i32
    %c0_i32_1 = arith.constant 0 : i32
    return %c0_i32, %c0_i32_0 : i32, i32
  }
  func.func @transform_6(%arg0: i32) -> (i32, i32) {
    %c0_i32 = arith.constant 0 : i32
    %c0_i32_0 = arith.constant 0 : i32
    %c0_i32_1 = arith.constant 0 : i32
    return %c0_i32, %c0_i32_0 : i32, i32
  }
  func.func @transform_7(%arg0: i32) -> (i32, i32) {
    %c0_i32 = arith.constant 0 : i32
    %c0_i32_0 = arith.constant 0 : i32
    %c0_i32_1 = arith.constant 0 : i32
    return %c0_i32, %c0_i32_0 : i32, i32
  }
  func.func @transform_8(%arg0: i32) -> (i32, i32) {
    %c0_i32 = arith.constant 0 : i32
    %c0_i32_0 = arith.constant 0 : i32
    return %arg0, %c0_i32 : i32, i32
  }
  func.func @transform_9(%arg0: i32) -> (i32, i32) {
    %c0_i32 = arith.constant 0 : i32
    %c0_i32_0 = arith.constant 0 : i32
    return %arg0, %c0_i32 : i32, i32
  }
  func.func @transform_10(%arg0: i32) -> (i32, i32) {
    %c0_i32 = arith.constant 0 : i32
    %c0_i32_0 = arith.constant 0 : i32
    return %arg0, %c0_i32 : i32, i32
  }
}

module attributes {stable_mosaic.version = 14 : i64} {
  func.func @_tc_final(%arg0: i32, %arg1: memref<2048x16xf32, #tpu.memory_space<vmem>>, %arg2: memref<2048x16xf32, #tpu.memory_space<vmem>>, %arg3: memref<2048x16xf32, #tpu.memory_space<vmem>>, %arg4: memref<2048x16xf32, #tpu.memory_space<vmem>>, %arg5: memref<2048x1xf32, #tpu.memory_space<vmem>>, %arg6: memref<1x1xf32, #tpu.memory_space<smem>>, %arg7: memref<1x1xf32, #tpu.memory_space<smem>>, %arg8: memref<1x1xf32, #tpu.memory_space<smem>>, %arg9: memref<1x1xf32, #tpu.memory_space<smem>>, %arg10: memref<1x1xf32, #tpu.memory_space<smem>>, %arg11: memref<2048x1xf32, #tpu.memory_space<vmem>>) attributes {dimension_semantics = [#tpu.dimension_semantics<arbitrary>], iteration_bounds = array<i64: 5>, scalar_prefetch = 0 : i64, scratch_operands = 0 : i64, tpu.core_type = #tpu.core_type<tc>, window_params = [{transform_indices = @transform_0, window_bounds = array<i64: 2048, 16>}, {transform_indices = @transform_1, window_bounds = array<i64: 2048, 16>}, {transform_indices = @transform_2, window_bounds = array<i64: 2048, 16>}, {transform_indices = @transform_3, window_bounds = array<i64: 2048, 16>}, {transform_indices = @transform_4, window_bounds = array<i64: 2048, 1>}, {transform_indices = @transform_5, window_bounds = array<i64: 1, 1>}, {transform_indices = @transform_6, window_bounds = array<i64: 1, 1>}, {transform_indices = @transform_7, window_bounds = array<i64: 1, 1>}, {transform_indices = @transform_8, window_bounds = array<i64: 1, 1>}, {transform_indices = @transform_9, window_bounds = array<i64: 1, 1>}, {transform_indices = @transform_10, window_bounds = array<i64: 2048, 1>}]} {
    %get3A = arith.constant 0 : index
    %get3A_0 = arith.constant 0 : index
    %get3A_1 = vector.load %arg1[%get3A, %get3A_0] : memref<2048x16xf32, #tpu.memory_space<vmem>>, vector<2048x1xf32>
    %get3A_2 = arith.constant 0 : index
    %get3A_3 = arith.constant 0 : index
    %get3A_4 = vector.load %arg2[%get3A_2, %get3A_3] : memref<2048x16xf32, #tpu.memory_space<vmem>>, vector<2048x1xf32>
    %add3A = arith.addf %get3A_1, %get3A_4 : vector<2048x1xf32>
    %get3A_5 = arith.constant 0 : index
    %get3A_6 = arith.constant 0 : index
    %get3A_7 = vector.load %arg3[%get3A_5, %get3A_6] : memref<2048x16xf32, #tpu.memory_space<vmem>>, vector<2048x1xf32>
    %div3A = arith.divf %add3A, %get3A_7 : vector<2048x1xf32>
    %get3A_8 = arith.constant 0 : index
    %get3A_9 = arith.constant 0 : index
    %get3A_10 = memref.load %arg6[%get3A_8, %get3A_9] : memref<1x1xf32, #tpu.memory_space<smem>>
    %add3A_11 = vector.broadcast %get3A_10 : f32 to vector<2048x1xf32>
    %add3A_12 = arith.addf %div3A, %add3A_11 : vector<2048x1xf32>
    %get3A_13 = arith.constant 0 : index
    %get3A_14 = arith.constant 0 : index
    %get3A_15 = vector.load %arg4[%get3A_13, %get3A_14] : memref<2048x16xf32, #tpu.memory_space<vmem>>, vector<2048x1xf32>
    %add3A_16 = arith.addf %add3A_12, %get3A_15 : vector<2048x1xf32>
    %get3A_17 = arith.constant 0 : index
    %get3A_18 = arith.constant 0 : index
    %get3A_19 = memref.load %arg7[%get3A_17, %get3A_18] : memref<1x1xf32, #tpu.memory_space<smem>>
    %mul3A = vector.broadcast %get3A_19 : f32 to vector<2048x1xf32>
    %mul3A_20 = arith.mulf %add3A_16, %mul3A : vector<2048x1xf32>
    %get3A_21 = arith.constant 0 : index
    %get3A_22 = arith.constant 0 : index
    %get3A_23 = memref.load %arg8[%get3A_21, %get3A_22] : memref<1x1xf32, #tpu.memory_space<smem>>
    %add3A_24 = vector.broadcast %get3A_23 : f32 to vector<2048x1xf32>
    %add3A_25 = arith.addf %mul3A_20, %add3A_24 : vector<2048x1xf32>
    %get3A_26 = arith.constant 0 : index
    %get3A_27 = arith.constant 0 : index
    %get3A_28 = memref.load %arg9[%get3A_26, %get3A_27] : memref<1x1xf32, #tpu.memory_space<smem>>
    %mul3A_29 = vector.broadcast %get3A_28 : f32 to vector<2048x1xf32>
    %mul3A_30 = arith.mulf %add3A_16, %mul3A_29 : vector<2048x1xf32>
    %get3A_31 = arith.constant 0 : index
    %get3A_32 = arith.constant 0 : index
    %get3A_33 = memref.load %arg10[%get3A_31, %get3A_32] : memref<1x1xf32, #tpu.memory_space<smem>>
    %add3A_34 = vector.broadcast %get3A_33 : f32 to vector<2048x1xf32>
    %add3A_35 = arith.addf %mul3A_30, %add3A_34 : vector<2048x1xf32>
    %exp3A = math.exp %add3A_35 : vector<2048x1xf32>
    %get3A_36 = arith.constant 0 : index
    %get3A_37 = arith.constant 0 : index
    %get3A_38 = vector.load %arg5[%get3A_36, %get3A_37] : memref<2048x1xf32, #tpu.memory_space<vmem>>, vector<2048x1xf32>
    %mul3A_39 = arith.mulf %get3A_38, %exp3A : vector<2048x1xf32>
    %add3A_40 = arith.addf %add3A_25, %mul3A_39 : vector<2048x1xf32>
    %swap3A = arith.constant 0 : index
    %swap3A_41 = arith.constant 0 : index
    %swap3A_42 = vector.load %arg11[%swap3A, %swap3A_41] : memref<2048x1xf32, #tpu.memory_space<vmem>>, vector<2048x1xf32>
    tpu.vector_store %arg11[%swap3A, %swap3A_41], %add3A_40 {strides = array<i32>} : memref<2048x1xf32, #tpu.memory_space<vmem>>, vector<2048x1xf32>,
    return
  }
  func.func @transform_0(%arg0: i32) -> (i32, i32) {
    %c0_i32 = arith.constant 0 : i32
    %c0_i32_0 = arith.constant 0 : i32
    return %arg0, %c0_i32 : i32, i32
  }
  func.func @transform_1(%arg0: i32) -> (i32, i32) {
    %add3A = arith.constant 5 : i32
    %add3A_0 = arith.addi %add3A, %arg0 : i32
    %c0_i32 = arith.constant 0 : i32
    %c0_i32_1 = arith.constant 0 : i32
    return %add3A_0, %c0_i32 : i32, i32
  }
  func.func @transform_2(%arg0: i32) -> (i32, i32) {
    %c0_i32 = arith.constant 0 : i32
    %c0_i32_0 = arith.constant 0 : i32
    return %arg0, %c0_i32 : i32, i32
  }
  func.func @transform_3(%arg0: i32) -> (i32, i32) {
    %c0_i32 = arith.constant 0 : i32
    %c0_i32_0 = arith.constant 0 : i32
    return %arg0, %c0_i32 : i32, i32
  }
  func.func @transform_4(%arg0: i32) -> (i32, i32) {
    %c0_i32 = arith.constant 0 : i32
    %c0_i32_0 = arith.constant 0 : i32
    return %arg0, %c0_i32 : i32, i32
  }
  func.func @transform_5(%arg0: i32) -> (i32, i32) {
    %c0_i32 = arith.constant 0 : i32
    %c0_i32_0 = arith.constant 0 : i32
    %c0_i32_1 = arith.constant 0 : i32
    return %c0_i32, %c0_i32_0 : i32, i32
  }
  func.func @transform_6(%arg0: i32) -> (i32, i32) {
    %c0_i32 = arith.constant 0 : i32
    %c0_i32_0 = arith.constant 0 : i32
    %c0_i32_1 = arith.constant 0 : i32
    return %c0_i32, %c0_i32_0 : i32, i32
  }
  func.func @transform_7(%arg0: i32) -> (i32, i32) {
    %c0_i32 = arith.constant 0 : i32
    %c0_i32_0 = arith.constant 0 : i32
    %c0_i32_1 = arith.constant 0 : i32
    return %c0_i32, %c0_i32_0 : i32, i32
  }
  func.func @transform_8(%arg0: i32) -> (i32, i32) {
    %c0_i32 = arith.constant 0 : i32
    %c0_i32_0 = arith.constant 0 : i32
    %c0_i32_1 = arith.constant 0 : i32
    return %c0_i32, %c0_i32_0 : i32, i32
  }
  func.func @transform_9(%arg0: i32) -> (i32, i32) {
    %c0_i32 = arith.constant 0 : i32
    %c0_i32_0 = arith.constant 0 : i32
    %c0_i32_1 = arith.constant 0 : i32
    return %c0_i32, %c0_i32_0 : i32, i32
  }
  func.func @transform_10(%arg0: i32) -> (i32, i32) {
    %c0_i32 = arith.constant 0 : i32
    %c0_i32_0 = arith.constant 0 : i32
    return %arg0, %c0_i32 : i32, i32
  }
}

</mosaic_0001>

<sc_bundles>
// kernel: kernel.6.cloned.1.call-start
scs
__scs_entry_jumppad:
0x0: {  	(pc) =	sbr.rel $0x88, $3  }
0x1: {  	(tag) =	ssettag $0x0;
	lr =	simm.s32 $0x1  }
0x2: {  	[smem:$0x3F95] =	sst lr;
	_ =	strace $0xD0000000  }
0x3: {  	_ = 	snop  }
0x4: {  	_ = 	snop  }
0x5: {  	_ = 	snop  }
0x6: {  	_ = 	snop  }
0x7: {  	_ = 	snop  }
__scs_overlays_trampoline_lowered:
0x8: {  	[smem:$0x3FA4] =	sst s0  }
0x9: {  	[smem:$0x3FA5] =	sst s1  }
0xa: {  	[smem:$0x3FA6] =	sst s2  }
0xb: {  	[smem:$0x3FA7] =	sst s3  }
0xc: {  	[smem:$0x3FA8] =	sst s4  }
0xd: {  	[smem:$0x3FA9] =	sst s5  }
0xe: {  	[smem:$0x3FAA] =	sst s6  }
0xf: {  	[smem:$0x3FAB] =	sst s7  }
0x10: {  	[smem:$0x3FAC] =	sst s8  }
0x11: {  	[smem:$0x3FAD] =	sst s9;
	s0 =	simm.s32 @!p0 $0x0  }
0x12: {  	s1 =	sld [smem:$0x3F93];
	s0 =	simm.s32 @p0 $0x1  }
0x13: {  	[smem:$0x3FAE] =	sst s0;
	s0 =	simm.s32 @!p1 $0x0  }
0x14: {  	s2 =	sld [smem:$0x3F92];
	s0 =	simm.s32 @p1 $0x1  }
0x15: {  	[smem:$0x3FAF] =	sst s0;
	s0 =	simm.s32 @!p2 $0x0  }
0x16: {  	s3 =	sld [smem:$0x3FDB];
	s0 =	simm.s32 @p2 $0x1  }
0x17: {  	s4 =	simm.s32 $0x1BF5;
	[smem:$0x3FB1] =	sst s0  }
0x18: {  	s0 =	sld [smem:$0x3F94];
	_ =	swait.ge [sflag:s4], $0x0  }
0x19: {  	s7 =	sld [smem:$0x3F95]  }
0x1a: {  	s8 =	sadd.s32 $0xFFFFE003, lr  }
0x1b: {  	s9 =	sadd.s32 $0xFFFFFEF7, lr;
	s5 =	simm.s32 $0xFFFFFFFF;
	p2 =	slt.u32 s8, $0xFFFFF086  }
0x1c: {  	p1 =	slt.u32 s9, $0xF7A;
	s5 =	simm.s32 @!p2 $0x0  }
0x1d: {  	s5 =	simm.s32 @p1 $0x1;
	p0 =	seq.s32 s7, s2  }
0x1e: {  	s7 =	smul.u32 @!p0 $0xF7A, s2;
	p2 =	seq.s32 @!p0 s5, $0x0  }
0x1f: {  	s9 =	smul.u32 $0xF7A, s1;
	s8 =	simm.s32 @!p0 $0x1BF5;
	p2 =	por !p2, p0  }
0x20: {  	[sflag:s8] =	ssyncset.s32 @!p0 $0xFFFFF086;
	s6 =	sadd.s32 @!p0 s3, s7;
	s7 =	simm.s32 @!p0 $0x108  }
0x21: {  	s3 =	sadd.s32 s3, s9;
	s6 =	sadd.s32 @!p0 $0x88, s6;
	s7 =	simm.s32 @p2 $0x1082  }
0x22: {  	[simem:s7], [sflag:s8] =	dma.local @!p0 [hbm:s6], $0xF7A  }
0x23: {  	s9 =	sor.u32 $0xD0000000, s2;
	s6 =	simm.s32 $0x108;
	_ =	swait.ge @!p0 [sflag:s8], $0x0  }
0x24: {  	s3 =	sadd.s32 $0x88, s3;
	s6 =	simm.s32 @!p1 $0x1082;
	[sflag:s4] =	ssyncset.s32 $0xFFFFF086  }
0x25: {  	[simem:s6], [sflag:s4] =	dma.local [hbm:s3], $0xF7A  }
0x26: {  	[smem:$0x3F95] =	sst s1;
	(tag) =	ssettag s2;
	_ =	strace s9  }
0x27: {  	s1 =	sld [smem:$0x3FA5]  }
0x28: {  	s2 =	sld [smem:$0x3FA6]  }
0x29: {  	s4 =	sld [smem:$0x3FA8]  }
0x2a: {  	p0 =	seq.s32 s5, $0x0;
	s5 =	sld [smem:$0x3FA9]  }
0x2b: {  	s6 =	sld [smem:$0x3FAA]  }
0x2c: {  	s7 =	sld [smem:$0x3FAB]  }
0x2d: {  	s3 =	simm.s32 $0x108;
	s8 =	sld [smem:$0x3FAC]  }
0x2e: {  	s3 =	simm.s32 @!p0 $0x1082;
	s9 =	sld [smem:$0x3FAD]  }
0x2f: {  	lr =	sadd.s32 s0, s3;
	s0 =	sld [smem:$0x3FA4]  }
0x30: {  	s3 =	sld [smem:$0x3FA7]  }
0x31: {  	[smem:$0x3FB0] =	sst s10  }
0x32: {  	s10 =	sld [smem:$0x3FAE];
	_ =	sdelay $0x3  }
0x33: {  	p0 =	seq.s32 s10, $0x1;
	s10 =	sld [smem:$0x3FB0];
	_ =	sdelay $0x3  }
0x34: {  	[smem:$0x3FB0] =	sst s10  }
0x35: {  	s10 =	sld [smem:$0x3FAF];
	_ =	sdelay $0x3  }
0x36: {  	p1 =	seq.s32 s10, $0x1;
	s10 =	sld [smem:$0x3FB0];
	_ =	sdelay $0x3  }
0x37: {  	[smem:$0x3FB0] =	sst s10  }
0x38: {  	s10 =	sld [smem:$0x3FB1]  }
0x39: {  	_ = 	snop;
	(pc) =	sbr.ind lr, $3  }
0x3a: {  	_ = 	snop  }
0x3b: {  	_ = 	snop  }
0x3c: {  	p2 =	seq.s32 s10, $0x1;
	s10 =	sld [smem:$0x3FB0]  }
0x3d: {  	_ =	shalt  }
0x3e: {  	_ =	shalt  }
0x3f: {  	_ =	shalt  }
0x40: {  	_ =	shalt  }
0x41: {  	_ =	shalt  }
0x42: {  	_ =	shalt  }
0x43: {  	_ =	shalt  }
0x44: {  	_ =	shalt  }
0x45: {  	_ =	shalt  }
0x46: {  	_ =	shalt  }
0x47: {  	_ =	shalt  }
0x48: {  	_ =	shalt  }
0x49: {  	_ =	shalt  }
0x4a: {  	_ =	shalt  }
0x4b: {  	_ =	shalt  }
0x4c: {  	_ =	shalt  }
0x4d: {  	_ =	shalt  }
0x4e: {  	_ =	shalt  }
0x4f: {  	_ =	shalt  }
0x50: {  	_ =	shalt  }
0x51: {  	_ =	shalt  }
0x52: {  	_ =	shalt  }
0x53: {  	_ =	shalt  }
0x54: {  	_ =	shalt  }
0x55: {  	_ =	shalt  }
0x56: {  	_ =	shalt  }
0x57: {  	_ =	shalt  }
0x58: {  	_ =	shalt  }
0x59: {  	_ =	shalt  }
0x5a: {  	_ =	shalt  }
0x5b: {  	_ =	shalt  }
0x5c: {  	_ =	shalt  }
0x5d: {  	_ =	shalt  }
0x5e: {  	_ =	shalt  }
0x5f: {  	_ =	shalt  }
0x60: {  	_ =	shalt  }
0x61: {  	_ =	shalt  }
0x62: {  	_ =	shalt  }
0x63: {  	_ =	shalt  }
0x64: {  	_ =	shalt  }
0x65: {  	_ =	shalt  }
0x66: {  	_ =	shalt  }
0x67: {  	_ =	shalt  }
0x68: {  	_ =	shalt  }
0x69: {  	_ =	shalt  }
0x6a: {  	_ =	shalt  }
0x6b: {  	_ =	shalt  }
0x6c: {  	_ =	shalt  }
0x6d: {  	_ =	shalt  }
0x6e: {  	_ =	shalt  }
0x6f: {  	_ =	shalt  }
0x70: {  	_ =	shalt  }
0x71: {  	_ =	shalt  }
0x72: {  	_ =	shalt  }
0x73: {  	_ =	shalt  }
0x74: {  	_ =	shalt  }
0x75: {  	_ =	shalt  }
0x76: {  	_ =	shalt  }
0x77: {  	_ =	shalt  }
0x78: {  	_ =	shalt  }
0x79: {  	_ =	shalt  }
0x7a: {  	_ =	shalt  }
0x7b: {  	_ =	shalt  }
0x7c: {  	_ =	shalt  }
0x7d: {  	_ =	shalt  }
0x7e: {  	_ =	shalt  }
0x7f: {  	_ =	shalt  }
0x80: {  	_ =	shalt  }
0x81: {  	_ =	shalt  }
0x82: {  	_ =	shalt  }
0x83: {  	_ =	shalt  }
0x84: {  	_ =	shalt  }
0x85: {  	_ =	shalt  }
0x86: {  	_ =	shalt  }
0x87: {  	_ =	shalt  }
.Lfunc_end0:
.L_simem_size_0:
called_computation_lowered:
.L_overlay_start_0:
0x88: {  	s2 =	sld [smem:$0x3FD9]  }
0x89: {  	s3 =	sld [smem:$0x3FFE];
	_ =	sdelay $0x1  }
0x8a: {  	s1 =	srdreg.scid  }
0x8b: {  	s0 =	sand.u32 $0x1, s1  }
0x8c: {  	s16 =	sshll.u32 s0, $0xA;
	s2 =	sadd.s32 s3, s2  }
0x8d: {  	s2 =	sadd.s32 s2, s16  }
0x8e: {  	[smem:$0x3FBC] =	sst s2  }
0x8f: {  	_ = 	snop  }
0x90: {  	(tm) =	ssettm $0x1  }
0x91: {  	s17 =	sld [smem:$0x3FFB];
	_ =	sdelay $0x3  }
0x92: {  	_ =	strace s17  }
0x93: {  	s2 =	sld [smem:$0x3FFC];
	_ =	sdelay $0x3  }
0x94: {  	_ =	strace s2  }
0x95: {  	s2 =	sld [smem:$0x3FFD];
	_ =	sdelay $0x3  }
0x96: {  	_ =	strace s2  }
0x97: {  	_ =	strace $0x8FFFFFFF  }
0x98: {  	s18 =	sld [smem:$0x3FDB];
	_ =	sdelay $0x1  }
0x99: {  	s19 =	simm.s32 $_scs_section_size  }
0x9a: {  	s4 =	simm.s32 $_size__tile_overlayer_lowered;
	s5 =	simm.s32 $_tile_overlayer_lowered  }
0x9b: {  	s22 =	simm.s32 $0x1BFF;
	s21 =	sshll.u32 s5, $0x1;
	s2 =	sadd.s32 s19, s18  }
0x9c: {  	s6 =	simm.s32 $0x0;
	s20 =	sshll.u32 s4, $0x1;
	s4 =	sadd.s32 s21, s2  }
0x9d: {  	[timem:s6], [sflag:s22] =	dma.local [hbm:s4], s20  }
0x9e: {  	_ =	swait.ge [sflag:s22], s20  }
0x9f: {  	s3 =	ssub.s32 $0x0, s20;
	[sflag:s22] =	ssyncset.done $0x0  }
0xa0: {  	[sflag:s22] =	ssyncadd.s32 s3;
	_ =	sdelay $0x1  }
0xa1: {  	s23 =	simm.s32 $0x1B8B  }
0xa2: {  	_ =	swait.ge [sflag:s23], $0x1  }
0xa3: {  	[sflag:s23] =	ssyncset.done $0x0  }
0xa4: {  	s25 =	simm.s32 $0x1B8E;
	s24 =	sld [smem:$0x3FFE];
	[sflag:s23] =	ssyncadd.s32 $0xFFFFFFFF  }
0xa5: {  	s26 =	simm.s32 $execute0_lowered;
	[smem:$0x3FD2] =	sst s25  }
0xa6: {  	s4 =	sshll.u32 s26, $0x1;
	_ =	strace $0x80000046;
	[dreg:$0x1] =	wrdreg $0xFFFFFFFF  }
0xa7: {  	s28 =	simm.s32 $_size_execute0_lowered;
	s2 =	sadd.s32 s2, s4;
	[dreg:$0x0] =	wrdreg $0x0  }
0xa8: {  	s4 =	sshll.u32 s28, $0x1;
	[dreg:$0x2] =	wrdreg s2  }
0xa9: {  	[dreg:$0x3] =	wrdreg s4  }
0xaa: {  	[dreg:$0x4] =	wrdreg $0xC0  }
0xab: {  	_ =	task [dreg:s6], $0x5FFFF  }
0xac: {  	[dreg:$0x1] =	wrdreg $0xFFFFFFFF  }
0xad: {  	[dreg:$0x0] =	wrdreg $0x60  }
0xae: {  	[dreg:$0x2] =	wrdreg s24  }
0xaf: {  	[dreg:$0x3] =	wrdreg $0x20800  }
0xb0: {  	[dreg:$0x4] =	wrdreg $0x9  }
0xb1: {  	_ =	task.clear_ibuf [dreg:s6], $0x5FFFF;
	_ =	strace $0x90000046  }
0xb2: {  	s29 =	simm.s32 $0x9;
	_ =	strace $0x80000048  }
0xb3: {  	_ =	swait.ge [sflag:s29], $0x1  }
0xb4: {  	[sflag:s29] =	ssyncadd.s32 $0xFFFFFFFF  }
0xb5: {  	_ =	strace $0x90000048  }
0xb6: {  	_ =	sfence  }
0xb7: {  	s30 =	sld [smem:$0x0];
	_ =	sdelay $0x2  }
0xb8: {  	s31 =	sshll.u32 s1, $0xD;
	s1 =	sshrl.u32 s1, $0x2  }
0xb9: {  	s3 =	sand.u32 $0x4000, s31;
	s1 =	sadd.s32 s1, s30  }
0xba: {  	s0 =	sor.u32 s3, s0;
	s1 =	sshll.u32 s1, $0x11  }
0xbb: {  	s0 =	sor.u32 s1, s0  }
0xbc: {  	s0 =	sadd.s32 $0x8F2B, s0  }
0xbd: {  	[sflag:s0] =	ssyncadd.remote.s32 $0x1  }
0xbe: {  	_ =	sfence.sel $0xFFFF  }
0xbf: {  	[dreg:$0x0] =	wrdreg $0xFFFFFFFF;
	(pc) =	sbr.abs _section_cstart, $3  }
0xc0: {  	[dreg:$0x1] =	wrdreg $0xFFFFFFFF  }
0xc1: {  	_ =	task.clear_ibuf [dreg:s6], $0x2FFFF;
	_ =	strace $0x9FFFFFFF  }
0xc2: {  	(tm) =	ssettm $0x7FFFFFFF  }
0xc3: {  	_ =	shalt  }
tec
execute0_lowered:
.L_overlay_start_1:
0x0: {  	(tag) =	ssettag $0x1  }
0x1: {  	s0 =	rddreg [dreg:$0x0]  }
0x2: {  	s1 =	rddreg [dreg:$0x1]  }
0x3: {  	s2 =	simm.s32 $0x0;
	s3 =	srdreg.scid;
	s22 =	stileid.u32  }
0x4: {  	s28 =	simm.s32 $0x4;
	s30 =	simm.s32 $0x64;
	s29 =	simm.s32 $0x2  }
0x5: {  	s31 =	simm.s32 $0x3;
	[smem:$0x7FF] =	sst s2;
	s4 =	sadd.s32 $0x15C00, s0  }
0x6: {  	s13 =	sadd.s32 $0xB800, s0;
	s3 =	sand.u32 $0x1, s3;
	s12 =	smul.u32 $0x280, s22  }
0x7: {  	s14 =	sadd.s32 $0x1400, s0;
	s0 =	sadd.s32 $0x42C00, s0;
	s15 =	smul.u32 $0x5A000, s22  }
0x8: {  	s21 =	sshll.u32 s22, $0x1;
	_ =	strace $0x80000047;
	s5 =	ssub.s32 $0x2, s3  }
0x9: {  	s19 =	sor.u32 s3, s21;
	s6 =	sshrl.u32 s5, $0x1;
	s16 =	sor.u32 $0x50, s12  }
0xa: {  	s18 =	sadd.s32 $0xA0, s12;
	s7 =	sshrl.u32 s15, $0x2;
	s24 =	sadd.s32 $0x21C00, s15  }
0xb: {  	s9 =	sadd.s32 $0x2D000, s15;
	s10 =	sadd.s32 $0x38400, s15;
	s19 =	smul.u32 $0x514, s19  }
0xc: {  	s11 =	sadd.s32 $0x43800, s15;
	s15 =	sadd.s32 $0x4EC00, s15;
	s20 =	smul.u32 $0x240, s16  }
0xd: {  	s17 =	ssub.s32 s5, s6;
	s8 =	smul.u32 $0x240, s18;
	s5 =	sadd.s32 s7, s1  }
0xe: {  	s9 =	sshrl.u32 s9, $0x2;
	s10 =	sshrl.u32 s10, $0x2;
	s11 =	sshrl.u32 s11, $0x2  }
0xf: {  	s15 =	sshrl.u32 s15, $0x2;
	s9 =	sadd.s32 s9, s1;
	s10 =	sadd.s32 s10, s1  }
0x10: {  	s11 =	sadd.s32 s11, s1;
	s6 =	sshrl.u32 s20, $0x2;
	s20 =	smul.u32 $0x2800, s3  }
0x11: {  	s26 =	sadd.s32 s13, s19;
	s19 =	sadd.s32 s14, s19;
	s23 =	sshrl.u32 s8, $0x2  }
0x12: {  	s8 =	sshrl.u32 s24, $0x2;
	s3 =	smul.u32 $0x514, s3;
	s12 =	sadd.s32 s12, s20  }
0x13: {  	[dreg:$0x3] =	wrdreg s26;
	s25 =	sadd.s32 s20, s16;
	s21 =	smul.u32 $0x12, s12  }
0x14: {  	[dreg:$0x4] =	wrdreg s19;
	s18 =	sadd.s32 s20, s18;
	s16 =	smul.u32 $0x12, s25  }
0x15: {  	s26 =	smax.u32 s17, $0x1;
	s6 =	sadd.s32 s6, s1;
	s18 =	smul.u32 $0x12, s18  }
0x16: {  	[dreg:$0xc] =	wrdreg s26;
	s12 =	sadd.s32 s15, s1;
	s16 =	sadd.s32 s0, s16  }
0x17: {  	s15 =	sadd.s32 s0, s21;
	s0 =	sadd.s32 s0, s18;
	[dreg:$0x5] =	wrdreg s16  }
0x18: {  	s7 =	sadd.s32 s23, s1;
	[dreg:$0x6] =	wrdreg s0;
	s20 =	sadd.s32 $0x10E0, s15  }
0x19: {  	s21 =	smul.u32 $0xA28, s22;
	s22 =	sadd.s32 $0x1680, s15;
	[dreg:$0x7] =	wrdreg s20  }
0x1a: {  	s8 =	sadd.s32 s8, s1;
	s23 =	sadd.s32 $0x1C20, s15;
	[dreg:$0x8] =	wrdreg s22  }
.Ltmp0:
0x1b: {  	s24 =	sadd.s32 $0x21C0, s15;
	[dreg:$0x9] =	wrdreg s23;
	(pc) =	sbr.rel .LBB2_1-.Ltmp0, $4  }
0x1c: {  	s26 =	simm.s32 $0x18880;
	s25 =	sadd.s32 $0x2760, s15;
	[dreg:$0xa] =	wrdreg s24  }
0x1d: {  	s13 =	sadd.s32 s21, s13;
	s0 =	sadd.s32 s21, s14;
	[dreg:$0xb] =	wrdreg s25  }
0x1e: {  	s13 =	sadd.s32 s3, s13;
	s0 =	sadd.s32 s3, s0;
	s3 =	simm.s32 $0x1  }
0x1f: {  	v0 =	vimm.f32 $0.0e+00;
	s14 =	sadd.s32 $0xEA, s13;
	s13 =	sadd.s32 $0xEA, s0;
	s0 =	simm.s32 $0x1C0C0  }
.LBB2_9:
0x20: {  	s16 =	stileid.u32  }
0x21: {  	s16 =	sshll.u32 s16, $0x6  }
0x22: {  	[bflag:$0x0] =	sbarrier.arrive $0xFFFF;
	s17 =	sshrl.u32 s5, $0x3;
	s16 =	sor.u32 $0x1C04, s16  }
0x23: {  	[hbm:s15], [sflag:s16] =	dma.local [spmem:s17], $0x5A0  }
0x24: {  	_ =	swait.ge [sflag:s28], $0x5A0  }
0x25: {  	[sflag:s28] =	ssyncset.done $0x0  }
0x26: {  	s19 =	sshrl.u32 s6, $0x3;
	s18 =	rddreg [dreg:$0x5];
	[sflag:s28] =	ssyncadd.s32 $0xFFFFFA60  }
0x27: {  	[hbm:s18], [sflag:s16] =	dma.local [spmem:s19], $0x5A0  }
0x28: {  	_ =	swait.ge [sflag:s28], $0x5A0  }
0x29: {  	[sflag:s28] =	ssyncset.done $0x0  }
0x2a: {  	s20 =	sshrl.u32 s7, $0x3;
	s21 =	rddreg [dreg:$0x6];
	[sflag:s28] =	ssyncadd.s32 $0xFFFFFA60  }
0x2b: {  	[hbm:s21], [sflag:s16] =	dma.local [spmem:s20], $0x5A0  }
0x2c: {  	_ =	swait.ge [sflag:s28], $0x5A0  }
0x2d: {  	[sflag:s28] =	ssyncset.done $0x0  }
0x2e: {  	s22 =	sshrl.u32 s8, $0x3;
	s23 =	rddreg [dreg:$0x7];
	[sflag:s28] =	ssyncadd.s32 $0xFFFFFA60  }
0x2f: {  	[hbm:s23], [sflag:s16] =	dma.local [spmem:s22], $0x5A0  }
0x30: {  	_ =	swait.ge [sflag:s28], $0x5A0  }
0x31: {  	[sflag:s28] =	ssyncset.done $0x0  }
0x32: {  	s24 =	sshrl.u32 s9, $0x3;
	s25 =	rddreg [dreg:$0x8];
	[sflag:s28] =	ssyncadd.s32 $0xFFFFFA60  }
0x33: {  	[hbm:s25], [sflag:s16] =	dma.local [spmem:s24], $0x5A0  }
0x34: {  	_ =	swait.ge [sflag:s28], $0x5A0  }
0x35: {  	[sflag:s28] =	ssyncset.done $0x0  }
0x36: {  	s19 =	sshrl.u32 s10, $0x3;
	s20 =	rddreg [dreg:$0x9];
	[sflag:s28] =	ssyncadd.s32 $0xFFFFFA60  }
0x37: {  	[hbm:s20], [sflag:s16] =	dma.local [spmem:s19], $0x5A0  }
0x38: {  	_ =	swait.ge [sflag:s28], $0x5A0  }
0x39: {  	[sflag:s28] =	ssyncset.done $0x0  }
0x3a: {  	s21 =	sshrl.u32 s11, $0x3;
	s22 =	rddreg [dreg:$0xa];
	[sflag:s28] =	ssyncadd.s32 $0xFFFFFA60  }
0x3b: {  	[hbm:s22], [sflag:s16] =	dma.local [spmem:s21], $0x5A0  }
0x3c: {  	_ =	swait.ge [sflag:s28], $0x5A0  }
0x3d: {  	[sflag:s28] =	ssyncset.done $0x0  }
0x3e: {  	s23 =	sshrl.u32 s12, $0x3;
	s24 =	rddreg [dreg:$0xb];
	[sflag:s28] =	ssyncadd.s32 $0xFFFFFA60  }
0x3f: {  	[hbm:s24], [sflag:s16] =	dma.local [spmem:s23], $0x5A0  }
0x40: {  	_ =	swait.ge [sflag:s28], $0x5A0  }
0x41: {  	s2 =	sadd.s32 $0x1, s2;
	s25 =	rddreg [dreg:$0xc]  }
0x42: {  	p0 =	sne.s32 s2, s25  }
.Ltmp1:
0x43: {  	_ = 	snop;
	(pc) =	sbr.rel @!p0 .LBB2_10-.Ltmp1, $3  }
0x44: {  	_ =	sdelay $0x1  }
0x45: {  	[sflag:s28] =	ssyncset.done $0x0  }
0x46: {  	[sflag:s28] =	ssyncadd.s32 $0xFFFFFA60  }
.LBB2_1:
0x47: {  	s16 =	simm.s32 $0x0;
	s17 =	simm.s32 $0x240  }
.LBB2_2:
0x48: {  	p0 =	sne.s32 s17, $0xB1C0;
	[tilespmem:s16+$0x18900] =	vst v0  }
0x49: {  	[tilespmem:s16+$0x18880] =	vst v0  }
0x4a: {  	[tilespmem:s16+$0x18890] =	vst v0  }
0x4b: {  	[tilespmem:s16+$0x188A0] =	vst v0  }
.Ltmp2:
0x4c: {  	[tilespmem:s16+$0x188B0] =	vst v0;
	(pc) =	sbr.rel @p0 .LBB2_2-.Ltmp2, $4  }
0x4d: {  	[tilespmem:s16+$0x188C0] =	vst v0  }
0x4e: {  	[tilespmem:s16+$0x188D0] =	vst v0  }
0x4f: {  	[tilespmem:s16+$0x188E0] =	vst v0  }
0x50: {  	[tilespmem:s16+$0x188F0] =	vst v0;
	s16 =	sshra.s32 s17, $0x2;
	s17 =	sadd.s32 $0x240, s17  }
0x51: {  	[tilespmem:s16+$0x18900] =	vst v0  }
0x52: {  	[tilespmem:s16+$0x18880] =	vst v0  }
0x53: {  	[tilespmem:s16+$0x18890] =	vst v0  }
0x54: {  	[tilespmem:s16+$0x188A0] =	vst v0  }
0x55: {  	[tilespmem:s16+$0x188B0] =	vst v0  }
0x56: {  	[tilespmem:s16+$0x188C0] =	vst v0  }
0x57: {  	[tilespmem:s16+$0x188D0] =	vst v0  }
0x58: {  	[tilespmem:s16+$0x188E0] =	vst v0  }
0x59: {  	[tilespmem:s16+$0x188F0] =	vst v0  }
0x5a: {  	[spmem:s5] =	stream.linear.scatter [tilespmem:s26], [sflag:$0x4], $0x2D00, $0x38;
	[tilespmem:$0x1F900] =	vst v63  }
0x5b: {  	_ =	swait.ge [sflag:s28], $0x2D00  }
0x5c: {  	[sflag:s28] =	ssyncset.done $0x0  }
0x5d: {  	[sflag:s28] =	ssyncadd.s32 $0xFFFFD300  }
0x5e: {  	[spmem:s6] =	stream.linear.scatter [tilespmem:s26], [sflag:$0x4], $0x2D00, $0x38;
	[tilespmem:$0x1F900] =	vst v63  }
0x5f: {  	_ =	swait.ge [sflag:s28], $0x2D00  }
0x60: {  	[sflag:s28] =	ssyncset.done $0x0  }
0x61: {  	[sflag:s28] =	ssyncadd.s32 $0xFFFFD300  }
0x62: {  	[spmem:s7] =	stream.linear.scatter [tilespmem:s26], [sflag:$0x4], $0x2D00, $0x38;
	[tilespmem:$0x1F900] =	vst v63  }
0x63: {  	_ =	swait.ge [sflag:s28], $0x2D00  }
0x64: {  	[sflag:s28] =	ssyncset.done $0x0  }
0x65: {  	[sflag:s28] =	ssyncadd.s32 $0xFFFFD300  }
0x66: {  	[spmem:s8] =	stream.linear.scatter [tilespmem:s26], [sflag:$0x4], $0x2D00, $0x38;
	[tilespmem:$0x1F900] =	vst v63  }
0x67: {  	_ =	swait.ge [sflag:s28], $0x2D00  }
0x68: {  	[sflag:s28] =	ssyncset.done $0x0  }
0x69: {  	[sflag:s28] =	ssyncadd.s32 $0xFFFFD300  }
0x6a: {  	[spmem:s9] =	stream.linear.scatter [tilespmem:s26], [sflag:$0x4], $0x2D00, $0x38;
	[tilespmem:$0x1F900] =	vst v63  }
0x6b: {  	_ =	swait.ge [sflag:s28], $0x2D00  }
0x6c: {  	[sflag:s28] =	ssyncset.done $0x0  }
0x6d: {  	[sflag:s28] =	ssyncadd.s32 $0xFFFFD300  }
0x6e: {  	[spmem:s10] =	stream.linear.scatter [tilespmem:s26], [sflag:$0x4], $0x2D00, $0x38;
	[tilespmem:$0x1F900] =	vst v63  }
0x6f: {  	_ =	swait.ge [sflag:s28], $0x2D00  }
0x70: {  	[sflag:s28] =	ssyncset.done $0x0  }
0x71: {  	[sflag:s28] =	ssyncadd.s32 $0xFFFFD300  }
0x72: {  	[spmem:s11] =	stream.linear.scatter [tilespmem:s26], [sflag:$0x4], $0x2D00, $0x38;
	[tilespmem:$0x1F900] =	vst v63  }
0x73: {  	_ =	swait.ge [sflag:s28], $0x2D00  }
0x74: {  	[sflag:s28] =	ssyncset.done $0x0  }
0x75: {  	[sflag:s28] =	ssyncadd.s32 $0xFFFFD300  }
0x76: {  	[spmem:s12] =	stream.linear.scatter [tilespmem:s26], [sflag:$0x4], $0x2D00, $0x38;
	[tilespmem:$0x1F900] =	vst v63  }
0x77: {  	_ =	swait.ge [sflag:s28], $0x2D00  }
0x78: {  	[sflag:s28] =	ssyncset.done $0x0  }
0x79: {  	[sflag:s28] =	ssyncadd.s32 $0xFFFFD300  }
0x7a: {  	[bflag:$0x0] =	sbarrier.arrive $0xFFFF  }
0x7b: {  	s16 =	simm.s32 $0x0;
	s17 =	rddreg [dreg:$0x3]  }
0x7c: {  	[tilespmem:s16], [sflag:$0x4] =	stream.linear.gather [hbm4b:s17+s16], $0x820, $0x38;
	[tilespmem:$0x1F900] =	vst v63  }
0x7d: {  	_ =	swait.ge [sflag:s28], $0x820  }
0x7e: {  	[sflag:s28] =	ssyncset.done $0x0  }
0x7f: {  	s18 =	simm.s32 $0x1040;
	s24 =	rddreg [dreg:$0x4];
	[sflag:s28] =	ssyncadd.s32 $0xFFFFF7E0  }
0x80: {  	[tilespmem:s18], [sflag:$0x4] =	stream.linear.gather [hbm4b:s24+s16], $0x820, $0x38;
	[tilespmem:$0x1F900] =	vst v63  }
0x81: {  	_ =	swait.ge [sflag:s28], $0x820  }
0x82: {  	[sflag:s28] =	ssyncset.done $0x0  }
0x83: {  	[sflag:s28] =	ssyncadd.s32 $0xFFFFF7E0  }
0x84: {  	[tilespmem:s26], [sflag:$0x2] =	stream.indirect.gather [hbm4b:s4+s30], $0x90, s16, s30, $0xb8;
	[tilespmem:$0x1F900] =	vst v63  }
0x85: {  	s25 =	simm.s32 $0x68  }
0x86: {  	[tilespmem:s0], [sflag:$0x3] =	stream.indirect.gather [hbm4b:s4+s30], $0x90, s25, s30, $0xb8;
	[tilespmem:$0x1F900] =	vst v63  }
0x87: {  	s17 =	simm.s32 $0x0;
	s24 =	smov.u32 s14;
	s25 =	smov.u32 s13  }
.LBB2_4:
0x88: {  	s18 =	sadd.s32 $0x2, s16  }
0x89: {  	s19 =	sand.u32 $0xFF, s18  }
0x8a: {  	s19 =	smul.u32 $0xCD, s19;
	_ =	sdelay $0x1  }
0x8b: {  	s19 =	sshrl.u32 s19, $0xC  }
0x8c: {  	s19 =	smul.u32 $0x14, s19  }
0x8d: {  	s20 =	sadd.s32 $0xFFFFFFFF, s16  }
0x8e: {  	p0 =	sgt.u32 s20, $0x60;
	s19 =	ssub.s32 s18, s19  }
0x8f: {  	s20 =	sand.u32 @!p0 $0xFF, s19  }
0x90: {  	p1 =	sne.s32 @!p0 s20, $0x0  }
0x91: {  	p0 =	por p0, p1  }
.Ltmp3:
0x92: {  	_ = 	snop;
	(pc) =	sbr.rel @p0 .LBB2_6-.Ltmp3, $1  }
0x93: {  	_ =	sdelay $0x3  }
0x94: {  	_ =	swait.ge [sflag:s3], $0x820  }
.Ltmp4:
0x95: {  	[sflag:s3] =	ssyncset.done $0x0;
	(pc) =	sbr.rel .LBB2_7-.Ltmp4, $4  }
0x96: {  	[sflag:s3] =	ssyncadd.s32 $0xFFFFF7E0  }
0x97: {  	_ =	swait.ge [sflag:s3], $0x820  }
0x98: {  	[sflag:s3] =	ssyncset.done $0x0  }
0x99: {  	[sflag:s3] =	ssyncadd.s32 $0xFFFFF7E0  }
.LBB2_6:
0x9a: {  	p0 =	sgt.u32 s17, $0x28  }
0x9b: {  	s19 =	sand.u32 @!p0 $0xFF, s19  }
0x9c: {  	p1 =	sne.s32 @!p0 s19, $0x4  }
0x9d: {  	p0 =	por p1, p0  }
0x9e: {  	s19 =	sadd.s32 @!p0 $0x12, s16  }
0x9f: {  	s20 =	smul.u32 @!p0 $0xCD, s19;
	_ =	sdelay $0x1  }
0xa0: {  	s20 =	sshrl.u32 @!p0 s20, $0xD  }
0xa1: {  	s20 =	sand.u32 @!p0 $0x7, s20  }
0xa2: {  	s20 =	smul.u32 @!p0 $0x28, s20;
	_ =	sdelay $0x1  }
0xa3: {  	s19 =	ssub.s32 @!p0 s19, s20  }
0xa4: {  	s19 =	sand.u32 @!p0 $0xFF, s19  }
0xa5: {  	s19 =	smul.u32 @!p0 $0x68, s19  }
0xa6: {  	s20 =	simm.s32 @!p0 $0x0  }
0xa7: {  	[tilespmem:s19], [sflag:$0x1] =	stream.linear.gather @!p0 [hbm4b:s24+s20], $0x820, $0x38;
	[tilespmem:$0x1F900] =	vst v63  }
0xa8: {  	s19 =	sadd.s32 @!p0 $0x1040, s19  }
0xa9: {  	[tilespmem:s19], [sflag:$0x1] =	stream.linear.gather @!p0 [hbm4b:s25+s20], $0x820, $0x38;
	[tilespmem:$0x1F900] =	vst v63  }
.LBB2_7:
0xaa: {  	s19 =	sand.u32 $0xFF, s16  }
0xab: {  	s19 =	smul.u32 $0xCD, s19;
	_ =	sdelay $0x1  }
0xac: {  	s19 =	sshrl.u32 s19, $0xD  }
0xad: {  	s19 =	smul.u32 $0x28, s19  }
0xae: {  	p0 =	seq.s32 s16, $0x62  }
0xaf: {  	s20 =	sand.u32 @!p0 $0xFF, s18;
	s19 =	ssub.s32 s16, s19  }
0xb0: {  	s20 =	smul.u32 @!p0 $0xCD, s20;
	s19 =	sand.u32 $0xFF, s19  }
0xb1: {  	s19 =	smul.u32 $0x1A0, s19  }
0xb2: {  	_ =	swait.ge [sflag:s29], $0x3840  }
0xb3: {  	[sflag:s29] =	ssyncset.done $0x0;
	s20 =	sshrl.u32 @!p0 s20, $0xD;
	s19 =	sshrl.u32 s19, $0x2  }
0xb4: {  	[sflag:s29] =	ssyncadd.s32 $0xFFFFC7C0;
	s20 =	smul.u32 @!p0 $0x28, s20;
	s19 =	sadd.s32 $0x1040, s19  }
0xb5: {  	[spmem:s1] =	stream.indirect.scatter.add.f32 [tilespmem:s26], [sflag:$0x4], $0x90, s19, s30, $0xb8;
	[tilespmem:$0x1F900] =	vst v63  }
0xb6: {  	s19 =	ssub.s32 @!p0 s18, s20;
	s20 =	sor.u32 $0x1, s16  }
0xb7: {  	s21 =	sand.u32 $0xFF, s20  }
0xb8: {  	s19 =	sand.u32 @!p0 $0xFF, s19;
	s21 =	smul.u32 $0xCD, s21  }
0xb9: {  	s22 =	simm.s32 @!p0 $0x64;
	_ =	swait.ge [sflag:s28], $0x3840;
	s19 =	smul.u32 @!p0 $0x1A0, s19  }
0xba: {  	s23 =	simm.s32 @!p0 $0x18880;
	[sflag:s28] =	ssyncset.done $0x0;
	s21 =	sshrl.u32 s21, $0xD  }
0xbb: {  	[sflag:s28] =	ssyncadd.s32 $0xFFFFC7C0;
	s19 =	sshrl.u32 @!p0 s19, $0x2;
	s21 =	smul.u32 $0x28, s21  }
0xbc: {  	[tilespmem:s23], [sflag:$0x2] =	stream.indirect.gather @!p0 [hbm4b:s4+s22], $0x90, s19, s22, $0xb8;
	[tilespmem:$0x1F900] =	vst v63  }
0xbd: {  	s23 =	ssub.s32 s20, s21  }
0xbe: {  	s19 =	sand.u32 $0xFF, s23  }
0xbf: {  	s19 =	smul.u32 $0x1A0, s19  }
0xc0: {  	_ =	swait.ge [sflag:s31], $0x3840  }
0xc1: {  	[sflag:s31] =	ssyncset.done $0x0;
	s19 =	sshrl.u32 s19, $0x2  }
.Ltmp5:
0xc2: {  	[sflag:s31] =	ssyncadd.s32 $0xFFFFC7C0;
	s19 =	sadd.s32 $0x1040, s19;
	(pc) =	sbr.rel @p0 .LBB2_9-.Ltmp5, $4  }
0xc3: {  	[spmem:s1] =	stream.indirect.scatter.add.f32 [tilespmem:s0], [sflag:$0x4], $0x90, s19, s30, $0xb8;
	[tilespmem:$0x1F900] =	vst v63  }
0xc4: {  	_ =	swait.ge [sflag:s28], $0x3840  }
0xc5: {  	[sflag:s28] =	ssyncset.done $0x0  }
0xc6: {  	[sflag:s28] =	ssyncadd.s32 $0xFFFFC7C0  }
0xc7: {  	s16 =	sadd.s32 $0x3, s16  }
0xc8: {  	s19 =	sand.u32 $0xFF, s16  }
0xc9: {  	s19 =	smul.u32 $0xCD, s19;
	_ =	sdelay $0x1  }
0xca: {  	s19 =	sshrl.u32 s19, $0xD  }
0xcb: {  	s19 =	smul.u32 $0x28, s19;
	_ =	sdelay $0x1  }
0xcc: {  	s16 =	ssub.s32 s16, s19  }
0xcd: {  	s16 =	sand.u32 $0xFF, s16  }
0xce: {  	s16 =	smul.u32 $0x1A0, s16  }
.Ltmp6:
0xcf: {  	_ = 	snop;
	(pc) =	sbr.rel .LBB2_4-.Ltmp6, $4  }
0xd0: {  	_ = 	snop  }
0xd1: {  	s17 =	sadd.s32 $0x1, s17;
	s16 =	sshrl.u32 s16, $0x2  }
0xd2: {  	[tilespmem:s0], [sflag:$0x3] =	stream.indirect.gather [hbm4b:s4+s30], $0x90, s16, s30, $0xb8;
	[tilespmem:$0x1F900] =	vst v63  }
0xd3: {  	s24 =	sadd.s32 $0x1A, s24;
	s25 =	sadd.s32 $0x1A, s25;
	s16 =	smov.u32 s18  }
.LBB2_10:
0xd4: {  	_ =	sfence.sel $0x180000  }
0xd5: {  	[bflag:$0x0] =	sbarrier.arrive $0xFFFF  }
0xd6: {  	_ =	strace $0x90000047  }
0xd7: {  	s0 =	stileid.u32;
	[bflag:$0x2] =	sbarrier.arrive $0xFFFF  }
0xd8: {  	p0 =	sne.s32 s0, $0x0;
	s0 =	rddreg [dreg:$0x2]  }
0xd9: {  	s0 =	sadd.s32 @!p0 $0x100000, s0  }
0xda: {  	[sflag:s0] =	ssyncadd.tile.s32 @!p0 $0x1;
	_ =	shalt  }
.Lfunc_end2:
_tile_overlayer_lowered:
.L_overlay_start_2:
0xdb: {  	(tag) =	ssettag $0x2  }
0xdc: {  	s0 =	rddreg [dreg:$0x0];
	s2 =	stileid.u32  }
0xdd: {  	s1 =	rddreg [dreg:$0x1];
	p0 =	sne.s32 s2, $0x0  }
0xde: {  	s3 =	rddreg [dreg:$0x2];
	[bflag:$0x3] =	sbarrier.arrive $0xFFFF;
	s2 =	simm.s32 @!p0 $0x1C04  }
0xdf: {  	[timem:s3], [sflag:s2] =	dma.local @!p0 [hbm:s0], s1  }
0xe0: {  	s0 =	simm.s32 @!p0 $0x4  }
0xe1: {  	_ =	swait.ge @!p0 [sflag:s0], s1  }
0xe2: {  	s1 =	ssub.s32 @!p0 $0x0, s1;
	[sflag:s0] =	ssyncset.done @!p0 $0x0  }
0xe3: {  	[sflag:s0] =	ssyncadd.s32 @!p0 s1  }
0xe4: {  	[bflag:$0x3] =	sbarrier.arrive $0xFFFF  }
0xe5: {  	_ =	shalt  }

// kernel: kernel.9.cloned.1.call-start
scs
__scs_entry_jumppad:
0x0: {  	(pc) =	sbr.rel $0x88, $3  }
0x1: {  	(tag) =	ssettag $0x0;
	lr =	simm.s32 $0x1  }
0x2: {  	[smem:$0x3F95] =	sst lr;
	_ =	strace $0xD0000000  }
0x3: {  	_ = 	snop  }
0x4: {  	_ = 	snop  }
0x5: {  	_ = 	snop  }
0x6: {  	_ = 	snop  }
0x7: {  	_ = 	snop  }
__scs_overlays_trampoline_lowered:
0x8: {  	[smem:$0x3FA4] =	sst s0  }
0x9: {  	[smem:$0x3FA5] =	sst s1  }
0xa: {  	[smem:$0x3FA6] =	sst s2  }
0xb: {  	[smem:$0x3FA7] =	sst s3  }
0xc: {  	[smem:$0x3FA8] =	sst s4  }
0xd: {  	[smem:$0x3FA9] =	sst s5  }
0xe: {  	[smem:$0x3FAA] =	sst s6  }
0xf: {  	[smem:$0x3FAB] =	sst s7  }
0x10: {  	[smem:$0x3FAC] =	sst s8  }
0x11: {  	[smem:$0x3FAD] =	sst s9;
	s0 =	simm.s32 @!p0 $0x0  }
0x12: {  	s1 =	sld [smem:$0x3F93];
	s0 =	simm.s32 @p0 $0x1  }
0x13: {  	[smem:$0x3FAE] =	sst s0;
	s0 =	simm.s32 @!p1 $0x0  }
0x14: {  	s2 =	sld [smem:$0x3F92];
	s0 =	simm.s32 @p1 $0x1  }
0x15: {  	[smem:$0x3FAF] =	sst s0;
	s0 =	simm.s32 @!p2 $0x0  }
0x16: {  	s3 =	sld [smem:$0x3FDB];
	s0 =	simm.s32 @p2 $0x1  }
0x17: {  	s4 =	simm.s32 $0x1BF5;
	[smem:$0x3FB1] =	sst s0  }
0x18: {  	s0 =	sld [smem:$0x3F94];
	_ =	swait.ge [sflag:s4], $0x0  }
0x19: {  	s7 =	sld [smem:$0x3F95]  }
0x1a: {  	s8 =	sadd.s32 $0xFFFFE003, lr  }
0x1b: {  	s9 =	sadd.s32 $0xFFFFFEF7, lr;
	s5 =	simm.s32 $0xFFFFFFFF;
	p2 =	slt.u32 s8, $0xFFFFF086  }
0x1c: {  	p1 =	slt.u32 s9, $0xF7A;
	s5 =	simm.s32 @!p2 $0x0  }
0x1d: {  	s5 =	simm.s32 @p1 $0x1;
	p0 =	seq.s32 s7, s2  }
0x1e: {  	s7 =	smul.u32 @!p0 $0xF7A, s2;
	p2 =	seq.s32 @!p0 s5, $0x0  }
0x1f: {  	s9 =	smul.u32 $0xF7A, s1;
	s8 =	simm.s32 @!p0 $0x1BF5;
	p2 =	por !p2, p0  }
0x20: {  	[sflag:s8] =	ssyncset.s32 @!p0 $0xFFFFF086;
	s6 =	sadd.s32 @!p0 s3, s7;
	s7 =	simm.s32 @!p0 $0x108  }
0x21: {  	s3 =	sadd.s32 s3, s9;
	s6 =	sadd.s32 @!p0 $0x88, s6;
	s7 =	simm.s32 @p2 $0x1082  }
0x22: {  	[simem:s7], [sflag:s8] =	dma.local @!p0 [hbm:s6], $0xF7A  }
0x23: {  	s9 =	sor.u32 $0xD0000000, s2;
	s6 =	simm.s32 $0x108;
	_ =	swait.ge @!p0 [sflag:s8], $0x0  }
0x24: {  	s3 =	sadd.s32 $0x88, s3;
	s6 =	simm.s32 @!p1 $0x1082;
	[sflag:s4] =	ssyncset.s32 $0xFFFFF086  }
0x25: {  	[simem:s6], [sflag:s4] =	dma.local [hbm:s3], $0xF7A  }
0x26: {  	[smem:$0x3F95] =	sst s1;
	(tag) =	ssettag s2;
	_ =	strace s9  }
0x27: {  	s1 =	sld [smem:$0x3FA5]  }
0x28: {  	s2 =	sld [smem:$0x3FA6]  }
0x29: {  	s4 =	sld [smem:$0x3FA8]  }
0x2a: {  	p0 =	seq.s32 s5, $0x0;
	s5 =	sld [smem:$0x3FA9]  }
0x2b: {  	s6 =	sld [smem:$0x3FAA]  }
0x2c: {  	s7 =	sld [smem:$0x3FAB]  }
0x2d: {  	s3 =	simm.s32 $0x108;
	s8 =	sld [smem:$0x3FAC]  }
0x2e: {  	s3 =	simm.s32 @!p0 $0x1082;
	s9 =	sld [smem:$0x3FAD]  }
0x2f: {  	lr =	sadd.s32 s0, s3;
	s0 =	sld [smem:$0x3FA4]  }
0x30: {  	s3 =	sld [smem:$0x3FA7]  }
0x31: {  	[smem:$0x3FB0] =	sst s10  }
0x32: {  	s10 =	sld [smem:$0x3FAE];
	_ =	sdelay $0x3  }
0x33: {  	p0 =	seq.s32 s10, $0x1;
	s10 =	sld [smem:$0x3FB0];
	_ =	sdelay $0x3  }
0x34: {  	[smem:$0x3FB0] =	sst s10  }
0x35: {  	s10 =	sld [smem:$0x3FAF];
	_ =	sdelay $0x3  }
0x36: {  	p1 =	seq.s32 s10, $0x1;
	s10 =	sld [smem:$0x3FB0];
	_ =	sdelay $0x3  }
0x37: {  	[smem:$0x3FB0] =	sst s10  }
0x38: {  	s10 =	sld [smem:$0x3FB1]  }
0x39: {  	_ = 	snop;
	(pc) =	sbr.ind lr, $3  }
0x3a: {  	_ = 	snop  }
0x3b: {  	_ = 	snop  }
0x3c: {  	p2 =	seq.s32 s10, $0x1;
	s10 =	sld [smem:$0x3FB0]  }
0x3d: {  	_ =	shalt  }
0x3e: {  	_ =	shalt  }
0x3f: {  	_ =	shalt  }
0x40: {  	_ =	shalt  }
0x41: {  	_ =	shalt  }
0x42: {  	_ =	shalt  }
0x43: {  	_ =	shalt  }
0x44: {  	_ =	shalt  }
0x45: {  	_ =	shalt  }
0x46: {  	_ =	shalt  }
0x47: {  	_ =	shalt  }
0x48: {  	_ =	shalt  }
0x49: {  	_ =	shalt  }
0x4a: {  	_ =	shalt  }
0x4b: {  	_ =	shalt  }
0x4c: {  	_ =	shalt  }
0x4d: {  	_ =	shalt  }
0x4e: {  	_ =	shalt  }
0x4f: {  	_ =	shalt  }
0x50: {  	_ =	shalt  }
0x51: {  	_ =	shalt  }
0x52: {  	_ =	shalt  }
0x53: {  	_ =	shalt  }
0x54: {  	_ =	shalt  }
0x55: {  	_ =	shalt  }
0x56: {  	_ =	shalt  }
0x57: {  	_ =	shalt  }
0x58: {  	_ =	shalt  }
0x59: {  	_ =	shalt  }
0x5a: {  	_ =	shalt  }
0x5b: {  	_ =	shalt  }
0x5c: {  	_ =	shalt  }
0x5d: {  	_ =	shalt  }
0x5e: {  	_ =	shalt  }
0x5f: {  	_ =	shalt  }
0x60: {  	_ =	shalt  }
0x61: {  	_ =	shalt  }
0x62: {  	_ =	shalt  }
0x63: {  	_ =	shalt  }
0x64: {  	_ =	shalt  }
0x65: {  	_ =	shalt  }
0x66: {  	_ =	shalt  }
0x67: {  	_ =	shalt  }
0x68: {  	_ =	shalt  }
0x69: {  	_ =	shalt  }
0x6a: {  	_ =	shalt  }
0x6b: {  	_ =	shalt  }
0x6c: {  	_ =	shalt  }
0x6d: {  	_ =	shalt  }
0x6e: {  	_ =	shalt  }
0x6f: {  	_ =	shalt  }
0x70: {  	_ =	shalt  }
0x71: {  	_ =	shalt  }
0x72: {  	_ =	shalt  }
0x73: {  	_ =	shalt  }
0x74: {  	_ =	shalt  }
0x75: {  	_ =	shalt  }
0x76: {  	_ =	shalt  }
0x77: {  	_ =	shalt  }
0x78: {  	_ =	shalt  }
0x79: {  	_ =	shalt  }
0x7a: {  	_ =	shalt  }
0x7b: {  	_ =	shalt  }
0x7c: {  	_ =	shalt  }
0x7d: {  	_ =	shalt  }
0x7e: {  	_ =	shalt  }
0x7f: {  	_ =	shalt  }
0x80: {  	_ =	shalt  }
0x81: {  	_ =	shalt  }
0x82: {  	_ =	shalt  }
0x83: {  	_ =	shalt  }
0x84: {  	_ =	shalt  }
0x85: {  	_ =	shalt  }
0x86: {  	_ =	shalt  }
0x87: {  	_ =	shalt  }
.Lfunc_end0:
.L_simem_size_0:
called_computation.1_lowered:
.L_overlay_start_0:
0x88: {  	s2 =	sld [smem:$0x3FD9]  }
0x89: {  	s3 =	sld [smem:$0x3FFE];
	_ =	sdelay $0x1  }
0x8a: {  	s1 =	srdreg.scid  }
0x8b: {  	s0 =	sand.u32 $0x1, s1  }
0x8c: {  	s16 =	sshll.u32 s0, $0xA;
	s2 =	sadd.s32 s3, s2  }
0x8d: {  	s2 =	sadd.s32 s2, s16  }
0x8e: {  	[smem:$0x3FBC] =	sst s2  }
0x8f: {  	_ = 	snop  }
0x90: {  	(tm) =	ssettm $0x1  }
0x91: {  	s17 =	sld [smem:$0x3FFB];
	_ =	sdelay $0x3  }
0x92: {  	_ =	strace s17  }
0x93: {  	s2 =	sld [smem:$0x3FFC];
	_ =	sdelay $0x3  }
0x94: {  	_ =	strace s2  }
0x95: {  	s2 =	sld [smem:$0x3FFD];
	_ =	sdelay $0x3  }
0x96: {  	_ =	strace s2  }
0x97: {  	_ =	strace $0x8FFFFFFF  }
0x98: {  	s18 =	sld [smem:$0x3FDB];
	_ =	sdelay $0x1  }
0x99: {  	s19 =	simm.s32 $_scs_section_size  }
0x9a: {  	s4 =	simm.s32 $_size__tile_overlayer_lowered;
	s5 =	simm.s32 $_tile_overlayer_lowered  }
0x9b: {  	s22 =	simm.s32 $0x1BFF;
	s21 =	sshll.u32 s5, $0x1;
	s2 =	sadd.s32 s19, s18  }
0x9c: {  	s6 =	simm.s32 $0x0;
	s20 =	sshll.u32 s4, $0x1;
	s4 =	sadd.s32 s21, s2  }
0x9d: {  	[timem:s6], [sflag:s22] =	dma.local [hbm:s4], s20  }
0x9e: {  	_ =	swait.ge [sflag:s22], s20  }
0x9f: {  	s3 =	ssub.s32 $0x0, s20;
	[sflag:s22] =	ssyncset.done $0x0  }
0xa0: {  	[sflag:s22] =	ssyncadd.s32 s3;
	_ =	sdelay $0x1  }
0xa1: {  	s23 =	simm.s32 $0x1B8B  }
0xa2: {  	_ =	swait.ge [sflag:s23], $0x1  }
0xa3: {  	[sflag:s23] =	ssyncset.done $0x0  }
0xa4: {  	s25 =	simm.s32 $0x1B8E;
	s24 =	sld [smem:$0x3FFE];
	[sflag:s23] =	ssyncadd.s32 $0xFFFFFFFF  }
0xa5: {  	s26 =	simm.s32 $execute0_lowered;
	[smem:$0x3FD2] =	sst s25  }
0xa6: {  	s4 =	sshll.u32 s26, $0x1;
	_ =	strace $0x80000049;
	[dreg:$0x1] =	wrdreg $0xFFFFFFFF  }
0xa7: {  	s28 =	simm.s32 $_size_execute0_lowered;
	s2 =	sadd.s32 s2, s4;
	[dreg:$0x0] =	wrdreg $0x0  }
0xa8: {  	s4 =	sshll.u32 s28, $0x1;
	[dreg:$0x2] =	wrdreg s2  }
0xa9: {  	[dreg:$0x3] =	wrdreg s4  }
0xaa: {  	[dreg:$0x4] =	wrdreg $0xC0  }
0xab: {  	_ =	task [dreg:s6], $0x5FFFF  }
0xac: {  	[dreg:$0x1] =	wrdreg $0xFFFFFFFF  }
0xad: {  	[dreg:$0x0] =	wrdreg $0x60  }
0xae: {  	[dreg:$0x2] =	wrdreg s24  }
0xaf: {  	[dreg:$0x3] =	wrdreg $0x20800  }
0xb0: {  	[dreg:$0x4] =	wrdreg $0x9  }
0xb1: {  	_ =	task.clear_ibuf [dreg:s6], $0x5FFFF;
	_ =	strace $0x90000049  }
0xb2: {  	s29 =	simm.s32 $0x9;
	_ =	strace $0x8000004B  }
0xb3: {  	_ =	swait.ge [sflag:s29], $0x1  }
0xb4: {  	[sflag:s29] =	ssyncadd.s32 $0xFFFFFFFF  }
0xb5: {  	_ =	strace $0x9000004B  }
0xb6: {  	_ =	sfence  }
0xb7: {  	s30 =	sld [smem:$0x0];
	_ =	sdelay $0x2  }
0xb8: {  	s31 =	sshll.u32 s1, $0xD;
	s1 =	sshrl.u32 s1, $0x2  }
0xb9: {  	s3 =	sand.u32 $0x4000, s31;
	s1 =	sadd.s32 s1, s30  }
0xba: {  	s0 =	sor.u32 s3, s0;
	s1 =	sshll.u32 s1, $0x11  }
0xbb: {  	s0 =	sor.u32 s1, s0  }
0xbc: {  	s0 =	sadd.s32 $0x8F2B, s0  }
0xbd: {  	[sflag:s0] =	ssyncadd.remote.s32 $0x1  }
0xbe: {  	_ =	sfence.sel $0xFFFF  }
0xbf: {  	[dreg:$0x0] =	wrdreg $0xFFFFFFFF;
	(pc) =	sbr.abs _section_cstart, $3  }
0xc0: {  	[dreg:$0x1] =	wrdreg $0xFFFFFFFF  }
0xc1: {  	_ =	task.clear_ibuf [dreg:s6], $0x2FFFF;
	_ =	strace $0x9FFFFFFF  }
0xc2: {  	(tm) =	ssettm $0x7FFFFFFF  }
0xc3: {  	_ =	shalt  }
tec
execute0_lowered:
.L_overlay_start_1:
0x0: {  	(tag) =	ssettag $0x1  }
0x1: {  	s2 =	rddreg [dreg:$0x0]  }
0x2: {  	s1 =	rddreg [dreg:$0x1];
	s0 =	srdreg.scid  }
0x3: {  	s16 =	stileid.u32;
	s28 =	simm.s32 $0x6;
	s30 =	simm.s32 $0x64  }
0x4: {  	s29 =	simm.s32 $0x5500;
	s31 =	simm.s32 $0x1;
	s3 =	sand.u32 $0x1, s0  }
0x5: {  	s4 =	sadd.s32 $0xB800, s2;
	s5 =	sadd.s32 $0x1400, s2;
	s7 =	smul.u32 $0x280, s16  }
0x6: {  	s8 =	sadd.s32 $0x1AC00, s2;
	s18 =	sshll.u32 s16, $0x1;
	s0 =	ssub.s32 $0x2, s3  }
0x7: {  	s13 =	smul.u32 $0x2800, s3;
	s6 =	sshrl.u32 s0, $0x1;
	s9 =	sor.u32 $0x50, s7  }
0x8: {  	s10 =	sadd.s32 $0xA0, s7;
	s11 =	sadd.s32 $0xF0, s7;
	s12 =	sadd.s32 $0x140, s7  }
0x9: {  	s20 =	sadd.s32 $0x190, s7;
	s21 =	sadd.s32 $0x1E0, s7;
	s22 =	sadd.s32 $0x230, s7  }
0xa: {  	s0 =	ssub.s32 s0, s6;
	s6 =	sor.u32 s3, s18;
	s7 =	sadd.s32 s7, s13  }
0xb: {  	s14 =	sadd.s32 s13, s9;
	s15 =	sadd.s32 s13, s10;
	s24 =	sadd.s32 s13, s11  }
0xc: {  	s25 =	sadd.s32 s13, s12;
	s26 =	sadd.s32 s13, s20;
	s3 =	smul.u32 $0x514, s3  }
0xd: {  	s6 =	smul.u32 $0x514, s6;
	s7 =	sshll.u32 s7, $0x1;
	s14 =	sshll.u32 s14, $0x1  }
0xe: {  	s23 =	sshll.u32 s15, $0x1;
	s18 =	sshll.u32 s26, $0x1;
	s7 =	sadd.s32 s8, s7  }
0xf: {  	s26 =	smul.u32 $0xA000, s16;
	s19 =	sadd.s32 s8, s14;
	[dreg:$0x3] =	wrdreg s7  }
0x10: {  	s0 =	smax.u32 s0, $0x1;
	s14 =	sshll.u32 s25, $0x1;
	[dreg:$0x4] =	wrdreg s19  }
0x11: {  	s7 =	sadd.s32 s8, s23;
	s17 =	sadd.s32 s8, s14;
	s19 =	sadd.s32 s13, s21  }
0x12: {  	s13 =	sadd.s32 s13, s22;
	s23 =	smul.u32 $0xA28, s16;
	s25 =	sadd.s32 s4, s6  }
0x13: {  	s6 =	sadd.s32 s5, s6;
	s14 =	sadd.s32 $0x15C00, s2;
	[dreg:$0x5] =	wrdreg s7  }
0x14: {  	s16 =	sshll.u32 s12, $0x4;
	s2 =	simm.s32 $0x5B40;
	[dreg:$0x7] =	wrdreg s17  }
0x15: {  	s7 =	sshll.u32 s24, $0x1;
	s13 =	sshll.u32 s13, $0x1;
	[dreg:$0xb] =	wrdreg s25  }
0x16: {  	[dreg:$0xc] =	wrdreg s6;
	s17 =	sshll.u32 s20, $0x4;
	s6 =	simm.s32 $0x5  }
0x17: {  	s7 =	sadd.s32 s8, s7;
	s24 =	sadd.s32 s8, s13;
	s4 =	sadd.s32 s23, s4  }
0x18: {  	s5 =	sadd.s32 s23, s5;
	s13 =	simm.s32 $0x0;
	[dreg:$0x6] =	wrdreg s7  }
0x19: {  	s25 =	sadd.s32 s17, s1;
	s7 =	sadd.s32 s8, s18;
	[dreg:$0xa] =	wrdreg s24  }
0x1a: {  	s4 =	sadd.s32 s3, s4;
	s3 =	sadd.s32 s3, s5;
	[smem:$0x7FF] =	sst s13  }
0x1b: {  	s24 =	sadd.s32 s16, s1;
	s18 =	sshll.u32 s21, $0x4;
	s5 =	simm.s32 $0x4  }
0x1c: {  	[dreg:$0x8] =	wrdreg s7;
	s7 =	sshll.u32 s19, $0x1;
	s19 =	sshll.u32 s22, $0x4  }
0x1d: {  	s20 =	sadd.s32 s18, s1;
	s21 =	sadd.s32 $0x104, s4;
	s4 =	simm.s32 $0x3  }
0x1e: {  	s7 =	sadd.s32 s8, s7;
	s8 =	sshll.u32 s9, $0x4;
	s9 =	sshll.u32 s10, $0x4  }
0x1f: {  	s10 =	sshll.u32 s11, $0x4;
	s22 =	sadd.s32 s19, s1;
	[dreg:$0x9] =	wrdreg s7  }
.Ltmp0:
0x20: {  	s7 =	sshrl.u32 s26, $0x2;
	s23 =	sadd.s32 s8, s1;
	(pc) =	sbr.rel .LBB2_1-.Ltmp0, $4  }
0x21: {  	s11 =	sadd.s32 s9, s1;
	_ =	strace $0x8000004A;
	[dreg:$0xd] =	wrdreg s20  }
0x22: {  	s12 =	sadd.s32 s10, s1;
	s26 =	sadd.s32 $0x104, s3;
	[dreg:$0xe] =	wrdreg s0  }
0x23: {  	s3 =	simm.s32 $0x2;
	s15 =	sadd.s32 s7, s1;
	[dreg:$0xf] =	wrdreg s21  }
0x24: {  	v0 =	vimm.f32 $0.0e+00;
	[dreg:$0x10] =	wrdreg s26;
	s26 =	simm.s32 $0x4880;
	s0 =	simm.s32 $0x4EC0  }
.LBB2_9:
0x25: {  	s7 =	stileid.u32  }
0x26: {  	[bflag:$0x0] =	sbarrier.arrive $0xFFFF;
	s7 =	sshll.u32 s7, $0x6  }
0x27: {  	s8 =	sshrl.u32 s16, $0x3;
	s9 =	rddreg [dreg:$0x3];
	s7 =	sor.u32 $0x1C06, s7  }
0x28: {  	[hbm:s9], [sflag:s7] =	dma.local [spmem:s8], $0xA0  }
0x29: {  	_ =	swait.ge [sflag:s28], $0xA0  }
0x2a: {  	[sflag:s28] =	ssyncset.done $0x0  }
0x2b: {  	s11 =	sshrl.u32 s17, $0x3;
	s12 =	rddreg [dreg:$0x4];
	[sflag:s28] =	ssyncadd.s32 $0xFFFFFF60  }
0x2c: {  	[hbm:s12], [sflag:s7] =	dma.local [spmem:s11], $0xA0  }
0x2d: {  	_ =	swait.ge [sflag:s28], $0xA0  }
0x2e: {  	s15 =	smov.u32 s16;
	s23 =	smov.u32 s17;
	[sflag:s28] =	ssyncset.done $0x0  }
0x2f: {  	s16 =	sshrl.u32 s18, $0x3;
	s17 =	rddreg [dreg:$0x5];
	[sflag:s28] =	ssyncadd.s32 $0xFFFFFF60  }
0x30: {  	[hbm:s17], [sflag:s7] =	dma.local [spmem:s16], $0xA0  }
0x31: {  	_ =	swait.ge [sflag:s28], $0xA0  }
0x32: {  	s11 =	smov.u32 s18;
	s12 =	smov.u32 s19;
	[sflag:s28] =	ssyncset.done $0x0  }
0x33: {  	s18 =	sshrl.u32 s19, $0x3;
	s19 =	rddreg [dreg:$0x6];
	[sflag:s28] =	ssyncadd.s32 $0xFFFFFF60  }
0x34: {  	[hbm:s19], [sflag:s7] =	dma.local [spmem:s18], $0xA0  }
0x35: {  	_ =	swait.ge [sflag:s28], $0xA0  }
0x36: {  	s24 =	smov.u32 s20;
	[sflag:s28] =	ssyncset.done $0x0  }
0x37: {  	s20 =	sshrl.u32 s20, $0x3;
	s25 =	rddreg [dreg:$0x7];
	[sflag:s28] =	ssyncadd.s32 $0xFFFFFF60  }
0x38: {  	[hbm:s25], [sflag:s7] =	dma.local [spmem:s20], $0xA0  }
0x39: {  	_ =	swait.ge [sflag:s28], $0xA0  }
0x3a: {  	[sflag:s28] =	ssyncset.done $0x0  }
0x3b: {  	s10 =	sshrl.u32 s21, $0x3;
	s16 =	rddreg [dreg:$0x8];
	[sflag:s28] =	ssyncadd.s32 $0xFFFFFF60  }
0x3c: {  	[hbm:s16], [sflag:s7] =	dma.local [spmem:s10], $0xA0  }
0x3d: {  	_ =	swait.ge [sflag:s28], $0xA0  }
0x3e: {  	[sflag:s28] =	ssyncset.done $0x0;
	s17 =	rddreg [dreg:$0xd]  }
0x3f: {  	s18 =	rddreg [dreg:$0x9];
	[sflag:s28] =	ssyncadd.s32 $0xFFFFFF60;
	s8 =	sshrl.u32 s17, $0x3  }
0x40: {  	[hbm:s18], [sflag:s7] =	dma.local [spmem:s8], $0xA0  }
0x41: {  	_ =	swait.ge [sflag:s28], $0xA0  }
0x42: {  	[sflag:s28] =	ssyncset.done $0x0  }
0x43: {  	s19 =	sshrl.u32 s22, $0x3;
	s20 =	rddreg [dreg:$0xa];
	[sflag:s28] =	ssyncadd.s32 $0xFFFFFF60  }
0x44: {  	[hbm:s20], [sflag:s7] =	dma.local [spmem:s19], $0xA0  }
0x45: {  	_ =	swait.ge [sflag:s28], $0xA0  }
0x46: {  	s13 =	sadd.s32 $0x1, s13;
	s25 =	smov.u32 s21;
	s21 =	rddreg [dreg:$0xe]  }
0x47: {  	p0 =	sne.s32 s13, s21  }
.Ltmp1:
0x48: {  	_ = 	snop;
	(pc) =	sbr.rel @!p0 .LBB2_10-.Ltmp1, $3  }
0x49: {  	_ =	sdelay $0x1  }
0x4a: {  	[sflag:s28] =	ssyncset.done $0x0  }
0x4b: {  	[sflag:s28] =	ssyncadd.s32 $0xFFFFFF60  }
.LBB2_1:
0x4c: {  	s8 =	simm.s32 $0x40;
	s10 =	simm.s32 $0x0  }
.LBB2_2:
0x4d: {  	p0 =	sne.s32 s8, $0x13C0;
	[tilespmem:s10+$0x4880] =	vst v0;
	s10 =	smov.u32 s8;
	s8 =	sadd.s32 $0x40, s8  }
.Ltmp2:
0x4e: {  	(pc) =	sbr.rel @p0 .LBB2_2-.Ltmp2, $2  }
0x4f: {  	_ =	sdelay $0x2  }
0x50: {  	s10 =	sshra.s32 s10, $0x2  }
0x51: {  	[tilespmem:s10+$0x4880] =	vst v0  }
0x52: {  	[spmem:s15] =	stream.linear.scatter [tilespmem:s26], [sflag:$0x6], $0x500, $0x38;
	[tilespmem:$0x6180] =	vst v63  }
0x53: {  	_ =	swait.ge [sflag:s28], $0x500  }
0x54: {  	[sflag:s28] =	ssyncset.done $0x0  }
0x55: {  	[sflag:s28] =	ssyncadd.s32 $0xFFFFFB00  }
0x56: {  	[spmem:s23] =	stream.linear.scatter [tilespmem:s26], [sflag:$0x6], $0x500, $0x38;
	[tilespmem:$0x6180] =	vst v63  }
0x57: {  	_ =	swait.ge [sflag:s28], $0x500  }
0x58: {  	[sflag:s28] =	ssyncset.done $0x0  }
0x59: {  	[sflag:s28] =	ssyncadd.s32 $0xFFFFFB00  }
0x5a: {  	[spmem:s11] =	stream.linear.scatter [tilespmem:s26], [sflag:$0x6], $0x500, $0x38;
	[tilespmem:$0x6180] =	vst v63  }
0x5b: {  	_ =	swait.ge [sflag:s28], $0x500  }
0x5c: {  	[sflag:s28] =	ssyncset.done $0x0  }
0x5d: {  	[sflag:s28] =	ssyncadd.s32 $0xFFFFFB00  }
0x5e: {  	[spmem:s12] =	stream.linear.scatter [tilespmem:s26], [sflag:$0x6], $0x500, $0x38;
	[tilespmem:$0x6180] =	vst v63  }
0x5f: {  	_ =	swait.ge [sflag:s28], $0x500  }
0x60: {  	[sflag:s28] =	ssyncset.done $0x0  }
0x61: {  	[sflag:s28] =	ssyncadd.s32 $0xFFFFFB00  }
0x62: {  	[spmem:s24] =	stream.linear.scatter [tilespmem:s26], [sflag:$0x6], $0x500, $0x38;
	[tilespmem:$0x6180] =	vst v63  }
0x63: {  	_ =	swait.ge [sflag:s28], $0x500  }
0x64: {  	[sflag:s28] =	ssyncset.done $0x0  }
0x65: {  	[sflag:s28] =	ssyncadd.s32 $0xFFFFFB00  }
0x66: {  	[spmem:s25] =	stream.linear.scatter [tilespmem:s26], [sflag:$0x6], $0x500, $0x38;
	[tilespmem:$0x6180] =	vst v63  }
0x67: {  	_ =	swait.ge [sflag:s28], $0x500  }
0x68: {  	[sflag:s28] =	ssyncset.done $0x0  }
0x69: {  	s7 =	rddreg [dreg:$0xd];
	[sflag:s28] =	ssyncadd.s32 $0xFFFFFB00  }
0x6a: {  	[spmem:s7] =	stream.linear.scatter [tilespmem:s26], [sflag:$0x6], $0x500, $0x38;
	[tilespmem:$0x6180] =	vst v63  }
0x6b: {  	_ =	swait.ge [sflag:s28], $0x500  }
0x6c: {  	[sflag:s28] =	ssyncset.done $0x0  }
0x6d: {  	[sflag:s28] =	ssyncadd.s32 $0xFFFFFB00  }
0x6e: {  	[spmem:s22] =	stream.linear.scatter [tilespmem:s26], [sflag:$0x6], $0x500, $0x38;
	[tilespmem:$0x6180] =	vst v63  }
0x6f: {  	_ =	swait.ge [sflag:s28], $0x500  }
0x70: {  	[sflag:s28] =	ssyncset.done $0x0  }
0x71: {  	[sflag:s28] =	ssyncadd.s32 $0xFFFFFB00  }
0x72: {  	[bflag:$0x0] =	sbarrier.arrive $0xFFFF  }
0x73: {  	s19 =	smov.u32 s12;
	s8 =	simm.s32 $0x0;
	s12 =	rddreg [dreg:$0xb]  }
0x74: {  	[tilespmem:s8], [sflag:$0x6] =	stream.linear.gather [hbm4b:s12+s8], $0x820, $0x38;
	[tilespmem:$0x6180] =	vst v63  }
0x75: {  	_ =	swait.ge [sflag:s28], $0x820  }
0x76: {  	s16 =	smov.u32 s15;
	[sflag:s28] =	ssyncset.done $0x0  }
0x77: {  	s9 =	simm.s32 $0x1040;
	s15 =	rddreg [dreg:$0xc];
	[sflag:s28] =	ssyncadd.s32 $0xFFFFF7E0  }
0x78: {  	[tilespmem:s9], [sflag:$0x6] =	stream.linear.gather [hbm4b:s15+s8], $0x820, $0x38;
	[tilespmem:$0x6180] =	vst v63  }
0x79: {  	_ =	swait.ge [sflag:s28], $0x820  }
0x7a: {  	[sflag:s28] =	ssyncset.done $0x0  }
0x7b: {  	[sflag:s28] =	ssyncadd.s32 $0xFFFFF7E0  }
0x7c: {  	[tilespmem:s26], [sflag:$0x2] =	stream.indirect.gather [hbm4b:s14+s30], $0x10, s8, s30, $0xb8;
	[tilespmem:$0x6180] =	vst v63  }
0x7d: {  	s17 =	smov.u32 s23;
	s23 =	simm.s32 $0x68  }
0x7e: {  	[tilespmem:s0], [sflag:$0x3] =	stream.indirect.gather [hbm4b:s14+s30], $0x10, s23, s30, $0xb8;
	[tilespmem:$0x6180] =	vst v63  }
0x7f: {  	s20 =	smov.u32 s24;
	s24 =	simm.s32 $0xD0  }
0x80: {  	[tilespmem:s29], [sflag:$0x4] =	stream.indirect.gather [hbm4b:s14+s30], $0x10, s24, s30, $0xb8;
	[tilespmem:$0x6180] =	vst v63  }
0x81: {  	s21 =	smov.u32 s25;
	s25 =	simm.s32 $0x138;
	s24 =	rddreg [dreg:$0xf]  }
0x82: {  	[tilespmem:s2], [sflag:$0x5] =	stream.indirect.gather [hbm4b:s14+s30], $0x10, s25, s30, $0xb8;
	[tilespmem:$0x6180] =	vst v63  }
0x83: {  	s18 =	smov.u32 s11;
	s10 =	simm.s32 $0x0;
	s25 =	rddreg [dreg:$0x10]  }
.LBB2_4:
0x84: {  	s11 =	sadd.s32 $0x4, s8  }
0x85: {  	s12 =	sand.u32 $0xFF, s11  }
0x86: {  	s12 =	smul.u32 $0xCD, s12;
	_ =	sdelay $0x1  }
0x87: {  	s12 =	sshrl.u32 s12, $0xC  }
0x88: {  	s12 =	smul.u32 $0x14, s12  }
0x89: {  	s23 =	sadd.s32 $0xFFFFFFFF, s8  }
0x8a: {  	p0 =	sgt.u32 s23, $0x5E;
	s12 =	ssub.s32 s11, s12  }
0x8b: {  	s23 =	sand.u32 @!p0 $0xFF, s12  }
0x8c: {  	p1 =	sne.s32 @!p0 s23, $0x0  }
0x8d: {  	p0 =	por p0, p1  }
.Ltmp3:
0x8e: {  	_ = 	snop;
	(pc) =	sbr.rel @p0 .LBB2_6-.Ltmp3, $1  }
0x8f: {  	_ =	sdelay $0x3  }
0x90: {  	_ =	swait.ge [sflag:s31], $0x820  }
.Ltmp4:
0x91: {  	[sflag:s31] =	ssyncset.done $0x0;
	(pc) =	sbr.rel .LBB2_7-.Ltmp4, $4  }
0x92: {  	[sflag:s31] =	ssyncadd.s32 $0xFFFFF7E0  }
0x93: {  	_ =	swait.ge [sflag:s31], $0x820  }
0x94: {  	[sflag:s31] =	ssyncset.done $0x0  }
0x95: {  	[sflag:s31] =	ssyncadd.s32 $0xFFFFF7E0  }
.LBB2_6:
0x96: {  	p0 =	sgt.u32 s10, $0x13  }
0x97: {  	s12 =	sand.u32 @!p0 $0xFF, s12  }
0x98: {  	p1 =	sne.s32 @!p0 s12, $0x4  }
0x99: {  	p0 =	por p1, p0  }
0x9a: {  	s12 =	sadd.s32 @!p0 $0x14, s8  }
0x9b: {  	s23 =	smul.u32 @!p0 $0xCD, s12;
	_ =	sdelay $0x1  }
0x9c: {  	s23 =	sshrl.u32 @!p0 s23, $0xD  }
0x9d: {  	s23 =	sand.u32 @!p0 $0x7, s23  }
0x9e: {  	s23 =	smul.u32 @!p0 $0x28, s23;
	_ =	sdelay $0x1  }
0x9f: {  	s12 =	ssub.s32 @!p0 s12, s23  }
0xa0: {  	s12 =	sand.u32 @!p0 $0xFF, s12  }
0xa1: {  	s12 =	smul.u32 @!p0 $0x68, s12  }
0xa2: {  	s23 =	simm.s32 @!p0 $0x0  }
0xa3: {  	[tilespmem:s12], [sflag:$0x1] =	stream.linear.gather @!p0 [hbm4b:s24+s23], $0x820, $0x38;
	[tilespmem:$0x6180] =	vst v63  }
0xa4: {  	s12 =	sadd.s32 @!p0 $0x1040, s12  }
0xa5: {  	[tilespmem:s12], [sflag:$0x1] =	stream.linear.gather @!p0 [hbm4b:s25+s23], $0x820, $0x38;
	[tilespmem:$0x6180] =	vst v63  }
.LBB2_7:
0xa6: {  	s12 =	sand.u32 $0xFF, s8  }
0xa7: {  	s12 =	smul.u32 $0xCD, s12;
	_ =	sdelay $0x1  }
0xa8: {  	s12 =	sshrl.u32 s12, $0xD  }
0xa9: {  	s12 =	smul.u32 $0x28, s12  }
0xaa: {  	p0 =	seq.s32 s8, $0x60  }
0xab: {  	s23 =	sand.u32 @!p0 $0xFF, s11;
	s12 =	ssub.s32 s8, s12  }
0xac: {  	s23 =	smul.u32 @!p0 $0xCD, s23;
	s12 =	sand.u32 $0xFF, s12  }
0xad: {  	s12 =	smul.u32 $0x1A0, s12  }
0xae: {  	_ =	swait.ge [sflag:s3], $0x640  }
0xaf: {  	[sflag:s3] =	ssyncset.done $0x0;
	s23 =	sshrl.u32 @!p0 s23, $0xD;
	s12 =	sshrl.u32 s12, $0x2  }
0xb0: {  	[sflag:s3] =	ssyncadd.s32 $0xFFFFF9C0;
	s23 =	smul.u32 @!p0 $0x28, s23;
	s12 =	sadd.s32 $0x1040, s12  }
0xb1: {  	[spmem:s1] =	stream.indirect.scatter.add.f32 [tilespmem:s26], [sflag:$0x6], $0x10, s12, s30, $0xb8;
	[tilespmem:$0x6180] =	vst v63  }
0xb2: {  	s12 =	ssub.s32 @!p0 s11, s23;
	s23 =	sor.u32 $0x1, s8  }
0xb3: {  	s9 =	sand.u32 $0xFF, s23  }
0xb4: {  	s12 =	sand.u32 @!p0 $0xFF, s12;
	s9 =	smul.u32 $0xCD, s9  }
0xb5: {  	s7 =	simm.s32 @!p0 $0x64;
	_ =	swait.ge [sflag:s28], $0x640;
	s12 =	smul.u32 @!p0 $0x1A0, s12  }
0xb6: {  	s15 =	simm.s32 @!p0 $0x4880;
	[sflag:s28] =	ssyncset.done $0x0;
	s9 =	sshrl.u32 s9, $0xD  }
0xb7: {  	[sflag:s28] =	ssyncadd.s32 $0xFFFFF9C0;
	s12 =	sshrl.u32 @!p0 s12, $0x2;
	s9 =	smul.u32 $0x28, s9  }
0xb8: {  	[tilespmem:s15], [sflag:$0x2] =	stream.indirect.gather @!p0 [hbm4b:s14+s7], $0x10, s12, s7, $0xb8;
	[tilespmem:$0x6180] =	vst v63  }
0xb9: {  	s9 =	ssub.s32 s23, s9  }
0xba: {  	s9 =	sand.u32 $0xFF, s9  }
0xbb: {  	s9 =	smul.u32 $0x1A0, s9  }
0xbc: {  	s12 =	sadd.s32 @!p0 $0x5, s8;
	_ =	swait.ge [sflag:s4], $0x640  }
0xbd: {  	s15 =	sand.u32 @!p0 $0xFF, s12;
	[sflag:s4] =	ssyncset.done $0x0;
	s9 =	sshrl.u32 s9, $0x2  }
0xbe: {  	s15 =	smul.u32 @!p0 $0xCD, s15;
	[sflag:s4] =	ssyncadd.s32 $0xFFFFF9C0;
	s9 =	sadd.s32 $0x1040, s9  }
0xbf: {  	[spmem:s1] =	stream.indirect.scatter.add.f32 [tilespmem:s0], [sflag:$0x6], $0x10, s9, s30, $0xb8;
	[tilespmem:$0x6180] =	vst v63  }
0xc0: {  	s9 =	sshrl.u32 @!p0 s15, $0xD  }
0xc1: {  	s9 =	smul.u32 @!p0 $0x28, s9  }
0xc2: {  	s15 =	sor.u32 $0x2, s8  }
0xc3: {  	s23 =	sand.u32 $0xFF, s15;
	s9 =	ssub.s32 @!p0 s12, s9  }
0xc4: {  	_ =	swait.ge [sflag:s28], $0x640;
	s12 =	smul.u32 $0xCD, s23;
	s9 =	sand.u32 @!p0 $0xFF, s9  }
0xc5: {  	[sflag:s28] =	ssyncset.done $0x0;
	s9 =	smul.u32 @!p0 $0x1A0, s9  }
0xc6: {  	[sflag:s28] =	ssyncadd.s32 $0xFFFFF9C0;
	s12 =	sshrl.u32 s12, $0xD  }
0xc7: {  	s23 =	simm.s32 @!p0 $0x4EC0;
	s12 =	smul.u32 $0x28, s12;
	s9 =	sshrl.u32 @!p0 s9, $0x2  }
0xc8: {  	[tilespmem:s23], [sflag:$0x3] =	stream.indirect.gather @!p0 [hbm4b:s14+s7], $0x10, s9, s7, $0xb8;
	[tilespmem:$0x6180] =	vst v63  }
0xc9: {  	s15 =	ssub.s32 s15, s12  }
0xca: {  	s9 =	sand.u32 $0xFF, s15  }
0xcb: {  	s9 =	smul.u32 $0x1A0, s9  }
0xcc: {  	s12 =	sadd.s32 @!p0 $0x6, s8;
	_ =	swait.ge [sflag:s5], $0x640  }
0xcd: {  	s15 =	sand.u32 @!p0 $0xFF, s12;
	[sflag:s5] =	ssyncset.done $0x0;
	s9 =	sshrl.u32 s9, $0x2  }
0xce: {  	s15 =	smul.u32 @!p0 $0xCD, s15;
	[sflag:s5] =	ssyncadd.s32 $0xFFFFF9C0;
	s9 =	sadd.s32 $0x1040, s9  }
0xcf: {  	[spmem:s1] =	stream.indirect.scatter.add.f32 [tilespmem:s29], [sflag:$0x6], $0x10, s9, s30, $0xb8;
	[tilespmem:$0x6180] =	vst v63  }
0xd0: {  	s9 =	sshrl.u32 @!p0 s15, $0xD  }
0xd1: {  	s9 =	smul.u32 @!p0 $0x28, s9  }
0xd2: {  	s15 =	sor.u32 $0x3, s8  }
0xd3: {  	s23 =	sand.u32 $0xFF, s15;
	s9 =	ssub.s32 @!p0 s12, s9  }
0xd4: {  	_ =	swait.ge [sflag:s28], $0x640;
	s12 =	smul.u32 $0xCD, s23;
	s9 =	sand.u32 @!p0 $0xFF, s9  }
0xd5: {  	[sflag:s28] =	ssyncset.done $0x0;
	s9 =	smul.u32 @!p0 $0x1A0, s9  }
0xd6: {  	[sflag:s28] =	ssyncadd.s32 $0xFFFFF9C0;
	s12 =	sshrl.u32 s12, $0xD  }
0xd7: {  	s23 =	simm.s32 @!p0 $0x5500;
	s12 =	smul.u32 $0x28, s12;
	s9 =	sshrl.u32 @!p0 s9, $0x2  }
0xd8: {  	[tilespmem:s23], [sflag:$0x4] =	stream.indirect.gather @!p0 [hbm4b:s14+s7], $0x10, s9, s7, $0xb8;
	[tilespmem:$0x6180] =	vst v63  }
0xd9: {  	s23 =	ssub.s32 s15, s12  }
0xda: {  	s7 =	sand.u32 $0xFF, s23  }
0xdb: {  	s7 =	smul.u32 $0x1A0, s7  }
0xdc: {  	_ =	swait.ge [sflag:s6], $0x640  }
0xdd: {  	[sflag:s6] =	ssyncset.done $0x0;
	s7 =	sshrl.u32 s7, $0x2  }
.Ltmp5:
0xde: {  	[sflag:s6] =	ssyncadd.s32 $0xFFFFF9C0;
	s7 =	sadd.s32 $0x1040, s7;
	(pc) =	sbr.rel @p0 .LBB2_9-.Ltmp5, $4  }
0xdf: {  	[spmem:s1] =	stream.indirect.scatter.add.f32 [tilespmem:s2], [sflag:$0x6], $0x10, s7, s30, $0xb8;
	[tilespmem:$0x6180] =	vst v63  }
0xe0: {  	_ =	swait.ge [sflag:s28], $0x640  }
0xe1: {  	[sflag:s28] =	ssyncset.done $0x0  }
0xe2: {  	[sflag:s28] =	ssyncadd.s32 $0xFFFFF9C0  }
0xe3: {  	s7 =	sadd.s32 $0x7, s8  }
0xe4: {  	s8 =	sand.u32 $0xFF, s7  }
0xe5: {  	s8 =	smul.u32 $0xCD, s8;
	_ =	sdelay $0x1  }
0xe6: {  	s8 =	sshrl.u32 s8, $0xD  }
0xe7: {  	s8 =	smul.u32 $0x28, s8;
	_ =	sdelay $0x1  }
0xe8: {  	s7 =	ssub.s32 s7, s8  }
.Ltmp6:
0xe9: {  	s7 =	sand.u32 $0xFF, s7;
	(pc) =	sbr.rel .LBB2_4-.Ltmp6, $4  }
0xea: {  	s7 =	smul.u32 $0x1A0, s7  }
0xeb: {  	s10 =	sadd.s32 $0x1, s10;
	s24 =	sadd.s32 $0x34, s24  }
0xec: {  	s25 =	sadd.s32 $0x34, s25;
	s8 =	smov.u32 s11;
	s7 =	sshrl.u32 s7, $0x2  }
0xed: {  	[tilespmem:s2], [sflag:$0x5] =	stream.indirect.gather [hbm4b:s14+s30], $0x10, s7, s30, $0xb8;
	[tilespmem:$0x6180] =	vst v63  }
.LBB2_10:
0xee: {  	_ =	sfence.sel $0x180000  }
0xef: {  	[bflag:$0x0] =	sbarrier.arrive $0xFFFF  }
0xf0: {  	_ =	strace $0x9000004A  }
0xf1: {  	s0 =	stileid.u32;
	[bflag:$0x2] =	sbarrier.arrive $0xFFFF  }
0xf2: {  	p0 =	sne.s32 s0, $0x0;
	s0 =	rddreg [dreg:$0x2]  }
0xf3: {  	s0 =	sadd.s32 @!p0 $0x100000, s0  }
0xf4: {  	[sflag:s0] =	ssyncadd.tile.s32 @!p0 $0x1;
	_ =	shalt  }
.Lfunc_end2:
_tile_overlayer_lowered:
.L_overlay_start_2:
0xf5: {  	(tag) =	ssettag $0x2  }
0xf6: {  	s0 =	rddreg [dreg:$0x0];
	s2 =	stileid.u32  }
0xf7: {  	s1 =	rddreg [dreg:$0x1];
	p0 =	sne.s32 s2, $0x0  }
0xf8: {  	s3 =	rddreg [dreg:$0x2];
	[bflag:$0x3] =	sbarrier.arrive $0xFFFF;
	s2 =	simm.s32 @!p0 $0x1C06  }
0xf9: {  	[timem:s3], [sflag:s2] =	dma.local @!p0 [hbm:s0], s1  }
0xfa: {  	s0 =	simm.s32 @!p0 $0x6  }
0xfb: {  	_ =	swait.ge @!p0 [sflag:s0], s1  }
0xfc: {  	s1 =	ssub.s32 @!p0 $0x0, s1;
	[sflag:s0] =	ssyncset.done @!p0 $0x0  }
0xfd: {  	[sflag:s0] =	ssyncadd.s32 @!p0 s1  }
0xfe: {  	[bflag:$0x3] =	sbarrier.arrive $0xFFFF  }
0xff: {  	_ =	shalt  }

</sc_bundles>
